<compile_context>
chip_gen: v7x
topology: tpu7x:2x2x1
jax: 0.10.2.dev20260603
libtpu: 0.0.44.dev20260713+nightly
codegen_flags: <defaults>
</compile_context>

<pallas_src>
import dataclasses
import functools

import numpy as np

import jax
import jax.numpy as jnp
from jax import lax
from jax.experimental import pallas as pl
from jax.experimental.pallas import tpu as pltpu
from jax.experimental.pallas import tpu_sc as plsc

N = 10000
E = 320000
D = 128
NPAD = 10240
NC, NS, L = 2, 16, 16
NW = NC * NS
CW = 125
CH = 80
RPT = NPAD // NS


def _mesh():
    return plsc.VectorSubcoreMesh(core_axis_name="c", subcore_axis_name="s")


def _sc_params(**kw):
    cp = pltpu.CompilerParams(**kw)
    if "needs_layout_passes" in pltpu.CompilerParams.__dataclass_fields__:
        cp = dataclasses.replace(cp, needs_layout_passes=False)
    return cp


HIST_WIN = 16


def _sc_hist(dst2d):

    @functools.partial(
        pl.kernel,
        out_type=jax.ShapeDtypeStruct((NC, NPAD), jnp.float32),
        mesh=_mesh(),
        scratch_types=[
            pltpu.VMEM((CH, CW), jnp.int32),
            pltpu.VMEM((128,), jnp.float32),
            pltpu.VMEM((RPT,), jnp.float32),
            pltpu.VMEM_SHARED((NPAD,), jnp.float32),
            pltpu.SemaphoreType.DMA,
        ],
    )
    def k(dst_hbm, out_hbm, dst_v, ones_v, zv, hist_sh, sem):
        c = lax.axis_index("c")
        s = lax.axis_index("s")
        w = c * NS + s
        pltpu.sync_copy(dst_hbm.at[pl.ds(w * CH, CH)], dst_v)

        @pl.loop(0, 8)
        def _(i):
            ones_v[pl.ds(i * L, L)] = jnp.ones((L,), jnp.float32)

        @pl.loop(0, RPT // L)
        def _(i):
            zv[pl.ds(i * L, L)] = jnp.zeros((L,), jnp.float32)

        pltpu.sync_copy(zv, hist_sh.at[pl.ds(s * RPT, RPT)])
        plsc.subcore_barrier()

        ones_s = ones_v.at[pl.ds(0, CW)]

        @pl.loop(0, CH)
        def _(j):
            pltpu.async_copy(ones_s, hist_sh.at[dst_v.at[j]], sem, add=True)

            @pl.when(j >= HIST_WIN)
            def _():
                pltpu.make_async_copy(
                    ones_s, hist_sh.at[dst_v.at[j - HIST_WIN]], sem).wait()

        @pl.loop(CH - HIST_WIN, CH)
        def _(j):
            pltpu.make_async_copy(ones_s, hist_sh.at[dst_v.at[j]], sem).wait()

        plsc.subcore_barrier()
        pltpu.sync_copy(hist_sh.at[pl.ds(s * RPT, RPT)],
                        out_hbm.at[c, pl.ds(s * RPT, RPT)])

    return k(dst2d)


NQ = 5
QC = CH // NQ


def _sc_msg(y, src2d, dst2d):

    @functools.partial(
        pl.kernel,
        out_type=jax.ShapeDtypeStruct((NC, NPAD, D), jnp.float32),
        mesh=_mesh(),
        scratch_types=[
            pltpu.VMEM((CH, CW), jnp.int32),
            [pltpu.VMEM((QC, CW), jnp.int32)] * 2,
            [pltpu.VMEM((CW, D), jnp.float32)] * 2,
            pltpu.VMEM((16, D), jnp.float32),
            pltpu.VMEM_SHARED((NPAD, D), jnp.float32),
            [pltpu.SemaphoreType.DMA] * 2,
            pltpu.SemaphoreType.DMA,
        ],
    )
    def k(y_hbm, src_hbm, dst_hbm, out_hbm, src_v, dstq, bufs, zb, accum,
          gsems, isem):
        c = lax.axis_index("c")
        s = lax.axis_index("s")
        w = c * NS + s
        base = w * CH

        pltpu.async_copy(src_hbm.at[pl.ds(base, CH)], src_v, isem)
        pltpu.async_copy(dst_hbm.at[pl.ds(base, QC)], dstq[0], isem)

        @pl.loop(0, 16)
        def _(i):
            @pl.loop(0, D // L)
            def _(q):
                zb[i, pl.ds(q * L, L)] = jnp.zeros((L,), jnp.float32)

        @pl.loop(0, RPT // 16)
        def _(r):
            pltpu.async_copy(zb, accum.at[pl.ds(s * RPT + r * 16, 16)],
                             gsems[0])

        @pl.loop(0, RPT // 16)
        def _(r):
            pltpu.make_async_copy(zb, accum.at[pl.ds(s * RPT + r * 16, 16)],
                                  gsems[0]).wait()

        pltpu.make_async_copy(src_hbm.at[pl.ds(base, CH)], src_v,
                              isem).wait()
        pltpu.make_async_copy(dst_hbm.at[pl.ds(base, QC)], dstq[0],
                              isem).wait()
        plsc.subcore_barrier()

        def g_start(i, b):
            pltpu.async_copy(y_hbm.at[src_v.at[i]], bufs[b], gsems[b])

        def g_wait(i, b):
            pltpu.make_async_copy(y_hbm.at[src_v.at[i]], bufs[b],
                                  gsems[b]).wait()

        g_start(0, 0)
        g_start(1, 1)
        for q in range(NQ):
            sl = q % 2
            q0 = q * QC
            if q < NQ - 1:
                pltpu.async_copy(dst_hbm.at[pl.ds(base + q0 + QC, QC)],
                                 dstq[1 - sl], isem)

            @pl.loop(q0, q0 + QC - 2, step=2)
            def _(i):
                for b in range(2):
                    ii = i + b
                    g_wait(ii, b)
                    pltpu.sync_copy(bufs[b],
                                    accum.at[dstq[sl].at[ii - q0]],
                                    add=True)
                    g_start(ii + 2, b)

            for b in range(2):
                ii = q0 + QC - 2 + b
                g_wait(ii, b)
                pltpu.sync_copy(bufs[b], accum.at[dstq[sl].at[ii - q0]],
                                add=True)
                if q < NQ - 1:
                    g_start(ii + 2, b)

            if q < NQ - 1:
                pltpu.make_async_copy(dst_hbm.at[pl.ds(base + q0 + QC, QC)],
                                      dstq[1 - sl], isem).wait()

        plsc.subcore_barrier()
        pltpu.sync_copy(accum.at[pl.ds(s * RPT, RPT)],
                        out_hbm.at[c, pl.ds(s * RPT, RPT)])

    return k(y, src2d, dst2d)


def _tc_mm(x, w, hist_t):

    def body(x_ref, w_ref, h_ref, y_ref, xw_ref):
        deg = h_ref[:, 0:1] + h_ref[:, 1:2] + 1.0
        dis = lax.rsqrt(deg)
        xw = jnp.dot(x_ref[...], w_ref[...],
                     preferred_element_type=jnp.float32,
                     precision=lax.Precision.HIGHEST)
        xw_ref[...] = xw
        y_ref[...] = xw * dis

    blk = 2000
    return pl.pallas_call(
        body,
        grid=(N // blk,),
        in_specs=[pl.BlockSpec((blk, D), lambda i: (i, 0)),
                  pl.BlockSpec((D, D), lambda i: (0, 0)),
                  pl.BlockSpec((blk, NC), lambda i: (i, 0))],
        out_specs=(pl.BlockSpec((blk, D), lambda i: (i, 0)),
                   pl.BlockSpec((blk, D), lambda i: (i, 0))),
        out_shape=(jax.ShapeDtypeStruct((NPAD, D), jnp.float32),
                   jax.ShapeDtypeStruct((NPAD, D), jnp.float32)),
    )(x, w, hist_t)


def _tc_final(partials, hist_t, xw, b2d):
    def body(p_ref, h_ref, xw_ref, b_ref, o_ref):
        deg = h_ref[:, 0:1] + h_ref[:, 1:2] + 1.0
        dis = lax.rsqrt(deg)
        agg = p_ref[0] + p_ref[1]
        o_ref[...] = agg * dis + xw_ref[...] * (dis * dis) + b_ref[...]

    blk = 2000
    return pl.pallas_call(
        body,
        grid=(N // blk,),
        in_specs=[pl.BlockSpec((NC, blk, D), lambda i: (0, i, 0)),
                  pl.BlockSpec((blk, NC), lambda i: (i, 0)),
                  pl.BlockSpec((blk, D), lambda i: (i, 0)),
                  pl.BlockSpec((1, D), lambda i: (0, 0))],
        out_specs=pl.BlockSpec((blk, D), lambda i: (i, 0)),
        out_shape=jax.ShapeDtypeStruct((N, D), jnp.float32),
    )(partials, hist_t, xw, b2d)


def kernel(x, edge_index, W, b):
    src_p = edge_index[0].reshape(NW * CH, CW)
    dst_p = edge_index[1].reshape(NW * CH, CW)

    hist = _sc_hist(dst_p)
    hist_t = hist.T
    y, xw = _tc_mm(x, W, hist_t)
    part = _sc_msg(y, src_p, dst_p)
    return _tc_final(part, hist_t, xw, b.reshape(1, D))

# --- scband reference (transcript-rebuilt; emitter-appended) ---
"""Pipeline reference for scband-gnnlayer-66142496358699 (READ-ONLY COPY).

The authoritative reference and input builder live on the scoring server;
editing this copy changes nothing except your own understanding.
"""

import jax, jax.numpy as jnp
import numpy as np

N = 10000
E = 320000
D_IN = 128
D_OUT = 128


def setup_inputs(seed: int = 0) -> dict:
    key = jax.random.key(seed)
    k1, k2, k3 = jax.random.split(key, 3)
    x = jax.random.normal(k1, (N, D_IN), dtype=jnp.float32)
    edge_index = jax.random.randint(k2, (2, E), 0, N, dtype=jnp.int32)
    # GCNConv learned params: weight [in, out] (glorot-ish), bias [out] (zeros init)
    limit = float(np.sqrt(6.0 / (D_IN + D_OUT)))
    W = jax.random.uniform(k3, (D_IN, D_OUT), dtype=jnp.float32, minval=-limit, maxval=limit)
    b = jnp.zeros((D_OUT,), dtype=jnp.float32)
    return {"x": x, "edge_index": edge_index, "W": W, "b": b}


def reference(x, edge_index, W, b):
    # Faithful PyG GCNConv forward (add_self_loops=True, normalize=True, bias=True):
    #   X' = D^{-1/2} (A + I) D^{-1/2} X W + b
    src = edge_index[0]
    dst = edge_index[1]
    loop = jnp.arange(N, dtype=src.dtype)
    src = jnp.concatenate([src, loop], axis=0)
    dst = jnp.concatenate([dst, loop], axis=0)
    # symmetric normalization by destination-degree (edge weights = 1)
    ones = jnp.ones((E + N,), dtype=jnp.float32)
    deg = jax.ops.segment_sum(ones, dst, num_segments=N)
    deg_inv_sqrt = jnp.where(deg > 0, jax.lax.rsqrt(jnp.maximum(deg, 1e-12)), 0.0)
    norm = deg_inv_sqrt[src] * deg_inv_sqrt[dst]
    # linear transform, then message passing (gather from src, scatter-add to dst)
    xw = x @ W
    msg = jnp.take(xw, src, axis=0) * norm[:, None]
    out = jax.ops.segment_sum(msg, dst, num_segments=N)
    return out + b

if __name__ == "__main__":
    import jax
    _d = setup_inputs()
    print(jax.jit(kernel)(*tuple(_d.values())))

</pallas_src>

<mosaic_0001>
#map = affine_map<(d0, d1) -> (0, 0)>
#map1 = affine_map<(d0, d1) -> (0, 0, 0)>
module attributes {stable_mosaic.version = 14 : i64} {
  func.func @k(%arg0: i32, %arg1: i32, %arg2: memref<10240x128xf32, #tpu.memory_space<hbm>>, %arg3: memref<2560x125xi32, #tpu.memory_space<hbm>>, %arg4: memref<2560x125xi32, #tpu.memory_space<hbm>>, %arg5: memref<2x10240x128xf32, #tpu.memory_space<hbm>>, %arg6: memref<80x125xi32, #tpu.memory_space<vmem>>, %arg7: memref<16x125xi32, #tpu.memory_space<vmem>>, %arg8: memref<16x125xi32, #tpu.memory_space<vmem>>, %arg9: memref<125x128xf32, #tpu.memory_space<vmem>>, %arg10: memref<125x128xf32, #tpu.memory_space<vmem>>, %arg11: memref<16x128xf32, #tpu.memory_space<vmem>>, %arg12: memref<10240x128xf32, #tpu.memory_space<vmem_shared>>, %arg13: memref<!tpu.dma_semaphore, #tpu.memory_space<semaphore_mem>>, %arg14: memref<!tpu.dma_semaphore, #tpu.memory_space<semaphore_mem>>, %arg15: memref<!tpu.dma_semaphore, #tpu.memory_space<semaphore_mem>>) attributes {dimension_semantics = [#tpu.dimension_semantics<core_parallel>, #tpu.dimension_semantics<subcore_parallel>], iteration_bounds = array<i64: 2, 16>, scalar_prefetch = 0 : i64, scratch_operands = 10 : i64, tpu.core_type = #tpu.core_type<sc_vector_subcore>, window_params = [{transform_indices = #map}, {transform_indices = #map}, {transform_indices = #map}, {transform_indices = #map1}]} {
    %mul3A = arith.constant 16 : i32
    %mul3A_0 = arith.muli %arg0, %mul3A : i32
    %add3A = arith.addi %mul3A_0, %arg1 : i32
    %mul3A_1 = arith.constant 80 : i32
    %mul3A_2 = arith.muli %add3A, %mul3A_1 : i32
    %dma_start3A = arith.constant 0 : i32
    %dma_start3A_3 = tpu.memref_slice %arg3[%mul3A_2, %dma_start3A] : memref<2560x125xi32, #tpu.memory_space<hbm>> -> memref<80x125xi32, #tpu.memory_space<hbm>>
    %dma_start3A_4 = arith.constant 0 : i32
    %dma_start3A_5 = tpu.memref_slice %arg3[%mul3A_2, %dma_start3A_4] : memref<2560x125xi32, #tpu.memory_space<hbm>> -> memref<80x125xi32, #tpu.memory_space<hbm>>
    tpu.enqueue_dma source(%dma_start3A_5 : memref<80x125xi32, #tpu.memory_space<hbm>>) target(%arg6 : memref<80x125xi32, #tpu.memory_space<vmem>>) target_semaphore(%arg15 : memref<!tpu.dma_semaphore, #tpu.memory_space<semaphore_mem>>)
    %dma_start3A_6 = arith.constant 0 : i32
    %dma_start3A_7 = tpu.memref_slice %arg4[%mul3A_2, %dma_start3A_6] : memref<2560x125xi32, #tpu.memory_space<hbm>> -> memref<16x125xi32, #tpu.memory_space<hbm>>
    %dma_start3A_8 = arith.constant 0 : i32
    %dma_start3A_9 = tpu.memref_slice %arg4[%mul3A_2, %dma_start3A_8] : memref<2560x125xi32, #tpu.memory_space<hbm>> -> memref<16x125xi32, #tpu.memory_space<hbm>>
    tpu.enqueue_dma source(%dma_start3A_9 : memref<16x125xi32, #tpu.memory_space<hbm>>) target(%arg7 : memref<16x125xi32, #tpu.memory_space<vmem>>) target_semaphore(%arg15 : memref<!tpu.dma_semaphore, #tpu.memory_space<semaphore_mem>>)
    %scan3A = arith.constant 0 : i32
    %scan3A_10 = arith.constant 16 : i32
    %scan3A_11 = arith.addi %scan3A, %scan3A_10 : i32
    %scan3A_12 = arith.constant 1 : i32
    scf.for %scan3A_274 = %scan3A to %scan3A_11 step %scan3A_12  : i32 {
      %mul3A_275 = arith.constant 1 : i32
      %mul3A_276 = arith.muli %scan3A_274, %mul3A_275 : i32
      %add3A_277 = arith.constant 0 : i32
      %add3A_278 = arith.addi %add3A_277, %mul3A_276 : i32
      %scan3A_279 = arith.constant 0 : i32
      %scan3A_280 = arith.constant 8 : i32
      %scan3A_281 = arith.addi %scan3A_279, %scan3A_280 : i32
      %scan3A_282 = arith.constant 1 : i32
      scf.for %scan3A_284 = %scan3A_279 to %scan3A_281 step %scan3A_282  : i32 {
        %mul3A_285 = arith.constant 1 : i32
        %mul3A_286 = arith.muli %scan3A_284, %mul3A_285 : i32
        %add3A_287 = arith.constant 0 : i32
        %add3A_288 = arith.addi %add3A_287, %mul3A_286 : i32
        %broadcast_in_dim3A = arith.constant 0.000000e+00 : f32
        %broadcast_in_dim3A_289 = vector.broadcast %broadcast_in_dim3A : f32 to vector<16xf32>
        %mul3A_290 = arith.constant 16 : i32
        %mul3A_291 = arith.muli %add3A_288, %mul3A_290 : i32
        %swap3A = arith.index_cast %add3A_278 : i32 to index
        %swap3A_292 = arith.index_cast %mul3A_291 : i32 to index
        %swap3A_293 = tpu.vector_load %arg11[%swap3A, %swap3A_292] {strides = array<i32>} : memref<16x128xf32, #tpu.memory_space<vmem>>, vector<1x16xf32>,
        %swap3A_294 = vector.shape_cast %swap3A_293 : vector<1x16xf32> to vector<16xf32>
        %swap3A_295 = vector.shape_cast %broadcast_in_dim3A_289 : vector<16xf32> to vector<1x16xf32>
        tpu.vector_store %arg11[%swap3A, %swap3A_292], %swap3A_295 {strides = array<i32>} : memref<16x128xf32, #tpu.memory_space<vmem>>, vector<1x16xf32>,
      }
      %scan3A_283 = arith.constant 8 : i32
    }
    %scan3A_13 = arith.constant 16 : i32
    %scan3A_14 = arith.constant 0 : i32
    %scan3A_15 = arith.constant 40 : i32
    %scan3A_16 = arith.addi %scan3A_14, %scan3A_15 : i32
    %scan3A_17 = arith.constant 1 : i32
    scf.for %scan3A_274 = %scan3A_14 to %scan3A_16 step %scan3A_17  : i32 {
      %mul3A_275 = arith.constant 1 : i32
      %mul3A_276 = arith.muli %scan3A_274, %mul3A_275 : i32
      %add3A_277 = arith.constant 0 : i32
      %add3A_278 = arith.addi %add3A_277, %mul3A_276 : i32
      %mul3A_279 = arith.constant 640 : i32
      %mul3A_280 = arith.muli %arg1, %mul3A_279 : i32
      %mul3A_281 = arith.constant 16 : i32
      %mul3A_282 = arith.muli %add3A_278, %mul3A_281 : i32
      %add3A_283 = arith.addi %mul3A_280, %mul3A_282 : i32
      %dma_start3A_284 = arith.constant 0 : i32
      %dma_start3A_285 = tpu.memref_slice %arg12[%add3A_283, %dma_start3A_284] : memref<10240x128xf32, #tpu.memory_space<vmem_shared>> -> memref<16x128xf32, #tpu.memory_space<vmem_shared>>
      %dma_start3A_286 = arith.constant 0 : i32
      %dma_start3A_287 = tpu.memref_slice %arg12[%add3A_283, %dma_start3A_286] : memref<10240x128xf32, #tpu.memory_space<vmem_shared>> -> memref<16x128xf32, #tpu.memory_space<vmem_shared>>
      tpu.enqueue_dma source(%arg11 : memref<16x128xf32, #tpu.memory_space<vmem>>) target(%dma_start3A_287 : memref<16x128xf32, #tpu.memory_space<vmem_shared>>) target_semaphore(%arg13 : memref<!tpu.dma_semaphore, #tpu.memory_space<semaphore_mem>>)
    }
    %scan3A_18 = arith.constant 40 : i32
    %scan3A_19 = arith.constant 0 : i32
    %scan3A_20 = arith.constant 40 : i32
    %scan3A_21 = arith.addi %scan3A_19, %scan3A_20 : i32
    %scan3A_22 = arith.constant 1 : i32
    scf.for %scan3A_274 = %scan3A_19 to %scan3A_21 step %scan3A_22  : i32 {
      %mul3A_275 = arith.constant 1 : i32
      %mul3A_276 = arith.muli %scan3A_274, %mul3A_275 : i32
      %add3A_277 = arith.constant 0 : i32
      %add3A_278 = arith.addi %add3A_277, %mul3A_276 : i32
      %mul3A_279 = arith.constant 640 : i32
      %mul3A_280 = arith.muli %arg1, %mul3A_279 : i32
      %mul3A_281 = arith.constant 16 : i32
      %mul3A_282 = arith.muli %add3A_278, %mul3A_281 : i32
      %add3A_283 = arith.addi %mul3A_280, %mul3A_282 : i32
      %dma_wait3A_284 = arith.constant 0 : i32
      %dma_wait3A_285 = tpu.memref_slice %arg12[%add3A_283, %dma_wait3A_284] : memref<10240x128xf32, #tpu.memory_space<vmem_shared>> -> memref<16x128xf32, #tpu.memory_space<vmem_shared>>
      %dma_wait3A_286 = arith.constant 0 : i32
      %dma_wait3A_287 = tpu.memref_slice %arg12[%add3A_283, %dma_wait3A_286] : memref<10240x128xf32, #tpu.memory_space<vmem_shared>> -> memref<16x128xf32, #tpu.memory_space<vmem_shared>>
      tpu.wait_dma2 semaphore(%arg13 : memref<!tpu.dma_semaphore, #tpu.memory_space<semaphore_mem>>) src(%arg11 : memref<16x128xf32, #tpu.memory_space<vmem>>) dst(%dma_wait3A_287 : memref<16x128xf32, #tpu.memory_space<vmem_shared>>)
    }
    %scan3A_23 = arith.constant 40 : i32
    %dma_wait3A = arith.constant 0 : i32
    %dma_wait3A_24 = tpu.memref_slice %arg3[%mul3A_2, %dma_wait3A] : memref<2560x125xi32, #tpu.memory_space<hbm>> -> memref<80x125xi32, #tpu.memory_space<hbm>>
    %dma_wait3A_25 = arith.constant 0 : i32
    %dma_wait3A_26 = tpu.memref_slice %arg3[%mul3A_2, %dma_wait3A_25] : memref<2560x125xi32, #tpu.memory_space<hbm>> -> memref<80x125xi32, #tpu.memory_space<hbm>>
    tpu.wait_dma2 semaphore(%arg15 : memref<!tpu.dma_semaphore, #tpu.memory_space<semaphore_mem>>) src(%dma_wait3A_26 : memref<80x125xi32, #tpu.memory_space<hbm>>) dst(%arg6 : memref<80x125xi32, #tpu.memory_space<vmem>>)
    %dma_wait3A_27 = arith.constant 0 : i32
    %dma_wait3A_28 = tpu.memref_slice %arg4[%mul3A_2, %dma_wait3A_27] : memref<2560x125xi32, #tpu.memory_space<hbm>> -> memref<16x125xi32, #tpu.memory_space<hbm>>
    %dma_wait3A_29 = arith.constant 0 : i32
    %dma_wait3A_30 = tpu.memref_slice %arg4[%mul3A_2, %dma_wait3A_29] : memref<2560x125xi32, #tpu.memory_space<hbm>> -> memref<16x125xi32, #tpu.memory_space<hbm>>
    tpu.wait_dma2 semaphore(%arg15 : memref<!tpu.dma_semaphore, #tpu.memory_space<semaphore_mem>>) src(%dma_wait3A_30 : memref<16x125xi32, #tpu.memory_space<hbm>>) dst(%arg7 : memref<16x125xi32, #tpu.memory_space<vmem>>)
    %barrier3A = arith.constant 0 : index
    tpu.barrier barrier_id(%barrier3A)
    %dma_start3A_31 = arith.constant 0 : i32
    %dma_start3A_32 = arith.constant 0 : i32
    %dma_start3A_33 = tpu.memref_slice %arg6[%dma_start3A_31, %dma_start3A_32] : memref<80x125xi32, #tpu.memory_space<vmem>> -> memref<1x125xi32, #tpu.memory_space<vmem>>
    %dma_start3A_34 = tpu.memref_squeeze %dma_start3A_33 : memref<1x125xi32, #tpu.memory_space<vmem>> -> memref<125xi32, #tpu.memory_space<vmem>>
    %dma_start3A_35 = arith.constant 0 : i32
    %dma_start3A_36 = arith.constant 0 : i32
    %dma_start3A_37 = tpu.memref_slice %arg2[%dma_start3A_35, %dma_start3A_36] : memref<10240x128xf32, #tpu.memory_space<hbm>> -> memref<10240x128xf32, #tpu.memory_space<hbm>>
    tpu.enqueue_indirect_dma source(%dma_start3A_37 : memref<10240x128xf32, #tpu.memory_space<hbm>>) target(%arg9 : memref<125x128xf32, #tpu.memory_space<vmem>>) offsets(%dma_start3A_34 : memref<125xi32, #tpu.memory_space<vmem>>) semaphore(%arg13 : memref<!tpu.dma_semaphore, #tpu.memory_space<semaphore_mem>>)
    %dma_start3A_38 = arith.constant 1 : i32
    %dma_start3A_39 = arith.constant 0 : i32
    %dma_start3A_40 = tpu.memref_slice %arg6[%dma_start3A_38, %dma_start3A_39] : memref<80x125xi32, #tpu.memory_space<vmem>> -> memref<1x125xi32, #tpu.memory_space<vmem>>
    %dma_start3A_41 = tpu.memref_squeeze %dma_start3A_40 : memref<1x125xi32, #tpu.memory_space<vmem>> -> memref<125xi32, #tpu.memory_space<vmem>>
    %dma_start3A_42 = arith.constant 0 : i32
    %dma_start3A_43 = arith.constant 0 : i32
    %dma_start3A_44 = tpu.memref_slice %arg2[%dma_start3A_42, %dma_start3A_43] : memref<10240x128xf32, #tpu.memory_space<hbm>> -> memref<10240x128xf32, #tpu.memory_space<hbm>>
    tpu.enqueue_indirect_dma source(%dma_start3A_44 : memref<10240x128xf32, #tpu.memory_space<hbm>>) target(%arg10 : memref<125x128xf32, #tpu.memory_space<vmem>>) offsets(%dma_start3A_41 : memref<125xi32, #tpu.memory_space<vmem>>) semaphore(%arg14 : memref<!tpu.dma_semaphore, #tpu.memory_space<semaphore_mem>>)
    %add3A_45 = arith.constant 0 : i32
    %add3A_46 = arith.addi %mul3A_2, %add3A_45 : i32
    %add3A_47 = arith.constant 16 : i32
    %add3A_48 = arith.addi %add3A_46, %add3A_47 : i32
    %dma_start3A_49 = arith.constant 0 : i32
    %dma_start3A_50 = tpu.memref_slice %arg4[%add3A_48, %dma_start3A_49] : memref<2560x125xi32, #tpu.memory_space<hbm>> -> memref<16x125xi32, #tpu.memory_space<hbm>>
    %dma_start3A_51 = arith.constant 0 : i32
    %dma_start3A_52 = tpu.memref_slice %arg4[%add3A_48, %dma_start3A_51] : memref<2560x125xi32, #tpu.memory_space<hbm>> -> memref<16x125xi32, #tpu.memory_space<hbm>>
    tpu.enqueue_dma source(%dma_start3A_52 : memref<16x125xi32, #tpu.memory_space<hbm>>) target(%arg8 : memref<16x125xi32, #tpu.memory_space<vmem>>) target_semaphore(%arg15 : memref<!tpu.dma_semaphore, #tpu.memory_space<semaphore_mem>>)
    %scan3A_53 = arith.constant 0 : i32
    %scan3A_54 = arith.constant 7 : i32
    %scan3A_55 = arith.addi %scan3A_53, %scan3A_54 : i32
    %scan3A_56 = arith.constant 1 : i32
    scf.for %scan3A_274 = %scan3A_53 to %scan3A_55 step %scan3A_56  : i32 {
      %mul3A_275 = arith.constant 2 : i32
      %mul3A_276 = arith.muli %scan3A_274, %mul3A_275 : i32
      %add3A_277 = arith.constant 0 : i32
      %add3A_278 = arith.addi %add3A_277, %mul3A_276 : i32
      %add3A_279 = arith.constant 0 : i32
      %add3A_280 = arith.addi %add3A_278, %add3A_279 : i32
      %dma_wait3A_281 = arith.constant 0 : i32
      %dma_wait3A_282 = tpu.memref_slice %arg6[%add3A_280, %dma_wait3A_281] : memref<80x125xi32, #tpu.memory_space<vmem>> -> memref<1x125xi32, #tpu.memory_space<vmem>>
      %dma_wait3A_283 = tpu.memref_squeeze %dma_wait3A_282 : memref<1x125xi32, #tpu.memory_space<vmem>> -> memref<125xi32, #tpu.memory_space<vmem>>
      %dma_wait3A_284 = arith.constant 0 : i32
      %dma_wait3A_285 = arith.constant 0 : i32
      %dma_wait3A_286 = tpu.memref_slice %arg2[%dma_wait3A_284, %dma_wait3A_285] : memref<10240x128xf32, #tpu.memory_space<hbm>> -> memref<10240x128xf32, #tpu.memory_space<hbm>>
      tpu.wait_indirect_dma semaphore(%arg13 : memref<!tpu.dma_semaphore, #tpu.memory_space<semaphore_mem>>) src(%dma_wait3A_286 : memref<10240x128xf32, #tpu.memory_space<hbm>>) dst(%arg9 : memref<125x128xf32, #tpu.memory_space<vmem>>)
      %sub3A = arith.constant 0 : i32
      %sub3A_287 = arith.subi %add3A_280, %sub3A : i32
      "tpu.region"() ({
        %run_scoped3A_314 = tpu.sem_alloc : memref<!tpu.dma_semaphore, #tpu.memory_space<semaphore_mem>>
        %dma_start3A_315 = arith.constant 0 : i32
        %dma_start3A_316 = tpu.memref_slice %arg7[%sub3A_287, %dma_start3A_315] : memref<16x125xi32, #tpu.memory_space<vmem>> -> memref<1x125xi32, #tpu.memory_space<vmem>>
        %dma_start3A_317 = tpu.memref_squeeze %dma_start3A_316 : memref<1x125xi32, #tpu.memory_space<vmem>> -> memref<125xi32, #tpu.memory_space<vmem>>
        %dma_start3A_318 = arith.constant 0 : i32
        %dma_start3A_319 = arith.constant 0 : i32
        %dma_start3A_320 = tpu.memref_slice %arg12[%dma_start3A_318, %dma_start3A_319] : memref<10240x128xf32, #tpu.memory_space<vmem_shared>> -> memref<10240x128xf32, #tpu.memory_space<vmem_shared>>
        tpu.enqueue_indirect_dma source(%arg9 : memref<125x128xf32, #tpu.memory_space<vmem>>) target(%dma_start3A_320 : memref<10240x128xf32, #tpu.memory_space<vmem_shared>>) offsets(%dma_start3A_317 : memref<125xi32, #tpu.memory_space<vmem>>) semaphore(%run_scoped3A_314 : memref<!tpu.dma_semaphore, #tpu.memory_space<semaphore_mem>>) {add = true}
        %dma_wait3A_321 = arith.constant 0 : i32
        %dma_wait3A_322 = tpu.memref_slice %arg7[%sub3A_287, %dma_wait3A_321] : memref<16x125xi32, #tpu.memory_space<vmem>> -> memref<1x125xi32, #tpu.memory_space<vmem>>
        %dma_wait3A_323 = tpu.memref_squeeze %dma_wait3A_322 : memref<1x125xi32, #tpu.memory_space<vmem>> -> memref<125xi32, #tpu.memory_space<vmem>>
        %dma_wait3A_324 = arith.constant 0 : i32
        %dma_wait3A_325 = arith.constant 0 : i32
        %dma_wait3A_326 = tpu.memref_slice %arg12[%dma_wait3A_324, %dma_wait3A_325] : memref<10240x128xf32, #tpu.memory_space<vmem_shared>> -> memref<10240x128xf32, #tpu.memory_space<vmem_shared>>
        tpu.wait_indirect_dma semaphore(%run_scoped3A_314 : memref<!tpu.dma_semaphore, #tpu.memory_space<semaphore_mem>>) src(%arg9 : memref<125x128xf32, #tpu.memory_space<vmem>>) dst(%dma_wait3A_326 : memref<10240x128xf32, #tpu.memory_space<vmem_shared>>)
        tpu.yield
      }) : () -> ()
      %add3A_288 = arith.constant 2 : i32
      %add3A_289 = arith.addi %add3A_280, %add3A_288 : i32
      %dma_start3A_290 = arith.constant 0 : i32
      %dma_start3A_291 = tpu.memref_slice %arg6[%add3A_289, %dma_start3A_290] : memref<80x125xi32, #tpu.memory_space<vmem>> -> memref<1x125xi32, #tpu.memory_space<vmem>>
      %dma_start3A_292 = tpu.memref_squeeze %dma_start3A_291 : memref<1x125xi32, #tpu.memory_space<vmem>> -> memref<125xi32, #tpu.memory_space<vmem>>
      %dma_start3A_293 = arith.constant 0 : i32
      %dma_start3A_294 = arith.constant 0 : i32
      %dma_start3A_295 = tpu.memref_slice %arg2[%dma_start3A_293, %dma_start3A_294] : memref<10240x128xf32, #tpu.memory_space<hbm>> -> memref<10240x128xf32, #tpu.memory_space<hbm>>
      tpu.enqueue_indirect_dma source(%dma_start3A_295 : memref<10240x128xf32, #tpu.memory_space<hbm>>) target(%arg9 : memref<125x128xf32, #tpu.memory_space<vmem>>) offsets(%dma_start3A_292 : memref<125xi32, #tpu.memory_space<vmem>>) semaphore(%arg13 : memref<!tpu.dma_semaphore, #tpu.memory_space<semaphore_mem>>)
      %add3A_296 = arith.constant 1 : i32
      %add3A_297 = arith.addi %add3A_278, %add3A_296 : i32
      %dma_wait3A_298 = arith.constant 0 : i32
      %dma_wait3A_299 = tpu.memref_slice %arg6[%add3A_297, %dma_wait3A_298] : memref<80x125xi32, #tpu.memory_space<vmem>> -> memref<1x125xi32, #tpu.memory_space<vmem>>
      %dma_wait3A_300 = tpu.memref_squeeze %dma_wait3A_299 : memref<1x125xi32, #tpu.memory_space<vmem>> -> memref<125xi32, #tpu.memory_space<vmem>>
      %dma_wait3A_301 = arith.constant 0 : i32
      %dma_wait3A_302 = arith.constant 0 : i32
      %dma_wait3A_303 = tpu.memref_slice %arg2[%dma_wait3A_301, %dma_wait3A_302] : memref<10240x128xf32, #tpu.memory_space<hbm>> -> memref<10240x128xf32, #tpu.memory_space<hbm>>
      tpu.wait_indirect_dma semaphore(%arg14 : memref<!tpu.dma_semaphore, #tpu.memory_space<semaphore_mem>>) src(%dma_wait3A_303 : memref<10240x128xf32, #tpu.memory_space<hbm>>) dst(%arg10 : memref<125x128xf32, #tpu.memory_space<vmem>>)
      %sub3A_304 = arith.constant 0 : i32
      %sub3A_305 = arith.subi %add3A_297, %sub3A_304 : i32
      "tpu.region"() ({
        %run_scoped3A_314 = tpu.sem_alloc : memref<!tpu.dma_semaphore, #tpu.memory_space<semaphore_mem>>
        %dma_start3A_315 = arith.constant 0 : i32
        %dma_start3A_316 = tpu.memref_slice %arg7[%sub3A_305, %dma_start3A_315] : memref<16x125xi32, #tpu.memory_space<vmem>> -> memref<1x125xi32, #tpu.memory_space<vmem>>
        %dma_start3A_317 = tpu.memref_squeeze %dma_start3A_316 : memref<1x125xi32, #tpu.memory_space<vmem>> -> memref<125xi32, #tpu.memory_space<vmem>>
        %dma_start3A_318 = arith.constant 0 : i32
        %dma_start3A_319 = arith.constant 0 : i32
        %dma_start3A_320 = tpu.memref_slice %arg12[%dma_start3A_318, %dma_start3A_319] : memref<10240x128xf32, #tpu.memory_space<vmem_shared>> -> memref<10240x128xf32, #tpu.memory_space<vmem_shared>>
        tpu.enqueue_indirect_dma source(%arg10 : memref<125x128xf32, #tpu.memory_space<vmem>>) target(%dma_start3A_320 : memref<10240x128xf32, #tpu.memory_space<vmem_shared>>) offsets(%dma_start3A_317 : memref<125xi32, #tpu.memory_space<vmem>>) semaphore(%run_scoped3A_314 : memref<!tpu.dma_semaphore, #tpu.memory_space<semaphore_mem>>) {add = true}
        %dma_wait3A_321 = arith.constant 0 : i32
        %dma_wait3A_322 = tpu.memref_slice %arg7[%sub3A_305, %dma_wait3A_321] : memref<16x125xi32, #tpu.memory_space<vmem>> -> memref<1x125xi32, #tpu.memory_space<vmem>>
        %dma_wait3A_323 = tpu.memref_squeeze %dma_wait3A_322 : memref<1x125xi32, #tpu.memory_space<vmem>> -> memref<125xi32, #tpu.memory_space<vmem>>
        %dma_wait3A_324 = arith.constant 0 : i32
        %dma_wait3A_325 = arith.constant 0 : i32
        %dma_wait3A_326 = tpu.memref_slice %arg12[%dma_wait3A_324, %dma_wait3A_325] : memref<10240x128xf32, #tpu.memory_space<vmem_shared>> -> memref<10240x128xf32, #tpu.memory_space<vmem_shared>>
        tpu.wait_indirect_dma semaphore(%run_scoped3A_314 : memref<!tpu.dma_semaphore, #tpu.memory_space<semaphore_mem>>) src(%arg10 : memref<125x128xf32, #tpu.memory_space<vmem>>) dst(%dma_wait3A_326 : memref<10240x128xf32, #tpu.memory_space<vmem_shared>>)
        tpu.yield
      }) : () -> ()
      %add3A_306 = arith.constant 2 : i32
      %add3A_307 = arith.addi %add3A_297, %add3A_306 : i32
      %dma_start3A_308 = arith.constant 0 : i32
      %dma_start3A_309 = tpu.memref_slice %arg6[%add3A_307, %dma_start3A_308] : memref<80x125xi32, #tpu.memory_space<vmem>> -> memref<1x125xi32, #tpu.memory_space<vmem>>
      %dma_start3A_310 = tpu.memref_squeeze %dma_start3A_309 : memref<1x125xi32, #tpu.memory_space<vmem>> -> memref<125xi32, #tpu.memory_space<vmem>>
      %dma_start3A_311 = arith.constant 0 : i32
      %dma_start3A_312 = arith.constant 0 : i32
      %dma_start3A_313 = tpu.memref_slice %arg2[%dma_start3A_311, %dma_start3A_312] : memref<10240x128xf32, #tpu.memory_space<hbm>> -> memref<10240x128xf32, #tpu.memory_space<hbm>>
      tpu.enqueue_indirect_dma source(%dma_start3A_313 : memref<10240x128xf32, #tpu.memory_space<hbm>>) target(%arg10 : memref<125x128xf32, #tpu.memory_space<vmem>>) offsets(%dma_start3A_310 : memref<125xi32, #tpu.memory_space<vmem>>) semaphore(%arg14 : memref<!tpu.dma_semaphore, #tpu.memory_space<semaphore_mem>>)
    }
    %scan3A_57 = arith.constant 7 : i32
    %dma_wait3A_58 = arith.constant 14 : i32
    %dma_wait3A_59 = arith.constant 0 : i32
    %dma_wait3A_60 = tpu.memref_slice %arg6[%dma_wait3A_58, %dma_wait3A_59] : memref<80x125xi32, #tpu.memory_space<vmem>> -> memref<1x125xi32, #tpu.memory_space<vmem>>
    %dma_wait3A_61 = tpu.memref_squeeze %dma_wait3A_60 : memref<1x125xi32, #tpu.memory_space<vmem>> -> memref<125xi32, #tpu.memory_space<vmem>>
    %dma_wait3A_62 = arith.constant 0 : i32
    %dma_wait3A_63 = arith.constant 0 : i32
    %dma_wait3A_64 = tpu.memref_slice %arg2[%dma_wait3A_62, %dma_wait3A_63] : memref<10240x128xf32, #tpu.memory_space<hbm>> -> memref<10240x128xf32, #tpu.memory_space<hbm>>
    tpu.wait_indirect_dma semaphore(%arg13 : memref<!tpu.dma_semaphore, #tpu.memory_space<semaphore_mem>>) src(%dma_wait3A_64 : memref<10240x128xf32, #tpu.memory_space<hbm>>) dst(%arg9 : memref<125x128xf32, #tpu.memory_space<vmem>>)
    %run_scoped3A = arith.constant 14 : i32
    "tpu.region"() ({
      %run_scoped3A_274 = tpu.sem_alloc : memref<!tpu.dma_semaphore, #tpu.memory_space<semaphore_mem>>
      %dma_start3A_275 = arith.constant 0 : i32
      %dma_start3A_276 = tpu.memref_slice %arg7[%run_scoped3A, %dma_start3A_275] : memref<16x125xi32, #tpu.memory_space<vmem>> -> memref<1x125xi32, #tpu.memory_space<vmem>>
      %dma_start3A_277 = tpu.memref_squeeze %dma_start3A_276 : memref<1x125xi32, #tpu.memory_space<vmem>> -> memref<125xi32, #tpu.memory_space<vmem>>
      %dma_start3A_278 = arith.constant 0 : i32
      %dma_start3A_279 = arith.constant 0 : i32
      %dma_start3A_280 = tpu.memref_slice %arg12[%dma_start3A_278, %dma_start3A_279] : memref<10240x128xf32, #tpu.memory_space<vmem_shared>> -> memref<10240x128xf32, #tpu.memory_space<vmem_shared>>
      tpu.enqueue_indirect_dma source(%arg9 : memref<125x128xf32, #tpu.memory_space<vmem>>) target(%dma_start3A_280 : memref<10240x128xf32, #tpu.memory_space<vmem_shared>>) offsets(%dma_start3A_277 : memref<125xi32, #tpu.memory_space<vmem>>) semaphore(%run_scoped3A_274 : memref<!tpu.dma_semaphore, #tpu.memory_space<semaphore_mem>>) {add = true}
      %dma_wait3A_281 = arith.constant 0 : i32
      %dma_wait3A_282 = tpu.memref_slice %arg7[%run_scoped3A, %dma_wait3A_281] : memref<16x125xi32, #tpu.memory_space<vmem>> -> memref<1x125xi32, #tpu.memory_space<vmem>>
      %dma_wait3A_283 = tpu.memref_squeeze %dma_wait3A_282 : memref<1x125xi32, #tpu.memory_space<vmem>> -> memref<125xi32, #tpu.memory_space<vmem>>
      %dma_wait3A_284 = arith.constant 0 : i32
      %dma_wait3A_285 = arith.constant 0 : i32
      %dma_wait3A_286 = tpu.memref_slice %arg12[%dma_wait3A_284, %dma_wait3A_285] : memref<10240x128xf32, #tpu.memory_space<vmem_shared>> -> memref<10240x128xf32, #tpu.memory_space<vmem_shared>>
      tpu.wait_indirect_dma semaphore(%run_scoped3A_274 : memref<!tpu.dma_semaphore, #tpu.memory_space<semaphore_mem>>) src(%arg9 : memref<125x128xf32, #tpu.memory_space<vmem>>) dst(%dma_wait3A_286 : memref<10240x128xf32, #tpu.memory_space<vmem_shared>>)
      tpu.yield
    }) : () -> ()
    %dma_start3A_65 = arith.constant 16 : i32
    %dma_start3A_66 = arith.constant 0 : i32
    %dma_start3A_67 = tpu.memref_slice %arg6[%dma_start3A_65, %dma_start3A_66] : memref<80x125xi32, #tpu.memory_space<vmem>> -> memref<1x125xi32, #tpu.memory_space<vmem>>
    %dma_start3A_68 = tpu.memref_squeeze %dma_start3A_67 : memref<1x125xi32, #tpu.memory_space<vmem>> -> memref<125xi32, #tpu.memory_space<vmem>>
    %dma_start3A_69 = arith.constant 0 : i32
    %dma_start3A_70 = arith.constant 0 : i32
    %dma_start3A_71 = tpu.memref_slice %arg2[%dma_start3A_69, %dma_start3A_70] : memref<10240x128xf32, #tpu.memory_space<hbm>> -> memref<10240x128xf32, #tpu.memory_space<hbm>>
    tpu.enqueue_indirect_dma source(%dma_start3A_71 : memref<10240x128xf32, #tpu.memory_space<hbm>>) target(%arg9 : memref<125x128xf32, #tpu.memory_space<vmem>>) offsets(%dma_start3A_68 : memref<125xi32, #tpu.memory_space<vmem>>) semaphore(%arg13 : memref<!tpu.dma_semaphore, #tpu.memory_space<semaphore_mem>>)
    %dma_wait3A_72 = arith.constant 15 : i32
    %dma_wait3A_73 = arith.constant 0 : i32
    %dma_wait3A_74 = tpu.memref_slice %arg6[%dma_wait3A_72, %dma_wait3A_73] : memref<80x125xi32, #tpu.memory_space<vmem>> -> memref<1x125xi32, #tpu.memory_space<vmem>>
    %dma_wait3A_75 = tpu.memref_squeeze %dma_wait3A_74 : memref<1x125xi32, #tpu.memory_space<vmem>> -> memref<125xi32, #tpu.memory_space<vmem>>
    %dma_wait3A_76 = arith.constant 0 : i32
    %dma_wait3A_77 = arith.constant 0 : i32
    %dma_wait3A_78 = tpu.memref_slice %arg2[%dma_wait3A_76, %dma_wait3A_77] : memref<10240x128xf32, #tpu.memory_space<hbm>> -> memref<10240x128xf32, #tpu.memory_space<hbm>>
    tpu.wait_indirect_dma semaphore(%arg14 : memref<!tpu.dma_semaphore, #tpu.memory_space<semaphore_mem>>) src(%dma_wait3A_78 : memref<10240x128xf32, #tpu.memory_space<hbm>>) dst(%arg10 : memref<125x128xf32, #tpu.memory_space<vmem>>)
    %run_scoped3A_79 = arith.constant 15 : i32
    "tpu.region"() ({
      %run_scoped3A_274 = tpu.sem_alloc : memref<!tpu.dma_semaphore, #tpu.memory_space<semaphore_mem>>
      %dma_start3A_275 = arith.constant 0 : i32
      %dma_start3A_276 = tpu.memref_slice %arg7[%run_scoped3A_79, %dma_start3A_275] : memref<16x125xi32, #tpu.memory_space<vmem>> -> memref<1x125xi32, #tpu.memory_space<vmem>>
      %dma_start3A_277 = tpu.memref_squeeze %dma_start3A_276 : memref<1x125xi32, #tpu.memory_space<vmem>> -> memref<125xi32, #tpu.memory_space<vmem>>
      %dma_start3A_278 = arith.constant 0 : i32
      %dma_start3A_279 = arith.constant 0 : i32
      %dma_start3A_280 = tpu.memref_slice %arg12[%dma_start3A_278, %dma_start3A_279] : memref<10240x128xf32, #tpu.memory_space<vmem_shared>> -> memref<10240x128xf32, #tpu.memory_space<vmem_shared>>
      tpu.enqueue_indirect_dma source(%arg10 : memref<125x128xf32, #tpu.memory_space<vmem>>) target(%dma_start3A_280 : memref<10240x128xf32, #tpu.memory_space<vmem_shared>>) offsets(%dma_start3A_277 : memref<125xi32, #tpu.memory_space<vmem>>) semaphore(%run_scoped3A_274 : memref<!tpu.dma_semaphore, #tpu.memory_space<semaphore_mem>>) {add = true}
      %dma_wait3A_281 = arith.constant 0 : i32
      %dma_wait3A_282 = tpu.memref_slice %arg7[%run_scoped3A_79, %dma_wait3A_281] : memref<16x125xi32, #tpu.memory_space<vmem>> -> memref<1x125xi32, #tpu.memory_space<vmem>>
      %dma_wait3A_283 = tpu.memref_squeeze %dma_wait3A_282 : memref<1x125xi32, #tpu.memory_space<vmem>> -> memref<125xi32, #tpu.memory_space<vmem>>
      %dma_wait3A_284 = arith.constant 0 : i32
      %dma_wait3A_285 = arith.constant 0 : i32
      %dma_wait3A_286 = tpu.memref_slice %arg12[%dma_wait3A_284, %dma_wait3A_285] : memref<10240x128xf32, #tpu.memory_space<vmem_shared>> -> memref<10240x128xf32, #tpu.memory_space<vmem_shared>>
      tpu.wait_indirect_dma semaphore(%run_scoped3A_274 : memref<!tpu.dma_semaphore, #tpu.memory_space<semaphore_mem>>) src(%arg10 : memref<125x128xf32, #tpu.memory_space<vmem>>) dst(%dma_wait3A_286 : memref<10240x128xf32, #tpu.memory_space<vmem_shared>>)
      tpu.yield
    }) : () -> ()
    %dma_start3A_80 = arith.constant 17 : i32
    %dma_start3A_81 = arith.constant 0 : i32
    %dma_start3A_82 = tpu.memref_slice %arg6[%dma_start3A_80, %dma_start3A_81] : memref<80x125xi32, #tpu.memory_space<vmem>> -> memref<1x125xi32, #tpu.memory_space<vmem>>
    %dma_start3A_83 = tpu.memref_squeeze %dma_start3A_82 : memref<1x125xi32, #tpu.memory_space<vmem>> -> memref<125xi32, #tpu.memory_space<vmem>>
    %dma_start3A_84 = arith.constant 0 : i32
    %dma_start3A_85 = arith.constant 0 : i32
    %dma_start3A_86 = tpu.memref_slice %arg2[%dma_start3A_84, %dma_start3A_85] : memref<10240x128xf32, #tpu.memory_space<hbm>> -> memref<10240x128xf32, #tpu.memory_space<hbm>>
    tpu.enqueue_indirect_dma source(%dma_start3A_86 : memref<10240x128xf32, #tpu.memory_space<hbm>>) target(%arg10 : memref<125x128xf32, #tpu.memory_space<vmem>>) offsets(%dma_start3A_83 : memref<125xi32, #tpu.memory_space<vmem>>) semaphore(%arg14 : memref<!tpu.dma_semaphore, #tpu.memory_space<semaphore_mem>>)
    %add3A_87 = arith.constant 0 : i32
    %add3A_88 = arith.addi %mul3A_2, %add3A_87 : i32
    %add3A_89 = arith.constant 16 : i32
    %add3A_90 = arith.addi %add3A_88, %add3A_89 : i32
    %dma_wait3A_91 = arith.constant 0 : i32
    %dma_wait3A_92 = tpu.memref_slice %arg4[%add3A_90, %dma_wait3A_91] : memref<2560x125xi32, #tpu.memory_space<hbm>> -> memref<16x125xi32, #tpu.memory_space<hbm>>
    %dma_wait3A_93 = arith.constant 0 : i32
    %dma_wait3A_94 = tpu.memref_slice %arg4[%add3A_90, %dma_wait3A_93] : memref<2560x125xi32, #tpu.memory_space<hbm>> -> memref<16x125xi32, #tpu.memory_space<hbm>>
    tpu.wait_dma2 semaphore(%arg15 : memref<!tpu.dma_semaphore, #tpu.memory_space<semaphore_mem>>) src(%dma_wait3A_94 : memref<16x125xi32, #tpu.memory_space<hbm>>) dst(%arg8 : memref<16x125xi32, #tpu.memory_space<vmem>>)
    %add3A_95 = arith.constant 16 : i32
    %add3A_96 = arith.addi %mul3A_2, %add3A_95 : i32
    %add3A_97 = arith.constant 16 : i32
    %add3A_98 = arith.addi %add3A_96, %add3A_97 : i32
    %dma_start3A_99 = arith.constant 0 : i32
    %dma_start3A_100 = tpu.memref_slice %arg4[%add3A_98, %dma_start3A_99] : memref<2560x125xi32, #tpu.memory_space<hbm>> -> memref<16x125xi32, #tpu.memory_space<hbm>>
    %dma_start3A_101 = arith.constant 0 : i32
    %dma_start3A_102 = tpu.memref_slice %arg4[%add3A_98, %dma_start3A_101] : memref<2560x125xi32, #tpu.memory_space<hbm>> -> memref<16x125xi32, #tpu.memory_space<hbm>>
    tpu.enqueue_dma source(%dma_start3A_102 : memref<16x125xi32, #tpu.memory_space<hbm>>) target(%arg7 : memref<16x125xi32, #tpu.memory_space<vmem>>) target_semaphore(%arg15 : memref<!tpu.dma_semaphore, #tpu.memory_space<semaphore_mem>>)
    %scan3A_103 = arith.constant 0 : i32
    %scan3A_104 = arith.constant 7 : i32
    %scan3A_105 = arith.addi %scan3A_103, %scan3A_104 : i32
    %scan3A_106 = arith.constant 1 : i32
    scf.for %scan3A_274 = %scan3A_103 to %scan3A_105 step %scan3A_106  : i32 {
      %mul3A_275 = arith.constant 2 : i32
      %mul3A_276 = arith.muli %scan3A_274, %mul3A_275 : i32
      %add3A_277 = arith.constant 16 : i32
      %add3A_278 = arith.addi %add3A_277, %mul3A_276 : i32
      %add3A_279 = arith.constant 0 : i32
      %add3A_280 = arith.addi %add3A_278, %add3A_279 : i32
      %dma_wait3A_281 = arith.constant 0 : i32
      %dma_wait3A_282 = tpu.memref_slice %arg6[%add3A_280, %dma_wait3A_281] : memref<80x125xi32, #tpu.memory_space<vmem>> -> memref<1x125xi32, #tpu.memory_space<vmem>>
      %dma_wait3A_283 = tpu.memref_squeeze %dma_wait3A_282 : memref<1x125xi32, #tpu.memory_space<vmem>> -> memref<125xi32, #tpu.memory_space<vmem>>
      %dma_wait3A_284 = arith.constant 0 : i32
      %dma_wait3A_285 = arith.constant 0 : i32
      %dma_wait3A_286 = tpu.memref_slice %arg2[%dma_wait3A_284, %dma_wait3A_285] : memref<10240x128xf32, #tpu.memory_space<hbm>> -> memref<10240x128xf32, #tpu.memory_space<hbm>>
      tpu.wait_indirect_dma semaphore(%arg13 : memref<!tpu.dma_semaphore, #tpu.memory_space<semaphore_mem>>) src(%dma_wait3A_286 : memref<10240x128xf32, #tpu.memory_space<hbm>>) dst(%arg9 : memref<125x128xf32, #tpu.memory_space<vmem>>)
      %sub3A = arith.constant 16 : i32
      %sub3A_287 = arith.subi %add3A_280, %sub3A : i32
      "tpu.region"() ({
        %run_scoped3A_314 = tpu.sem_alloc : memref<!tpu.dma_semaphore, #tpu.memory_space<semaphore_mem>>
        %dma_start3A_315 = arith.constant 0 : i32
        %dma_start3A_316 = tpu.memref_slice %arg8[%sub3A_287, %dma_start3A_315] : memref<16x125xi32, #tpu.memory_space<vmem>> -> memref<1x125xi32, #tpu.memory_space<vmem>>
        %dma_start3A_317 = tpu.memref_squeeze %dma_start3A_316 : memref<1x125xi32, #tpu.memory_space<vmem>> -> memref<125xi32, #tpu.memory_space<vmem>>
        %dma_start3A_318 = arith.constant 0 : i32
        %dma_start3A_319 = arith.constant 0 : i32
        %dma_start3A_320 = tpu.memref_slice %arg12[%dma_start3A_318, %dma_start3A_319] : memref<10240x128xf32, #tpu.memory_space<vmem_shared>> -> memref<10240x128xf32, #tpu.memory_space<vmem_shared>>
        tpu.enqueue_indirect_dma source(%arg9 : memref<125x128xf32, #tpu.memory_space<vmem>>) target(%dma_start3A_320 : memref<10240x128xf32, #tpu.memory_space<vmem_shared>>) offsets(%dma_start3A_317 : memref<125xi32, #tpu.memory_space<vmem>>) semaphore(%run_scoped3A_314 : memref<!tpu.dma_semaphore, #tpu.memory_space<semaphore_mem>>) {add = true}
        %dma_wait3A_321 = arith.constant 0 : i32
        %dma_wait3A_322 = tpu.memref_slice %arg8[%sub3A_287, %dma_wait3A_321] : memref<16x125xi32, #tpu.memory_space<vmem>> -> memref<1x125xi32, #tpu.memory_space<vmem>>
        %dma_wait3A_323 = tpu.memref_squeeze %dma_wait3A_322 : memref<1x125xi32, #tpu.memory_space<vmem>> -> memref<125xi32, #tpu.memory_space<vmem>>
        %dma_wait3A_324 = arith.constant 0 : i32
        %dma_wait3A_325 = arith.constant 0 : i32
        %dma_wait3A_326 = tpu.memref_slice %arg12[%dma_wait3A_324, %dma_wait3A_325] : memref<10240x128xf32, #tpu.memory_space<vmem_shared>> -> memref<10240x128xf32, #tpu.memory_space<vmem_shared>>
        tpu.wait_indirect_dma semaphore(%run_scoped3A_314 : memref<!tpu.dma_semaphore, #tpu.memory_space<semaphore_mem>>) src(%arg9 : memref<125x128xf32, #tpu.memory_space<vmem>>) dst(%dma_wait3A_326 : memref<10240x128xf32, #tpu.memory_space<vmem_shared>>)
        tpu.yield
      }) : () -> ()
      %add3A_288 = arith.constant 2 : i32
      %add3A_289 = arith.addi %add3A_280, %add3A_288 : i32
      %dma_start3A_290 = arith.constant 0 : i32
      %dma_start3A_291 = tpu.memref_slice %arg6[%add3A_289, %dma_start3A_290] : memref<80x125xi32, #tpu.memory_space<vmem>> -> memref<1x125xi32, #tpu.memory_space<vmem>>
      %dma_start3A_292 = tpu.memref_squeeze %dma_start3A_291 : memref<1x125xi32, #tpu.memory_space<vmem>> -> memref<125xi32, #tpu.memory_space<vmem>>
      %dma_start3A_293 = arith.constant 0 : i32
      %dma_start3A_294 = arith.constant 0 : i32
      %dma_start3A_295 = tpu.memref_slice %arg2[%dma_start3A_293, %dma_start3A_294] : memref<10240x128xf32, #tpu.memory_space<hbm>> -> memref<10240x128xf32, #tpu.memory_space<hbm>>
      tpu.enqueue_indirect_dma source(%dma_start3A_295 : memref<10240x128xf32, #tpu.memory_space<hbm>>) target(%arg9 : memref<125x128xf32, #tpu.memory_space<vmem>>) offsets(%dma_start3A_292 : memref<125xi32, #tpu.memory_space<vmem>>) semaphore(%arg13 : memref<!tpu.dma_semaphore, #tpu.memory_space<semaphore_mem>>)
      %add3A_296 = arith.constant 1 : i32
      %add3A_297 = arith.addi %add3A_278, %add3A_296 : i32
      %dma_wait3A_298 = arith.constant 0 : i32
      %dma_wait3A_299 = tpu.memref_slice %arg6[%add3A_297, %dma_wait3A_298] : memref<80x125xi32, #tpu.memory_space<vmem>> -> memref<1x125xi32, #tpu.memory_space<vmem>>
      %dma_wait3A_300 = tpu.memref_squeeze %dma_wait3A_299 : memref<1x125xi32, #tpu.memory_space<vmem>> -> memref<125xi32, #tpu.memory_space<vmem>>
      %dma_wait3A_301 = arith.constant 0 : i32
      %dma_wait3A_302 = arith.constant 0 : i32
      %dma_wait3A_303 = tpu.memref_slice %arg2[%dma_wait3A_301, %dma_wait3A_302] : memref<10240x128xf32, #tpu.memory_space<hbm>> -> memref<10240x128xf32, #tpu.memory_space<hbm>>
      tpu.wait_indirect_dma semaphore(%arg14 : memref<!tpu.dma_semaphore, #tpu.memory_space<semaphore_mem>>) src(%dma_wait3A_303 : memref<10240x128xf32, #tpu.memory_space<hbm>>) dst(%arg10 : memref<125x128xf32, #tpu.memory_space<vmem>>)
      %sub3A_304 = arith.constant 16 : i32
      %sub3A_305 = arith.subi %add3A_297, %sub3A_304 : i32
      "tpu.region"() ({
        %run_scoped3A_314 = tpu.sem_alloc : memref<!tpu.dma_semaphore, #tpu.memory_space<semaphore_mem>>
        %dma_start3A_315 = arith.constant 0 : i32
        %dma_start3A_316 = tpu.memref_slice %arg8[%sub3A_305, %dma_start3A_315] : memref<16x125xi32, #tpu.memory_space<vmem>> -> memref<1x125xi32, #tpu.memory_space<vmem>>
        %dma_start3A_317 = tpu.memref_squeeze %dma_start3A_316 : memref<1x125xi32, #tpu.memory_space<vmem>> -> memref<125xi32, #tpu.memory_space<vmem>>
        %dma_start3A_318 = arith.constant 0 : i32
        %dma_start3A_319 = arith.constant 0 : i32
        %dma_start3A_320 = tpu.memref_slice %arg12[%dma_start3A_318, %dma_start3A_319] : memref<10240x128xf32, #tpu.memory_space<vmem_shared>> -> memref<10240x128xf32, #tpu.memory_space<vmem_shared>>
        tpu.enqueue_indirect_dma source(%arg10 : memref<125x128xf32, #tpu.memory_space<vmem>>) target(%dma_start3A_320 : memref<10240x128xf32, #tpu.memory_space<vmem_shared>>) offsets(%dma_start3A_317 : memref<125xi32, #tpu.memory_space<vmem>>) semaphore(%run_scoped3A_314 : memref<!tpu.dma_semaphore, #tpu.memory_space<semaphore_mem>>) {add = true}
        %dma_wait3A_321 = arith.constant 0 : i32
        %dma_wait3A_322 = tpu.memref_slice %arg8[%sub3A_305, %dma_wait3A_321] : memref<16x125xi32, #tpu.memory_space<vmem>> -> memref<1x125xi32, #tpu.memory_space<vmem>>
        %dma_wait3A_323 = tpu.memref_squeeze %dma_wait3A_322 : memref<1x125xi32, #tpu.memory_space<vmem>> -> memref<125xi32, #tpu.memory_space<vmem>>
        %dma_wait3A_324 = arith.constant 0 : i32
        %dma_wait3A_325 = arith.constant 0 : i32
        %dma_wait3A_326 = tpu.memref_slice %arg12[%dma_wait3A_324, %dma_wait3A_325] : memref<10240x128xf32, #tpu.memory_space<vmem_shared>> -> memref<10240x128xf32, #tpu.memory_space<vmem_shared>>
        tpu.wait_indirect_dma semaphore(%run_scoped3A_314 : memref<!tpu.dma_semaphore, #tpu.memory_space<semaphore_mem>>) src(%arg10 : memref<125x128xf32, #tpu.memory_space<vmem>>) dst(%dma_wait3A_326 : memref<10240x128xf32, #tpu.memory_space<vmem_shared>>)
        tpu.yield
      }) : () -> ()
      %add3A_306 = arith.constant 2 : i32
      %add3A_307 = arith.addi %add3A_297, %add3A_306 : i32
      %dma_start3A_308 = arith.constant 0 : i32
      %dma_start3A_309 = tpu.memref_slice %arg6[%add3A_307, %dma_start3A_308] : memref<80x125xi32, #tpu.memory_space<vmem>> -> memref<1x125xi32, #tpu.memory_space<vmem>>
      %dma_start3A_310 = tpu.memref_squeeze %dma_start3A_309 : memref<1x125xi32, #tpu.memory_space<vmem>> -> memref<125xi32, #tpu.memory_space<vmem>>
      %dma_start3A_311 = arith.constant 0 : i32
      %dma_start3A_312 = arith.constant 0 : i32
      %dma_start3A_313 = tpu.memref_slice %arg2[%dma_start3A_311, %dma_start3A_312] : memref<10240x128xf32, #tpu.memory_space<hbm>> -> memref<10240x128xf32, #tpu.memory_space<hbm>>
      tpu.enqueue_indirect_dma source(%dma_start3A_313 : memref<10240x128xf32, #tpu.memory_space<hbm>>) target(%arg10 : memref<125x128xf32, #tpu.memory_space<vmem>>) offsets(%dma_start3A_310 : memref<125xi32, #tpu.memory_space<vmem>>) semaphore(%arg14 : memref<!tpu.dma_semaphore, #tpu.memory_space<semaphore_mem>>)
    }
    %scan3A_107 = arith.constant 7 : i32
    %dma_wait3A_108 = arith.constant 30 : i32
    %dma_wait3A_109 = arith.constant 0 : i32
    %dma_wait3A_110 = tpu.memref_slice %arg6[%dma_wait3A_108, %dma_wait3A_109] : memref<80x125xi32, #tpu.memory_space<vmem>> -> memref<1x125xi32, #tpu.memory_space<vmem>>
    %dma_wait3A_111 = tpu.memref_squeeze %dma_wait3A_110 : memref<1x125xi32, #tpu.memory_space<vmem>> -> memref<125xi32, #tpu.memory_space<vmem>>
    %dma_wait3A_112 = arith.constant 0 : i32
    %dma_wait3A_113 = arith.constant 0 : i32
    %dma_wait3A_114 = tpu.memref_slice %arg2[%dma_wait3A_112, %dma_wait3A_113] : memref<10240x128xf32, #tpu.memory_space<hbm>> -> memref<10240x128xf32, #tpu.memory_space<hbm>>
    tpu.wait_indirect_dma semaphore(%arg13 : memref<!tpu.dma_semaphore, #tpu.memory_space<semaphore_mem>>) src(%dma_wait3A_114 : memref<10240x128xf32, #tpu.memory_space<hbm>>) dst(%arg9 : memref<125x128xf32, #tpu.memory_space<vmem>>)
    %run_scoped3A_115 = arith.constant 14 : i32
    "tpu.region"() ({
      %run_scoped3A_274 = tpu.sem_alloc : memref<!tpu.dma_semaphore, #tpu.memory_space<semaphore_mem>>
      %dma_start3A_275 = arith.constant 0 : i32
      %dma_start3A_276 = tpu.memref_slice %arg8[%run_scoped3A_115, %dma_start3A_275] : memref<16x125xi32, #tpu.memory_space<vmem>> -> memref<1x125xi32, #tpu.memory_space<vmem>>
      %dma_start3A_277 = tpu.memref_squeeze %dma_start3A_276 : memref<1x125xi32, #tpu.memory_space<vmem>> -> memref<125xi32, #tpu.memory_space<vmem>>
      %dma_start3A_278 = arith.constant 0 : i32
      %dma_start3A_279 = arith.constant 0 : i32
      %dma_start3A_280 = tpu.memref_slice %arg12[%dma_start3A_278, %dma_start3A_279] : memref<10240x128xf32, #tpu.memory_space<vmem_shared>> -> memref<10240x128xf32, #tpu.memory_space<vmem_shared>>
      tpu.enqueue_indirect_dma source(%arg9 : memref<125x128xf32, #tpu.memory_space<vmem>>) target(%dma_start3A_280 : memref<10240x128xf32, #tpu.memory_space<vmem_shared>>) offsets(%dma_start3A_277 : memref<125xi32, #tpu.memory_space<vmem>>) semaphore(%run_scoped3A_274 : memref<!tpu.dma_semaphore, #tpu.memory_space<semaphore_mem>>) {add = true}
      %dma_wait3A_281 = arith.constant 0 : i32
      %dma_wait3A_282 = tpu.memref_slice %arg8[%run_scoped3A_115, %dma_wait3A_281] : memref<16x125xi32, #tpu.memory_space<vmem>> -> memref<1x125xi32, #tpu.memory_space<vmem>>
      %dma_wait3A_283 = tpu.memref_squeeze %dma_wait3A_282 : memref<1x125xi32, #tpu.memory_space<vmem>> -> memref<125xi32, #tpu.memory_space<vmem>>
      %dma_wait3A_284 = arith.constant 0 : i32
      %dma_wait3A_285 = arith.constant 0 : i32
      %dma_wait3A_286 = tpu.memref_slice %arg12[%dma_wait3A_284, %dma_wait3A_285] : memref<10240x128xf32, #tpu.memory_space<vmem_shared>> -> memref<10240x128xf32, #tpu.memory_space<vmem_shared>>
      tpu.wait_indirect_dma semaphore(%run_scoped3A_274 : memref<!tpu.dma_semaphore, #tpu.memory_space<semaphore_mem>>) src(%arg9 : memref<125x128xf32, #tpu.memory_space<vmem>>) dst(%dma_wait3A_286 : memref<10240x128xf32, #tpu.memory_space<vmem_shared>>)
      tpu.yield
    }) : () -> ()
    %dma_start3A_116 = arith.constant 32 : i32
    %dma_start3A_117 = arith.constant 0 : i32
    %dma_start3A_118 = tpu.memref_slice %arg6[%dma_start3A_116, %dma_start3A_117] : memref<80x125xi32, #tpu.memory_space<vmem>> -> memref<1x125xi32, #tpu.memory_space<vmem>>
    %dma_start3A_119 = tpu.memref_squeeze %dma_start3A_118 : memref<1x125xi32, #tpu.memory_space<vmem>> -> memref<125xi32, #tpu.memory_space<vmem>>
    %dma_start3A_120 = arith.constant 0 : i32
    %dma_start3A_121 = arith.constant 0 : i32
    %dma_start3A_122 = tpu.memref_slice %arg2[%dma_start3A_120, %dma_start3A_121] : memref<10240x128xf32, #tpu.memory_space<hbm>> -> memref<10240x128xf32, #tpu.memory_space<hbm>>
    tpu.enqueue_indirect_dma source(%dma_start3A_122 : memref<10240x128xf32, #tpu.memory_space<hbm>>) target(%arg9 : memref<125x128xf32, #tpu.memory_space<vmem>>) offsets(%dma_start3A_119 : memref<125xi32, #tpu.memory_space<vmem>>) semaphore(%arg13 : memref<!tpu.dma_semaphore, #tpu.memory_space<semaphore_mem>>)
    %dma_wait3A_123 = arith.constant 31 : i32
    %dma_wait3A_124 = arith.constant 0 : i32
    %dma_wait3A_125 = tpu.memref_slice %arg6[%dma_wait3A_123, %dma_wait3A_124] : memref<80x125xi32, #tpu.memory_space<vmem>> -> memref<1x125xi32, #tpu.memory_space<vmem>>
    %dma_wait3A_126 = tpu.memref_squeeze %dma_wait3A_125 : memref<1x125xi32, #tpu.memory_space<vmem>> -> memref<125xi32, #tpu.memory_space<vmem>>
    %dma_wait3A_127 = arith.constant 0 : i32
    %dma_wait3A_128 = arith.constant 0 : i32
    %dma_wait3A_129 = tpu.memref_slice %arg2[%dma_wait3A_127, %dma_wait3A_128] : memref<10240x128xf32, #tpu.memory_space<hbm>> -> memref<10240x128xf32, #tpu.memory_space<hbm>>
    tpu.wait_indirect_dma semaphore(%arg14 : memref<!tpu.dma_semaphore, #tpu.memory_space<semaphore_mem>>) src(%dma_wait3A_129 : memref<10240x128xf32, #tpu.memory_space<hbm>>) dst(%arg10 : memref<125x128xf32, #tpu.memory_space<vmem>>)
    %run_scoped3A_130 = arith.constant 15 : i32
    "tpu.region"() ({
      %run_scoped3A_274 = tpu.sem_alloc : memref<!tpu.dma_semaphore, #tpu.memory_space<semaphore_mem>>
      %dma_start3A_275 = arith.constant 0 : i32
      %dma_start3A_276 = tpu.memref_slice %arg8[%run_scoped3A_130, %dma_start3A_275] : memref<16x125xi32, #tpu.memory_space<vmem>> -> memref<1x125xi32, #tpu.memory_space<vmem>>
      %dma_start3A_277 = tpu.memref_squeeze %dma_start3A_276 : memref<1x125xi32, #tpu.memory_space<vmem>> -> memref<125xi32, #tpu.memory_space<vmem>>
      %dma_start3A_278 = arith.constant 0 : i32
      %dma_start3A_279 = arith.constant 0 : i32
      %dma_start3A_280 = tpu.memref_slice %arg12[%dma_start3A_278, %dma_start3A_279] : memref<10240x128xf32, #tpu.memory_space<vmem_shared>> -> memref<10240x128xf32, #tpu.memory_space<vmem_shared>>
      tpu.enqueue_indirect_dma source(%arg10 : memref<125x128xf32, #tpu.memory_space<vmem>>) target(%dma_start3A_280 : memref<10240x128xf32, #tpu.memory_space<vmem_shared>>) offsets(%dma_start3A_277 : memref<125xi32, #tpu.memory_space<vmem>>) semaphore(%run_scoped3A_274 : memref<!tpu.dma_semaphore, #tpu.memory_space<semaphore_mem>>) {add = true}
      %dma_wait3A_281 = arith.constant 0 : i32
      %dma_wait3A_282 = tpu.memref_slice %arg8[%run_scoped3A_130, %dma_wait3A_281] : memref<16x125xi32, #tpu.memory_space<vmem>> -> memref<1x125xi32, #tpu.memory_space<vmem>>
      %dma_wait3A_283 = tpu.memref_squeeze %dma_wait3A_282 : memref<1x125xi32, #tpu.memory_space<vmem>> -> memref<125xi32, #tpu.memory_space<vmem>>
      %dma_wait3A_284 = arith.constant 0 : i32
      %dma_wait3A_285 = arith.constant 0 : i32
      %dma_wait3A_286 = tpu.memref_slice %arg12[%dma_wait3A_284, %dma_wait3A_285] : memref<10240x128xf32, #tpu.memory_space<vmem_shared>> -> memref<10240x128xf32, #tpu.memory_space<vmem_shared>>
      tpu.wait_indirect_dma semaphore(%run_scoped3A_274 : memref<!tpu.dma_semaphore, #tpu.memory_space<semaphore_mem>>) src(%arg10 : memref<125x128xf32, #tpu.memory_space<vmem>>) dst(%dma_wait3A_286 : memref<10240x128xf32, #tpu.memory_space<vmem_shared>>)
      tpu.yield
    }) : () -> ()
    %dma_start3A_131 = arith.constant 33 : i32
    %dma_start3A_132 = arith.constant 0 : i32
    %dma_start3A_133 = tpu.memref_slice %arg6[%dma_start3A_131, %dma_start3A_132] : memref<80x125xi32, #tpu.memory_space<vmem>> -> memref<1x125xi32, #tpu.memory_space<vmem>>
    %dma_start3A_134 = tpu.memref_squeeze %dma_start3A_133 : memref<1x125xi32, #tpu.memory_space<vmem>> -> memref<125xi32, #tpu.memory_space<vmem>>
    %dma_start3A_135 = arith.constant 0 : i32
    %dma_start3A_136 = arith.constant 0 : i32
    %dma_start3A_137 = tpu.memref_slice %arg2[%dma_start3A_135, %dma_start3A_136] : memref<10240x128xf32, #tpu.memory_space<hbm>> -> memref<10240x128xf32, #tpu.memory_space<hbm>>
    tpu.enqueue_indirect_dma source(%dma_start3A_137 : memref<10240x128xf32, #tpu.memory_space<hbm>>) target(%arg10 : memref<125x128xf32, #tpu.memory_space<vmem>>) offsets(%dma_start3A_134 : memref<125xi32, #tpu.memory_space<vmem>>) semaphore(%arg14 : memref<!tpu.dma_semaphore, #tpu.memory_space<semaphore_mem>>)
    %add3A_138 = arith.constant 16 : i32
    %add3A_139 = arith.addi %mul3A_2, %add3A_138 : i32
    %add3A_140 = arith.constant 16 : i32
    %add3A_141 = arith.addi %add3A_139, %add3A_140 : i32
    %dma_wait3A_142 = arith.constant 0 : i32
    %dma_wait3A_143 = tpu.memref_slice %arg4[%add3A_141, %dma_wait3A_142] : memref<2560x125xi32, #tpu.memory_space<hbm>> -> memref<16x125xi32, #tpu.memory_space<hbm>>
    %dma_wait3A_144 = arith.constant 0 : i32
    %dma_wait3A_145 = tpu.memref_slice %arg4[%add3A_141, %dma_wait3A_144] : memref<2560x125xi32, #tpu.memory_space<hbm>> -> memref<16x125xi32, #tpu.memory_space<hbm>>
    tpu.wait_dma2 semaphore(%arg15 : memref<!tpu.dma_semaphore, #tpu.memory_space<semaphore_mem>>) src(%dma_wait3A_145 : memref<16x125xi32, #tpu.memory_space<hbm>>) dst(%arg7 : memref<16x125xi32, #tpu.memory_space<vmem>>)
    %add3A_146 = arith.constant 32 : i32
    %add3A_147 = arith.addi %mul3A_2, %add3A_146 : i32
    %add3A_148 = arith.constant 16 : i32
    %add3A_149 = arith.addi %add3A_147, %add3A_148 : i32
    %dma_start3A_150 = arith.constant 0 : i32
    %dma_start3A_151 = tpu.memref_slice %arg4[%add3A_149, %dma_start3A_150] : memref<2560x125xi32, #tpu.memory_space<hbm>> -> memref<16x125xi32, #tpu.memory_space<hbm>>
    %dma_start3A_152 = arith.constant 0 : i32
    %dma_start3A_153 = tpu.memref_slice %arg4[%add3A_149, %dma_start3A_152] : memref<2560x125xi32, #tpu.memory_space<hbm>> -> memref<16x125xi32, #tpu.memory_space<hbm>>
    tpu.enqueue_dma source(%dma_start3A_153 : memref<16x125xi32, #tpu.memory_space<hbm>>) target(%arg8 : memref<16x125xi32, #tpu.memory_space<vmem>>) target_semaphore(%arg15 : memref<!tpu.dma_semaphore, #tpu.memory_space<semaphore_mem>>)
    %scan3A_154 = arith.constant 0 : i32
    %scan3A_155 = arith.constant 7 : i32
    %scan3A_156 = arith.addi %scan3A_154, %scan3A_155 : i32
    %scan3A_157 = arith.constant 1 : i32
    scf.for %scan3A_274 = %scan3A_154 to %scan3A_156 step %scan3A_157  : i32 {
      %mul3A_275 = arith.constant 2 : i32
      %mul3A_276 = arith.muli %scan3A_274, %mul3A_275 : i32
      %add3A_277 = arith.constant 32 : i32
      %add3A_278 = arith.addi %add3A_277, %mul3A_276 : i32
      %add3A_279 = arith.constant 0 : i32
      %add3A_280 = arith.addi %add3A_278, %add3A_279 : i32
      %dma_wait3A_281 = arith.constant 0 : i32
      %dma_wait3A_282 = tpu.memref_slice %arg6[%add3A_280, %dma_wait3A_281] : memref<80x125xi32, #tpu.memory_space<vmem>> -> memref<1x125xi32, #tpu.memory_space<vmem>>
      %dma_wait3A_283 = tpu.memref_squeeze %dma_wait3A_282 : memref<1x125xi32, #tpu.memory_space<vmem>> -> memref<125xi32, #tpu.memory_space<vmem>>
      %dma_wait3A_284 = arith.constant 0 : i32
      %dma_wait3A_285 = arith.constant 0 : i32
      %dma_wait3A_286 = tpu.memref_slice %arg2[%dma_wait3A_284, %dma_wait3A_285] : memref<10240x128xf32, #tpu.memory_space<hbm>> -> memref<10240x128xf32, #tpu.memory_space<hbm>>
      tpu.wait_indirect_dma semaphore(%arg13 : memref<!tpu.dma_semaphore, #tpu.memory_space<semaphore_mem>>) src(%dma_wait3A_286 : memref<10240x128xf32, #tpu.memory_space<hbm>>) dst(%arg9 : memref<125x128xf32, #tpu.memory_space<vmem>>)
      %sub3A = arith.constant 32 : i32
      %sub3A_287 = arith.subi %add3A_280, %sub3A : i32
      "tpu.region"() ({
        %run_scoped3A_314 = tpu.sem_alloc : memref<!tpu.dma_semaphore, #tpu.memory_space<semaphore_mem>>
        %dma_start3A_315 = arith.constant 0 : i32
        %dma_start3A_316 = tpu.memref_slice %arg7[%sub3A_287, %dma_start3A_315] : memref<16x125xi32, #tpu.memory_space<vmem>> -> memref<1x125xi32, #tpu.memory_space<vmem>>
        %dma_start3A_317 = tpu.memref_squeeze %dma_start3A_316 : memref<1x125xi32, #tpu.memory_space<vmem>> -> memref<125xi32, #tpu.memory_space<vmem>>
        %dma_start3A_318 = arith.constant 0 : i32
        %dma_start3A_319 = arith.constant 0 : i32
        %dma_start3A_320 = tpu.memref_slice %arg12[%dma_start3A_318, %dma_start3A_319] : memref<10240x128xf32, #tpu.memory_space<vmem_shared>> -> memref<10240x128xf32, #tpu.memory_space<vmem_shared>>
        tpu.enqueue_indirect_dma source(%arg9 : memref<125x128xf32, #tpu.memory_space<vmem>>) target(%dma_start3A_320 : memref<10240x128xf32, #tpu.memory_space<vmem_shared>>) offsets(%dma_start3A_317 : memref<125xi32, #tpu.memory_space<vmem>>) semaphore(%run_scoped3A_314 : memref<!tpu.dma_semaphore, #tpu.memory_space<semaphore_mem>>) {add = true}
        %dma_wait3A_321 = arith.constant 0 : i32
        %dma_wait3A_322 = tpu.memref_slice %arg7[%sub3A_287, %dma_wait3A_321] : memref<16x125xi32, #tpu.memory_space<vmem>> -> memref<1x125xi32, #tpu.memory_space<vmem>>
        %dma_wait3A_323 = tpu.memref_squeeze %dma_wait3A_322 : memref<1x125xi32, #tpu.memory_space<vmem>> -> memref<125xi32, #tpu.memory_space<vmem>>
        %dma_wait3A_324 = arith.constant 0 : i32
        %dma_wait3A_325 = arith.constant 0 : i32
        %dma_wait3A_326 = tpu.memref_slice %arg12[%dma_wait3A_324, %dma_wait3A_325] : memref<10240x128xf32, #tpu.memory_space<vmem_shared>> -> memref<10240x128xf32, #tpu.memory_space<vmem_shared>>
        tpu.wait_indirect_dma semaphore(%run_scoped3A_314 : memref<!tpu.dma_semaphore, #tpu.memory_space<semaphore_mem>>) src(%arg9 : memref<125x128xf32, #tpu.memory_space<vmem>>) dst(%dma_wait3A_326 : memref<10240x128xf32, #tpu.memory_space<vmem_shared>>)
        tpu.yield
      }) : () -> ()
      %add3A_288 = arith.constant 2 : i32
      %add3A_289 = arith.addi %add3A_280, %add3A_288 : i32
      %dma_start3A_290 = arith.constant 0 : i32
      %dma_start3A_291 = tpu.memref_slice %arg6[%add3A_289, %dma_start3A_290] : memref<80x125xi32, #tpu.memory_space<vmem>> -> memref<1x125xi32, #tpu.memory_space<vmem>>
      %dma_start3A_292 = tpu.memref_squeeze %dma_start3A_291 : memref<1x125xi32, #tpu.memory_space<vmem>> -> memref<125xi32, #tpu.memory_space<vmem>>
      %dma_start3A_293 = arith.constant 0 : i32
      %dma_start3A_294 = arith.constant 0 : i32
      %dma_start3A_295 = tpu.memref_slice %arg2[%dma_start3A_293, %dma_start3A_294] : memref<10240x128xf32, #tpu.memory_space<hbm>> -> memref<10240x128xf32, #tpu.memory_space<hbm>>
      tpu.enqueue_indirect_dma source(%dma_start3A_295 : memref<10240x128xf32, #tpu.memory_space<hbm>>) target(%arg9 : memref<125x128xf32, #tpu.memory_space<vmem>>) offsets(%dma_start3A_292 : memref<125xi32, #tpu.memory_space<vmem>>) semaphore(%arg13 : memref<!tpu.dma_semaphore, #tpu.memory_space<semaphore_mem>>)
      %add3A_296 = arith.constant 1 : i32
      %add3A_297 = arith.addi %add3A_278, %add3A_296 : i32
      %dma_wait3A_298 = arith.constant 0 : i32
      %dma_wait3A_299 = tpu.memref_slice %arg6[%add3A_297, %dma_wait3A_298] : memref<80x125xi32, #tpu.memory_space<vmem>> -> memref<1x125xi32, #tpu.memory_space<vmem>>
      %dma_wait3A_300 = tpu.memref_squeeze %dma_wait3A_299 : memref<1x125xi32, #tpu.memory_space<vmem>> -> memref<125xi32, #tpu.memory_space<vmem>>
      %dma_wait3A_301 = arith.constant 0 : i32
      %dma_wait3A_302 = arith.constant 0 : i32
      %dma_wait3A_303 = tpu.memref_slice %arg2[%dma_wait3A_301, %dma_wait3A_302] : memref<10240x128xf32, #tpu.memory_space<hbm>> -> memref<10240x128xf32, #tpu.memory_space<hbm>>
      tpu.wait_indirect_dma semaphore(%arg14 : memref<!tpu.dma_semaphore, #tpu.memory_space<semaphore_mem>>) src(%dma_wait3A_303 : memref<10240x128xf32, #tpu.memory_space<hbm>>) dst(%arg10 : memref<125x128xf32, #tpu.memory_space<vmem>>)
      %sub3A_304 = arith.constant 32 : i32
      %sub3A_305 = arith.subi %add3A_297, %sub3A_304 : i32
      "tpu.region"() ({
        %run_scoped3A_314 = tpu.sem_alloc : memref<!tpu.dma_semaphore, #tpu.memory_space<semaphore_mem>>
        %dma_start3A_315 = arith.constant 0 : i32
        %dma_start3A_316 = tpu.memref_slice %arg7[%sub3A_305, %dma_start3A_315] : memref<16x125xi32, #tpu.memory_space<vmem>> -> memref<1x125xi32, #tpu.memory_space<vmem>>
        %dma_start3A_317 = tpu.memref_squeeze %dma_start3A_316 : memref<1x125xi32, #tpu.memory_space<vmem>> -> memref<125xi32, #tpu.memory_space<vmem>>
        %dma_start3A_318 = arith.constant 0 : i32
        %dma_start3A_319 = arith.constant 0 : i32
        %dma_start3A_320 = tpu.memref_slice %arg12[%dma_start3A_318, %dma_start3A_319] : memref<10240x128xf32, #tpu.memory_space<vmem_shared>> -> memref<10240x128xf32, #tpu.memory_space<vmem_shared>>
        tpu.enqueue_indirect_dma source(%arg10 : memref<125x128xf32, #tpu.memory_space<vmem>>) target(%dma_start3A_320 : memref<10240x128xf32, #tpu.memory_space<vmem_shared>>) offsets(%dma_start3A_317 : memref<125xi32, #tpu.memory_space<vmem>>) semaphore(%run_scoped3A_314 : memref<!tpu.dma_semaphore, #tpu.memory_space<semaphore_mem>>) {add = true}
        %dma_wait3A_321 = arith.constant 0 : i32
        %dma_wait3A_322 = tpu.memref_slice %arg7[%sub3A_305, %dma_wait3A_321] : memref<16x125xi32, #tpu.memory_space<vmem>> -> memref<1x125xi32, #tpu.memory_space<vmem>>
        %dma_wait3A_323 = tpu.memref_squeeze %dma_wait3A_322 : memref<1x125xi32, #tpu.memory_space<vmem>> -> memref<125xi32, #tpu.memory_space<vmem>>
        %dma_wait3A_324 = arith.constant 0 : i32
        %dma_wait3A_325 = arith.constant 0 : i32
        %dma_wait3A_326 = tpu.memref_slice %arg12[%dma_wait3A_324, %dma_wait3A_325] : memref<10240x128xf32, #tpu.memory_space<vmem_shared>> -> memref<10240x128xf32, #tpu.memory_space<vmem_shared>>
        tpu.wait_indirect_dma semaphore(%run_scoped3A_314 : memref<!tpu.dma_semaphore, #tpu.memory_space<semaphore_mem>>) src(%arg10 : memref<125x128xf32, #tpu.memory_space<vmem>>) dst(%dma_wait3A_326 : memref<10240x128xf32, #tpu.memory_space<vmem_shared>>)
        tpu.yield
      }) : () -> ()
      %add3A_306 = arith.constant 2 : i32
      %add3A_307 = arith.addi %add3A_297, %add3A_306 : i32
      %dma_start3A_308 = arith.constant 0 : i32
      %dma_start3A_309 = tpu.memref_slice %arg6[%add3A_307, %dma_start3A_308] : memref<80x125xi32, #tpu.memory_space<vmem>> -> memref<1x125xi32, #tpu.memory_space<vmem>>
      %dma_start3A_310 = tpu.memref_squeeze %dma_start3A_309 : memref<1x125xi32, #tpu.memory_space<vmem>> -> memref<125xi32, #tpu.memory_space<vmem>>
      %dma_start3A_311 = arith.constant 0 : i32
      %dma_start3A_312 = arith.constant 0 : i32
      %dma_start3A_313 = tpu.memref_slice %arg2[%dma_start3A_311, %dma_start3A_312] : memref<10240x128xf32, #tpu.memory_space<hbm>> -> memref<10240x128xf32, #tpu.memory_space<hbm>>
      tpu.enqueue_indirect_dma source(%dma_start3A_313 : memref<10240x128xf32, #tpu.memory_space<hbm>>) target(%arg10 : memref<125x128xf32, #tpu.memory_space<vmem>>) offsets(%dma_start3A_310 : memref<125xi32, #tpu.memory_space<vmem>>) semaphore(%arg14 : memref<!tpu.dma_semaphore, #tpu.memory_space<semaphore_mem>>)
    }
    %scan3A_158 = arith.constant 7 : i32
    %dma_wait3A_159 = arith.constant 46 : i32
    %dma_wait3A_160 = arith.constant 0 : i32
    %dma_wait3A_161 = tpu.memref_slice %arg6[%dma_wait3A_159, %dma_wait3A_160] : memref<80x125xi32, #tpu.memory_space<vmem>> -> memref<1x125xi32, #tpu.memory_space<vmem>>
    %dma_wait3A_162 = tpu.memref_squeeze %dma_wait3A_161 : memref<1x125xi32, #tpu.memory_space<vmem>> -> memref<125xi32, #tpu.memory_space<vmem>>
    %dma_wait3A_163 = arith.constant 0 : i32
    %dma_wait3A_164 = arith.constant 0 : i32
    %dma_wait3A_165 = tpu.memref_slice %arg2[%dma_wait3A_163, %dma_wait3A_164] : memref<10240x128xf32, #tpu.memory_space<hbm>> -> memref<10240x128xf32, #tpu.memory_space<hbm>>
    tpu.wait_indirect_dma semaphore(%arg13 : memref<!tpu.dma_semaphore, #tpu.memory_space<semaphore_mem>>) src(%dma_wait3A_165 : memref<10240x128xf32, #tpu.memory_space<hbm>>) dst(%arg9 : memref<125x128xf32, #tpu.memory_space<vmem>>)
    %run_scoped3A_166 = arith.constant 14 : i32
    "tpu.region"() ({
      %run_scoped3A_274 = tpu.sem_alloc : memref<!tpu.dma_semaphore, #tpu.memory_space<semaphore_mem>>
      %dma_start3A_275 = arith.constant 0 : i32
      %dma_start3A_276 = tpu.memref_slice %arg7[%run_scoped3A_166, %dma_start3A_275] : memref<16x125xi32, #tpu.memory_space<vmem>> -> memref<1x125xi32, #tpu.memory_space<vmem>>
      %dma_start3A_277 = tpu.memref_squeeze %dma_start3A_276 : memref<1x125xi32, #tpu.memory_space<vmem>> -> memref<125xi32, #tpu.memory_space<vmem>>
      %dma_start3A_278 = arith.constant 0 : i32
      %dma_start3A_279 = arith.constant 0 : i32
      %dma_start3A_280 = tpu.memref_slice %arg12[%dma_start3A_278, %dma_start3A_279] : memref<10240x128xf32, #tpu.memory_space<vmem_shared>> -> memref<10240x128xf32, #tpu.memory_space<vmem_shared>>
      tpu.enqueue_indirect_dma source(%arg9 : memref<125x128xf32, #tpu.memory_space<vmem>>) target(%dma_start3A_280 : memref<10240x128xf32, #tpu.memory_space<vmem_shared>>) offsets(%dma_start3A_277 : memref<125xi32, #tpu.memory_space<vmem>>) semaphore(%run_scoped3A_274 : memref<!tpu.dma_semaphore, #tpu.memory_space<semaphore_mem>>) {add = true}
      %dma_wait3A_281 = arith.constant 0 : i32
      %dma_wait3A_282 = tpu.memref_slice %arg7[%run_scoped3A_166, %dma_wait3A_281] : memref<16x125xi32, #tpu.memory_space<vmem>> -> memref<1x125xi32, #tpu.memory_space<vmem>>
      %dma_wait3A_283 = tpu.memref_squeeze %dma_wait3A_282 : memref<1x125xi32, #tpu.memory_space<vmem>> -> memref<125xi32, #tpu.memory_space<vmem>>
      %dma_wait3A_284 = arith.constant 0 : i32
      %dma_wait3A_285 = arith.constant 0 : i32
      %dma_wait3A_286 = tpu.memref_slice %arg12[%dma_wait3A_284, %dma_wait3A_285] : memref<10240x128xf32, #tpu.memory_space<vmem_shared>> -> memref<10240x128xf32, #tpu.memory_space<vmem_shared>>
      tpu.wait_indirect_dma semaphore(%run_scoped3A_274 : memref<!tpu.dma_semaphore, #tpu.memory_space<semaphore_mem>>) src(%arg9 : memref<125x128xf32, #tpu.memory_space<vmem>>) dst(%dma_wait3A_286 : memref<10240x128xf32, #tpu.memory_space<vmem_shared>>)
      tpu.yield
    }) : () -> ()
    %dma_start3A_167 = arith.constant 48 : i32
    %dma_start3A_168 = arith.constant 0 : i32
    %dma_start3A_169 = tpu.memref_slice %arg6[%dma_start3A_167, %dma_start3A_168] : memref<80x125xi32, #tpu.memory_space<vmem>> -> memref<1x125xi32, #tpu.memory_space<vmem>>
    %dma_start3A_170 = tpu.memref_squeeze %dma_start3A_169 : memref<1x125xi32, #tpu.memory_space<vmem>> -> memref<125xi32, #tpu.memory_space<vmem>>
    %dma_start3A_171 = arith.constant 0 : i32
    %dma_start3A_172 = arith.constant 0 : i32
    %dma_start3A_173 = tpu.memref_slice %arg2[%dma_start3A_171, %dma_start3A_172] : memref<10240x128xf32, #tpu.memory_space<hbm>> -> memref<10240x128xf32, #tpu.memory_space<hbm>>
    tpu.enqueue_indirect_dma source(%dma_start3A_173 : memref<10240x128xf32, #tpu.memory_space<hbm>>) target(%arg9 : memref<125x128xf32, #tpu.memory_space<vmem>>) offsets(%dma_start3A_170 : memref<125xi32, #tpu.memory_space<vmem>>) semaphore(%arg13 : memref<!tpu.dma_semaphore, #tpu.memory_space<semaphore_mem>>)
    %dma_wait3A_174 = arith.constant 47 : i32
    %dma_wait3A_175 = arith.constant 0 : i32
    %dma_wait3A_176 = tpu.memref_slice %arg6[%dma_wait3A_174, %dma_wait3A_175] : memref<80x125xi32, #tpu.memory_space<vmem>> -> memref<1x125xi32, #tpu.memory_space<vmem>>
    %dma_wait3A_177 = tpu.memref_squeeze %dma_wait3A_176 : memref<1x125xi32, #tpu.memory_space<vmem>> -> memref<125xi32, #tpu.memory_space<vmem>>
    %dma_wait3A_178 = arith.constant 0 : i32
    %dma_wait3A_179 = arith.constant 0 : i32
    %dma_wait3A_180 = tpu.memref_slice %arg2[%dma_wait3A_178, %dma_wait3A_179] : memref<10240x128xf32, #tpu.memory_space<hbm>> -> memref<10240x128xf32, #tpu.memory_space<hbm>>
    tpu.wait_indirect_dma semaphore(%arg14 : memref<!tpu.dma_semaphore, #tpu.memory_space<semaphore_mem>>) src(%dma_wait3A_180 : memref<10240x128xf32, #tpu.memory_space<hbm>>) dst(%arg10 : memref<125x128xf32, #tpu.memory_space<vmem>>)
    %run_scoped3A_181 = arith.constant 15 : i32
    "tpu.region"() ({
      %run_scoped3A_274 = tpu.sem_alloc : memref<!tpu.dma_semaphore, #tpu.memory_space<semaphore_mem>>
      %dma_start3A_275 = arith.constant 0 : i32
      %dma_start3A_276 = tpu.memref_slice %arg7[%run_scoped3A_181, %dma_start3A_275] : memref<16x125xi32, #tpu.memory_space<vmem>> -> memref<1x125xi32, #tpu.memory_space<vmem>>
      %dma_start3A_277 = tpu.memref_squeeze %dma_start3A_276 : memref<1x125xi32, #tpu.memory_space<vmem>> -> memref<125xi32, #tpu.memory_space<vmem>>
      %dma_start3A_278 = arith.constant 0 : i32
      %dma_start3A_279 = arith.constant 0 : i32
      %dma_start3A_280 = tpu.memref_slice %arg12[%dma_start3A_278, %dma_start3A_279] : memref<10240x128xf32, #tpu.memory_space<vmem_shared>> -> memref<10240x128xf32, #tpu.memory_space<vmem_shared>>
      tpu.enqueue_indirect_dma source(%arg10 : memref<125x128xf32, #tpu.memory_space<vmem>>) target(%dma_start3A_280 : memref<10240x128xf32, #tpu.memory_space<vmem_shared>>) offsets(%dma_start3A_277 : memref<125xi32, #tpu.memory_space<vmem>>) semaphore(%run_scoped3A_274 : memref<!tpu.dma_semaphore, #tpu.memory_space<semaphore_mem>>) {add = true}
      %dma_wait3A_281 = arith.constant 0 : i32
      %dma_wait3A_282 = tpu.memref_slice %arg7[%run_scoped3A_181, %dma_wait3A_281] : memref<16x125xi32, #tpu.memory_space<vmem>> -> memref<1x125xi32, #tpu.memory_space<vmem>>
      %dma_wait3A_283 = tpu.memref_squeeze %dma_wait3A_282 : memref<1x125xi32, #tpu.memory_space<vmem>> -> memref<125xi32, #tpu.memory_space<vmem>>
      %dma_wait3A_284 = arith.constant 0 : i32
      %dma_wait3A_285 = arith.constant 0 : i32
      %dma_wait3A_286 = tpu.memref_slice %arg12[%dma_wait3A_284, %dma_wait3A_285] : memref<10240x128xf32, #tpu.memory_space<vmem_shared>> -> memref<10240x128xf32, #tpu.memory_space<vmem_shared>>
      tpu.wait_indirect_dma semaphore(%run_scoped3A_274 : memref<!tpu.dma_semaphore, #tpu.memory_space<semaphore_mem>>) src(%arg10 : memref<125x128xf32, #tpu.memory_space<vmem>>) dst(%dma_wait3A_286 : memref<10240x128xf32, #tpu.memory_space<vmem_shared>>)
      tpu.yield
    }) : () -> ()
    %dma_start3A_182 = arith.constant 49 : i32
    %dma_start3A_183 = arith.constant 0 : i32
    %dma_start3A_184 = tpu.memref_slice %arg6[%dma_start3A_182, %dma_start3A_183] : memref<80x125xi32, #tpu.memory_space<vmem>> -> memref<1x125xi32, #tpu.memory_space<vmem>>
    %dma_start3A_185 = tpu.memref_squeeze %dma_start3A_184 : memref<1x125xi32, #tpu.memory_space<vmem>> -> memref<125xi32, #tpu.memory_space<vmem>>
    %dma_start3A_186 = arith.constant 0 : i32
    %dma_start3A_187 = arith.constant 0 : i32
    %dma_start3A_188 = tpu.memref_slice %arg2[%dma_start3A_186, %dma_start3A_187] : memref<10240x128xf32, #tpu.memory_space<hbm>> -> memref<10240x128xf32, #tpu.memory_space<hbm>>
    tpu.enqueue_indirect_dma source(%dma_start3A_188 : memref<10240x128xf32, #tpu.memory_space<hbm>>) target(%arg10 : memref<125x128xf32, #tpu.memory_space<vmem>>) offsets(%dma_start3A_185 : memref<125xi32, #tpu.memory_space<vmem>>) semaphore(%arg14 : memref<!tpu.dma_semaphore, #tpu.memory_space<semaphore_mem>>)
    %add3A_189 = arith.constant 32 : i32
    %add3A_190 = arith.addi %mul3A_2, %add3A_189 : i32
    %add3A_191 = arith.constant 16 : i32
    %add3A_192 = arith.addi %add3A_190, %add3A_191 : i32
    %dma_wait3A_193 = arith.constant 0 : i32
    %dma_wait3A_194 = tpu.memref_slice %arg4[%add3A_192, %dma_wait3A_193] : memref<2560x125xi32, #tpu.memory_space<hbm>> -> memref<16x125xi32, #tpu.memory_space<hbm>>
    %dma_wait3A_195 = arith.constant 0 : i32
    %dma_wait3A_196 = tpu.memref_slice %arg4[%add3A_192, %dma_wait3A_195] : memref<2560x125xi32, #tpu.memory_space<hbm>> -> memref<16x125xi32, #tpu.memory_space<hbm>>
    tpu.wait_dma2 semaphore(%arg15 : memref<!tpu.dma_semaphore, #tpu.memory_space<semaphore_mem>>) src(%dma_wait3A_196 : memref<16x125xi32, #tpu.memory_space<hbm>>) dst(%arg8 : memref<16x125xi32, #tpu.memory_space<vmem>>)
    %add3A_197 = arith.constant 48 : i32
    %add3A_198 = arith.addi %mul3A_2, %add3A_197 : i32
    %add3A_199 = arith.constant 16 : i32
    %add3A_200 = arith.addi %add3A_198, %add3A_199 : i32
    %dma_start3A_201 = arith.constant 0 : i32
    %dma_start3A_202 = tpu.memref_slice %arg4[%add3A_200, %dma_start3A_201] : memref<2560x125xi32, #tpu.memory_space<hbm>> -> memref<16x125xi32, #tpu.memory_space<hbm>>
    %dma_start3A_203 = arith.constant 0 : i32
    %dma_start3A_204 = tpu.memref_slice %arg4[%add3A_200, %dma_start3A_203] : memref<2560x125xi32, #tpu.memory_space<hbm>> -> memref<16x125xi32, #tpu.memory_space<hbm>>
    tpu.enqueue_dma source(%dma_start3A_204 : memref<16x125xi32, #tpu.memory_space<hbm>>) target(%arg7 : memref<16x125xi32, #tpu.memory_space<vmem>>) target_semaphore(%arg15 : memref<!tpu.dma_semaphore, #tpu.memory_space<semaphore_mem>>)
    %scan3A_205 = arith.constant 0 : i32
    %scan3A_206 = arith.constant 7 : i32
    %scan3A_207 = arith.addi %scan3A_205, %scan3A_206 : i32
    %scan3A_208 = arith.constant 1 : i32
    scf.for %scan3A_274 = %scan3A_205 to %scan3A_207 step %scan3A_208  : i32 {
      %mul3A_275 = arith.constant 2 : i32
      %mul3A_276 = arith.muli %scan3A_274, %mul3A_275 : i32
      %add3A_277 = arith.constant 48 : i32
      %add3A_278 = arith.addi %add3A_277, %mul3A_276 : i32
      %add3A_279 = arith.constant 0 : i32
      %add3A_280 = arith.addi %add3A_278, %add3A_279 : i32
      %dma_wait3A_281 = arith.constant 0 : i32
      %dma_wait3A_282 = tpu.memref_slice %arg6[%add3A_280, %dma_wait3A_281] : memref<80x125xi32, #tpu.memory_space<vmem>> -> memref<1x125xi32, #tpu.memory_space<vmem>>
      %dma_wait3A_283 = tpu.memref_squeeze %dma_wait3A_282 : memref<1x125xi32, #tpu.memory_space<vmem>> -> memref<125xi32, #tpu.memory_space<vmem>>
      %dma_wait3A_284 = arith.constant 0 : i32
      %dma_wait3A_285 = arith.constant 0 : i32
      %dma_wait3A_286 = tpu.memref_slice %arg2[%dma_wait3A_284, %dma_wait3A_285] : memref<10240x128xf32, #tpu.memory_space<hbm>> -> memref<10240x128xf32, #tpu.memory_space<hbm>>
      tpu.wait_indirect_dma semaphore(%arg13 : memref<!tpu.dma_semaphore, #tpu.memory_space<semaphore_mem>>) src(%dma_wait3A_286 : memref<10240x128xf32, #tpu.memory_space<hbm>>) dst(%arg9 : memref<125x128xf32, #tpu.memory_space<vmem>>)
      %sub3A = arith.constant 48 : i32
      %sub3A_287 = arith.subi %add3A_280, %sub3A : i32
      "tpu.region"() ({
        %run_scoped3A_314 = tpu.sem_alloc : memref<!tpu.dma_semaphore, #tpu.memory_space<semaphore_mem>>
        %dma_start3A_315 = arith.constant 0 : i32
        %dma_start3A_316 = tpu.memref_slice %arg8[%sub3A_287, %dma_start3A_315] : memref<16x125xi32, #tpu.memory_space<vmem>> -> memref<1x125xi32, #tpu.memory_space<vmem>>
        %dma_start3A_317 = tpu.memref_squeeze %dma_start3A_316 : memref<1x125xi32, #tpu.memory_space<vmem>> -> memref<125xi32, #tpu.memory_space<vmem>>
        %dma_start3A_318 = arith.constant 0 : i32
        %dma_start3A_319 = arith.constant 0 : i32
        %dma_start3A_320 = tpu.memref_slice %arg12[%dma_start3A_318, %dma_start3A_319] : memref<10240x128xf32, #tpu.memory_space<vmem_shared>> -> memref<10240x128xf32, #tpu.memory_space<vmem_shared>>
        tpu.enqueue_indirect_dma source(%arg9 : memref<125x128xf32, #tpu.memory_space<vmem>>) target(%dma_start3A_320 : memref<10240x128xf32, #tpu.memory_space<vmem_shared>>) offsets(%dma_start3A_317 : memref<125xi32, #tpu.memory_space<vmem>>) semaphore(%run_scoped3A_314 : memref<!tpu.dma_semaphore, #tpu.memory_space<semaphore_mem>>) {add = true}
        %dma_wait3A_321 = arith.constant 0 : i32
        %dma_wait3A_322 = tpu.memref_slice %arg8[%sub3A_287, %dma_wait3A_321] : memref<16x125xi32, #tpu.memory_space<vmem>> -> memref<1x125xi32, #tpu.memory_space<vmem>>
        %dma_wait3A_323 = tpu.memref_squeeze %dma_wait3A_322 : memref<1x125xi32, #tpu.memory_space<vmem>> -> memref<125xi32, #tpu.memory_space<vmem>>
        %dma_wait3A_324 = arith.constant 0 : i32
        %dma_wait3A_325 = arith.constant 0 : i32
        %dma_wait3A_326 = tpu.memref_slice %arg12[%dma_wait3A_324, %dma_wait3A_325] : memref<10240x128xf32, #tpu.memory_space<vmem_shared>> -> memref<10240x128xf32, #tpu.memory_space<vmem_shared>>
        tpu.wait_indirect_dma semaphore(%run_scoped3A_314 : memref<!tpu.dma_semaphore, #tpu.memory_space<semaphore_mem>>) src(%arg9 : memref<125x128xf32, #tpu.memory_space<vmem>>) dst(%dma_wait3A_326 : memref<10240x128xf32, #tpu.memory_space<vmem_shared>>)
        tpu.yield
      }) : () -> ()
      %add3A_288 = arith.constant 2 : i32
      %add3A_289 = arith.addi %add3A_280, %add3A_288 : i32
      %dma_start3A_290 = arith.constant 0 : i32
      %dma_start3A_291 = tpu.memref_slice %arg6[%add3A_289, %dma_start3A_290] : memref<80x125xi32, #tpu.memory_space<vmem>> -> memref<1x125xi32, #tpu.memory_space<vmem>>
      %dma_start3A_292 = tpu.memref_squeeze %dma_start3A_291 : memref<1x125xi32, #tpu.memory_space<vmem>> -> memref<125xi32, #tpu.memory_space<vmem>>
      %dma_start3A_293 = arith.constant 0 : i32
      %dma_start3A_294 = arith.constant 0 : i32
      %dma_start3A_295 = tpu.memref_slice %arg2[%dma_start3A_293, %dma_start3A_294] : memref<10240x128xf32, #tpu.memory_space<hbm>> -> memref<10240x128xf32, #tpu.memory_space<hbm>>
      tpu.enqueue_indirect_dma source(%dma_start3A_295 : memref<10240x128xf32, #tpu.memory_space<hbm>>) target(%arg9 : memref<125x128xf32, #tpu.memory_space<vmem>>) offsets(%dma_start3A_292 : memref<125xi32, #tpu.memory_space<vmem>>) semaphore(%arg13 : memref<!tpu.dma_semaphore, #tpu.memory_space<semaphore_mem>>)
      %add3A_296 = arith.constant 1 : i32
      %add3A_297 = arith.addi %add3A_278, %add3A_296 : i32
      %dma_wait3A_298 = arith.constant 0 : i32
      %dma_wait3A_299 = tpu.memref_slice %arg6[%add3A_297, %dma_wait3A_298] : memref<80x125xi32, #tpu.memory_space<vmem>> -> memref<1x125xi32, #tpu.memory_space<vmem>>
      %dma_wait3A_300 = tpu.memref_squeeze %dma_wait3A_299 : memref<1x125xi32, #tpu.memory_space<vmem>> -> memref<125xi32, #tpu.memory_space<vmem>>
      %dma_wait3A_301 = arith.constant 0 : i32
      %dma_wait3A_302 = arith.constant 0 : i32
      %dma_wait3A_303 = tpu.memref_slice %arg2[%dma_wait3A_301, %dma_wait3A_302] : memref<10240x128xf32, #tpu.memory_space<hbm>> -> memref<10240x128xf32, #tpu.memory_space<hbm>>
      tpu.wait_indirect_dma semaphore(%arg14 : memref<!tpu.dma_semaphore, #tpu.memory_space<semaphore_mem>>) src(%dma_wait3A_303 : memref<10240x128xf32, #tpu.memory_space<hbm>>) dst(%arg10 : memref<125x128xf32, #tpu.memory_space<vmem>>)
      %sub3A_304 = arith.constant 48 : i32
      %sub3A_305 = arith.subi %add3A_297, %sub3A_304 : i32
      "tpu.region"() ({
        %run_scoped3A_314 = tpu.sem_alloc : memref<!tpu.dma_semaphore, #tpu.memory_space<semaphore_mem>>
        %dma_start3A_315 = arith.constant 0 : i32
        %dma_start3A_316 = tpu.memref_slice %arg8[%sub3A_305, %dma_start3A_315] : memref<16x125xi32, #tpu.memory_space<vmem>> -> memref<1x125xi32, #tpu.memory_space<vmem>>
        %dma_start3A_317 = tpu.memref_squeeze %dma_start3A_316 : memref<1x125xi32, #tpu.memory_space<vmem>> -> memref<125xi32, #tpu.memory_space<vmem>>
        %dma_start3A_318 = arith.constant 0 : i32
        %dma_start3A_319 = arith.constant 0 : i32
        %dma_start3A_320 = tpu.memref_slice %arg12[%dma_start3A_318, %dma_start3A_319] : memref<10240x128xf32, #tpu.memory_space<vmem_shared>> -> memref<10240x128xf32, #tpu.memory_space<vmem_shared>>
        tpu.enqueue_indirect_dma source(%arg10 : memref<125x128xf32, #tpu.memory_space<vmem>>) target(%dma_start3A_320 : memref<10240x128xf32, #tpu.memory_space<vmem_shared>>) offsets(%dma_start3A_317 : memref<125xi32, #tpu.memory_space<vmem>>) semaphore(%run_scoped3A_314 : memref<!tpu.dma_semaphore, #tpu.memory_space<semaphore_mem>>) {add = true}
        %dma_wait3A_321 = arith.constant 0 : i32
        %dma_wait3A_322 = tpu.memref_slice %arg8[%sub3A_305, %dma_wait3A_321] : memref<16x125xi32, #tpu.memory_space<vmem>> -> memref<1x125xi32, #tpu.memory_space<vmem>>
        %dma_wait3A_323 = tpu.memref_squeeze %dma_wait3A_322 : memref<1x125xi32, #tpu.memory_space<vmem>> -> memref<125xi32, #tpu.memory_space<vmem>>
        %dma_wait3A_324 = arith.constant 0 : i32
        %dma_wait3A_325 = arith.constant 0 : i32
        %dma_wait3A_326 = tpu.memref_slice %arg12[%dma_wait3A_324, %dma_wait3A_325] : memref<10240x128xf32, #tpu.memory_space<vmem_shared>> -> memref<10240x128xf32, #tpu.memory_space<vmem_shared>>
        tpu.wait_indirect_dma semaphore(%run_scoped3A_314 : memref<!tpu.dma_semaphore, #tpu.memory_space<semaphore_mem>>) src(%arg10 : memref<125x128xf32, #tpu.memory_space<vmem>>) dst(%dma_wait3A_326 : memref<10240x128xf32, #tpu.memory_space<vmem_shared>>)
        tpu.yield
      }) : () -> ()
      %add3A_306 = arith.constant 2 : i32
      %add3A_307 = arith.addi %add3A_297, %add3A_306 : i32
      %dma_start3A_308 = arith.constant 0 : i32
      %dma_start3A_309 = tpu.memref_slice %arg6[%add3A_307, %dma_start3A_308] : memref<80x125xi32, #tpu.memory_space<vmem>> -> memref<1x125xi32, #tpu.memory_space<vmem>>
      %dma_start3A_310 = tpu.memref_squeeze %dma_start3A_309 : memref<1x125xi32, #tpu.memory_space<vmem>> -> memref<125xi32, #tpu.memory_space<vmem>>
      %dma_start3A_311 = arith.constant 0 : i32
      %dma_start3A_312 = arith.constant 0 : i32
      %dma_start3A_313 = tpu.memref_slice %arg2[%dma_start3A_311, %dma_start3A_312] : memref<10240x128xf32, #tpu.memory_space<hbm>> -> memref<10240x128xf32, #tpu.memory_space<hbm>>
      tpu.enqueue_indirect_dma source(%dma_start3A_313 : memref<10240x128xf32, #tpu.memory_space<hbm>>) target(%arg10 : memref<125x128xf32, #tpu.memory_space<vmem>>) offsets(%dma_start3A_310 : memref<125xi32, #tpu.memory_space<vmem>>) semaphore(%arg14 : memref<!tpu.dma_semaphore, #tpu.memory_space<semaphore_mem>>)
    }
    %scan3A_209 = arith.constant 7 : i32
    %dma_wait3A_210 = arith.constant 62 : i32
    %dma_wait3A_211 = arith.constant 0 : i32
    %dma_wait3A_212 = tpu.memref_slice %arg6[%dma_wait3A_210, %dma_wait3A_211] : memref<80x125xi32, #tpu.memory_space<vmem>> -> memref<1x125xi32, #tpu.memory_space<vmem>>
    %dma_wait3A_213 = tpu.memref_squeeze %dma_wait3A_212 : memref<1x125xi32, #tpu.memory_space<vmem>> -> memref<125xi32, #tpu.memory_space<vmem>>
    %dma_wait3A_214 = arith.constant 0 : i32
    %dma_wait3A_215 = arith.constant 0 : i32
    %dma_wait3A_216 = tpu.memref_slice %arg2[%dma_wait3A_214, %dma_wait3A_215] : memref<10240x128xf32, #tpu.memory_space<hbm>> -> memref<10240x128xf32, #tpu.memory_space<hbm>>
    tpu.wait_indirect_dma semaphore(%arg13 : memref<!tpu.dma_semaphore, #tpu.memory_space<semaphore_mem>>) src(%dma_wait3A_216 : memref<10240x128xf32, #tpu.memory_space<hbm>>) dst(%arg9 : memref<125x128xf32, #tpu.memory_space<vmem>>)
    %run_scoped3A_217 = arith.constant 14 : i32
    "tpu.region"() ({
      %run_scoped3A_274 = tpu.sem_alloc : memref<!tpu.dma_semaphore, #tpu.memory_space<semaphore_mem>>
      %dma_start3A_275 = arith.constant 0 : i32
      %dma_start3A_276 = tpu.memref_slice %arg8[%run_scoped3A_217, %dma_start3A_275] : memref<16x125xi32, #tpu.memory_space<vmem>> -> memref<1x125xi32, #tpu.memory_space<vmem>>
      %dma_start3A_277 = tpu.memref_squeeze %dma_start3A_276 : memref<1x125xi32, #tpu.memory_space<vmem>> -> memref<125xi32, #tpu.memory_space<vmem>>
      %dma_start3A_278 = arith.constant 0 : i32
      %dma_start3A_279 = arith.constant 0 : i32
      %dma_start3A_280 = tpu.memref_slice %arg12[%dma_start3A_278, %dma_start3A_279] : memref<10240x128xf32, #tpu.memory_space<vmem_shared>> -> memref<10240x128xf32, #tpu.memory_space<vmem_shared>>
      tpu.enqueue_indirect_dma source(%arg9 : memref<125x128xf32, #tpu.memory_space<vmem>>) target(%dma_start3A_280 : memref<10240x128xf32, #tpu.memory_space<vmem_shared>>) offsets(%dma_start3A_277 : memref<125xi32, #tpu.memory_space<vmem>>) semaphore(%run_scoped3A_274 : memref<!tpu.dma_semaphore, #tpu.memory_space<semaphore_mem>>) {add = true}
      %dma_wait3A_281 = arith.constant 0 : i32
      %dma_wait3A_282 = tpu.memref_slice %arg8[%run_scoped3A_217, %dma_wait3A_281] : memref<16x125xi32, #tpu.memory_space<vmem>> -> memref<1x125xi32, #tpu.memory_space<vmem>>
      %dma_wait3A_283 = tpu.memref_squeeze %dma_wait3A_282 : memref<1x125xi32, #tpu.memory_space<vmem>> -> memref<125xi32, #tpu.memory_space<vmem>>
      %dma_wait3A_284 = arith.constant 0 : i32
      %dma_wait3A_285 = arith.constant 0 : i32
      %dma_wait3A_286 = tpu.memref_slice %arg12[%dma_wait3A_284, %dma_wait3A_285] : memref<10240x128xf32, #tpu.memory_space<vmem_shared>> -> memref<10240x128xf32, #tpu.memory_space<vmem_shared>>
      tpu.wait_indirect_dma semaphore(%run_scoped3A_274 : memref<!tpu.dma_semaphore, #tpu.memory_space<semaphore_mem>>) src(%arg9 : memref<125x128xf32, #tpu.memory_space<vmem>>) dst(%dma_wait3A_286 : memref<10240x128xf32, #tpu.memory_space<vmem_shared>>)
      tpu.yield
    }) : () -> ()
    %dma_start3A_218 = arith.constant 64 : i32
    %dma_start3A_219 = arith.constant 0 : i32
    %dma_start3A_220 = tpu.memref_slice %arg6[%dma_start3A_218, %dma_start3A_219] : memref<80x125xi32, #tpu.memory_space<vmem>> -> memref<1x125xi32, #tpu.memory_space<vmem>>
    %dma_start3A_221 = tpu.memref_squeeze %dma_start3A_220 : memref<1x125xi32, #tpu.memory_space<vmem>> -> memref<125xi32, #tpu.memory_space<vmem>>
    %dma_start3A_222 = arith.constant 0 : i32
    %dma_start3A_223 = arith.constant 0 : i32
    %dma_start3A_224 = tpu.memref_slice %arg2[%dma_start3A_222, %dma_start3A_223] : memref<10240x128xf32, #tpu.memory_space<hbm>> -> memref<10240x128xf32, #tpu.memory_space<hbm>>
    tpu.enqueue_indirect_dma source(%dma_start3A_224 : memref<10240x128xf32, #tpu.memory_space<hbm>>) target(%arg9 : memref<125x128xf32, #tpu.memory_space<vmem>>) offsets(%dma_start3A_221 : memref<125xi32, #tpu.memory_space<vmem>>) semaphore(%arg13 : memref<!tpu.dma_semaphore, #tpu.memory_space<semaphore_mem>>)
    %dma_wait3A_225 = arith.constant 63 : i32
    %dma_wait3A_226 = arith.constant 0 : i32
    %dma_wait3A_227 = tpu.memref_slice %arg6[%dma_wait3A_225, %dma_wait3A_226] : memref<80x125xi32, #tpu.memory_space<vmem>> -> memref<1x125xi32, #tpu.memory_space<vmem>>
    %dma_wait3A_228 = tpu.memref_squeeze %dma_wait3A_227 : memref<1x125xi32, #tpu.memory_space<vmem>> -> memref<125xi32, #tpu.memory_space<vmem>>
    %dma_wait3A_229 = arith.constant 0 : i32
    %dma_wait3A_230 = arith.constant 0 : i32
    %dma_wait3A_231 = tpu.memref_slice %arg2[%dma_wait3A_229, %dma_wait3A_230] : memref<10240x128xf32, #tpu.memory_space<hbm>> -> memref<10240x128xf32, #tpu.memory_space<hbm>>
    tpu.wait_indirect_dma semaphore(%arg14 : memref<!tpu.dma_semaphore, #tpu.memory_space<semaphore_mem>>) src(%dma_wait3A_231 : memref<10240x128xf32, #tpu.memory_space<hbm>>) dst(%arg10 : memref<125x128xf32, #tpu.memory_space<vmem>>)
    %run_scoped3A_232 = arith.constant 15 : i32
    "tpu.region"() ({
      %run_scoped3A_274 = tpu.sem_alloc : memref<!tpu.dma_semaphore, #tpu.memory_space<semaphore_mem>>
      %dma_start3A_275 = arith.constant 0 : i32
      %dma_start3A_276 = tpu.memref_slice %arg8[%run_scoped3A_232, %dma_start3A_275] : memref<16x125xi32, #tpu.memory_space<vmem>> -> memref<1x125xi32, #tpu.memory_space<vmem>>
      %dma_start3A_277 = tpu.memref_squeeze %dma_start3A_276 : memref<1x125xi32, #tpu.memory_space<vmem>> -> memref<125xi32, #tpu.memory_space<vmem>>
      %dma_start3A_278 = arith.constant 0 : i32
      %dma_start3A_279 = arith.constant 0 : i32
      %dma_start3A_280 = tpu.memref_slice %arg12[%dma_start3A_278, %dma_start3A_279] : memref<10240x128xf32, #tpu.memory_space<vmem_shared>> -> memref<10240x128xf32, #tpu.memory_space<vmem_shared>>
      tpu.enqueue_indirect_dma source(%arg10 : memref<125x128xf32, #tpu.memory_space<vmem>>) target(%dma_start3A_280 : memref<10240x128xf32, #tpu.memory_space<vmem_shared>>) offsets(%dma_start3A_277 : memref<125xi32, #tpu.memory_space<vmem>>) semaphore(%run_scoped3A_274 : memref<!tpu.dma_semaphore, #tpu.memory_space<semaphore_mem>>) {add = true}
      %dma_wait3A_281 = arith.constant 0 : i32
      %dma_wait3A_282 = tpu.memref_slice %arg8[%run_scoped3A_232, %dma_wait3A_281] : memref<16x125xi32, #tpu.memory_space<vmem>> -> memref<1x125xi32, #tpu.memory_space<vmem>>
      %dma_wait3A_283 = tpu.memref_squeeze %dma_wait3A_282 : memref<1x125xi32, #tpu.memory_space<vmem>> -> memref<125xi32, #tpu.memory_space<vmem>>
      %dma_wait3A_284 = arith.constant 0 : i32
      %dma_wait3A_285 = arith.constant 0 : i32
      %dma_wait3A_286 = tpu.memref_slice %arg12[%dma_wait3A_284, %dma_wait3A_285] : memref<10240x128xf32, #tpu.memory_space<vmem_shared>> -> memref<10240x128xf32, #tpu.memory_space<vmem_shared>>
      tpu.wait_indirect_dma semaphore(%run_scoped3A_274 : memref<!tpu.dma_semaphore, #tpu.memory_space<semaphore_mem>>) src(%arg10 : memref<125x128xf32, #tpu.memory_space<vmem>>) dst(%dma_wait3A_286 : memref<10240x128xf32, #tpu.memory_space<vmem_shared>>)
      tpu.yield
    }) : () -> ()
    %dma_start3A_233 = arith.constant 65 : i32
    %dma_start3A_234 = arith.constant 0 : i32
    %dma_start3A_235 = tpu.memref_slice %arg6[%dma_start3A_233, %dma_start3A_234] : memref<80x125xi32, #tpu.memory_space<vmem>> -> memref<1x125xi32, #tpu.memory_space<vmem>>
    %dma_start3A_236 = tpu.memref_squeeze %dma_start3A_235 : memref<1x125xi32, #tpu.memory_space<vmem>> -> memref<125xi32, #tpu.memory_space<vmem>>
    %dma_start3A_237 = arith.constant 0 : i32
    %dma_start3A_238 = arith.constant 0 : i32
    %dma_start3A_239 = tpu.memref_slice %arg2[%dma_start3A_237, %dma_start3A_238] : memref<10240x128xf32, #tpu.memory_space<hbm>> -> memref<10240x128xf32, #tpu.memory_space<hbm>>
    tpu.enqueue_indirect_dma source(%dma_start3A_239 : memref<10240x128xf32, #tpu.memory_space<hbm>>) target(%arg10 : memref<125x128xf32, #tpu.memory_space<vmem>>) offsets(%dma_start3A_236 : memref<125xi32, #tpu.memory_space<vmem>>) semaphore(%arg14 : memref<!tpu.dma_semaphore, #tpu.memory_space<semaphore_mem>>)
    %add3A_240 = arith.constant 48 : i32
    %add3A_241 = arith.addi %mul3A_2, %add3A_240 : i32
    %add3A_242 = arith.constant 16 : i32
    %add3A_243 = arith.addi %add3A_241, %add3A_242 : i32
    %dma_wait3A_244 = arith.constant 0 : i32
    %dma_wait3A_245 = tpu.memref_slice %arg4[%add3A_243, %dma_wait3A_244] : memref<2560x125xi32, #tpu.memory_space<hbm>> -> memref<16x125xi32, #tpu.memory_space<hbm>>
    %dma_wait3A_246 = arith.constant 0 : i32
    %dma_wait3A_247 = tpu.memref_slice %arg4[%add3A_243, %dma_wait3A_246] : memref<2560x125xi32, #tpu.memory_space<hbm>> -> memref<16x125xi32, #tpu.memory_space<hbm>>
    tpu.wait_dma2 semaphore(%arg15 : memref<!tpu.dma_semaphore, #tpu.memory_space<semaphore_mem>>) src(%dma_wait3A_247 : memref<16x125xi32, #tpu.memory_space<hbm>>) dst(%arg7 : memref<16x125xi32, #tpu.memory_space<vmem>>)
    %scan3A_248 = arith.constant 0 : i32
    %scan3A_249 = arith.constant 7 : i32
    %scan3A_250 = arith.addi %scan3A_248, %scan3A_249 : i32
    %scan3A_251 = arith.constant 1 : i32
    scf.for %scan3A_274 = %scan3A_248 to %scan3A_250 step %scan3A_251  : i32 {
      %mul3A_275 = arith.constant 2 : i32
      %mul3A_276 = arith.muli %scan3A_274, %mul3A_275 : i32
      %add3A_277 = arith.constant 64 : i32
      %add3A_278 = arith.addi %add3A_277, %mul3A_276 : i32
      %add3A_279 = arith.constant 0 : i32
      %add3A_280 = arith.addi %add3A_278, %add3A_279 : i32
      %dma_wait3A_281 = arith.constant 0 : i32
      %dma_wait3A_282 = tpu.memref_slice %arg6[%add3A_280, %dma_wait3A_281] : memref<80x125xi32, #tpu.memory_space<vmem>> -> memref<1x125xi32, #tpu.memory_space<vmem>>
      %dma_wait3A_283 = tpu.memref_squeeze %dma_wait3A_282 : memref<1x125xi32, #tpu.memory_space<vmem>> -> memref<125xi32, #tpu.memory_space<vmem>>
      %dma_wait3A_284 = arith.constant 0 : i32
      %dma_wait3A_285 = arith.constant 0 : i32
      %dma_wait3A_286 = tpu.memref_slice %arg2[%dma_wait3A_284, %dma_wait3A_285] : memref<10240x128xf32, #tpu.memory_space<hbm>> -> memref<10240x128xf32, #tpu.memory_space<hbm>>
      tpu.wait_indirect_dma semaphore(%arg13 : memref<!tpu.dma_semaphore, #tpu.memory_space<semaphore_mem>>) src(%dma_wait3A_286 : memref<10240x128xf32, #tpu.memory_space<hbm>>) dst(%arg9 : memref<125x128xf32, #tpu.memory_space<vmem>>)
      %sub3A = arith.constant 64 : i32
      %sub3A_287 = arith.subi %add3A_280, %sub3A : i32
      "tpu.region"() ({
        %run_scoped3A_314 = tpu.sem_alloc : memref<!tpu.dma_semaphore, #tpu.memory_space<semaphore_mem>>
        %dma_start3A_315 = arith.constant 0 : i32
        %dma_start3A_316 = tpu.memref_slice %arg7[%sub3A_287, %dma_start3A_315] : memref<16x125xi32, #tpu.memory_space<vmem>> -> memref<1x125xi32, #tpu.memory_space<vmem>>
        %dma_start3A_317 = tpu.memref_squeeze %dma_start3A_316 : memref<1x125xi32, #tpu.memory_space<vmem>> -> memref<125xi32, #tpu.memory_space<vmem>>
        %dma_start3A_318 = arith.constant 0 : i32
        %dma_start3A_319 = arith.constant 0 : i32
        %dma_start3A_320 = tpu.memref_slice %arg12[%dma_start3A_318, %dma_start3A_319] : memref<10240x128xf32, #tpu.memory_space<vmem_shared>> -> memref<10240x128xf32, #tpu.memory_space<vmem_shared>>
        tpu.enqueue_indirect_dma source(%arg9 : memref<125x128xf32, #tpu.memory_space<vmem>>) target(%dma_start3A_320 : memref<10240x128xf32, #tpu.memory_space<vmem_shared>>) offsets(%dma_start3A_317 : memref<125xi32, #tpu.memory_space<vmem>>) semaphore(%run_scoped3A_314 : memref<!tpu.dma_semaphore, #tpu.memory_space<semaphore_mem>>) {add = true}
        %dma_wait3A_321 = arith.constant 0 : i32
        %dma_wait3A_322 = tpu.memref_slice %arg7[%sub3A_287, %dma_wait3A_321] : memref<16x125xi32, #tpu.memory_space<vmem>> -> memref<1x125xi32, #tpu.memory_space<vmem>>
        %dma_wait3A_323 = tpu.memref_squeeze %dma_wait3A_322 : memref<1x125xi32, #tpu.memory_space<vmem>> -> memref<125xi32, #tpu.memory_space<vmem>>
        %dma_wait3A_324 = arith.constant 0 : i32
        %dma_wait3A_325 = arith.constant 0 : i32
        %dma_wait3A_326 = tpu.memref_slice %arg12[%dma_wait3A_324, %dma_wait3A_325] : memref<10240x128xf32, #tpu.memory_space<vmem_shared>> -> memref<10240x128xf32, #tpu.memory_space<vmem_shared>>
        tpu.wait_indirect_dma semaphore(%run_scoped3A_314 : memref<!tpu.dma_semaphore, #tpu.memory_space<semaphore_mem>>) src(%arg9 : memref<125x128xf32, #tpu.memory_space<vmem>>) dst(%dma_wait3A_326 : memref<10240x128xf32, #tpu.memory_space<vmem_shared>>)
        tpu.yield
      }) : () -> ()
      %add3A_288 = arith.constant 2 : i32
      %add3A_289 = arith.addi %add3A_280, %add3A_288 : i32
      %dma_start3A_290 = arith.constant 0 : i32
      %dma_start3A_291 = tpu.memref_slice %arg6[%add3A_289, %dma_start3A_290] : memref<80x125xi32, #tpu.memory_space<vmem>> -> memref<1x125xi32, #tpu.memory_space<vmem>>
      %dma_start3A_292 = tpu.memref_squeeze %dma_start3A_291 : memref<1x125xi32, #tpu.memory_space<vmem>> -> memref<125xi32, #tpu.memory_space<vmem>>
      %dma_start3A_293 = arith.constant 0 : i32
      %dma_start3A_294 = arith.constant 0 : i32
      %dma_start3A_295 = tpu.memref_slice %arg2[%dma_start3A_293, %dma_start3A_294] : memref<10240x128xf32, #tpu.memory_space<hbm>> -> memref<10240x128xf32, #tpu.memory_space<hbm>>
      tpu.enqueue_indirect_dma source(%dma_start3A_295 : memref<10240x128xf32, #tpu.memory_space<hbm>>) target(%arg9 : memref<125x128xf32, #tpu.memory_space<vmem>>) offsets(%dma_start3A_292 : memref<125xi32, #tpu.memory_space<vmem>>) semaphore(%arg13 : memref<!tpu.dma_semaphore, #tpu.memory_space<semaphore_mem>>)
      %add3A_296 = arith.constant 1 : i32
      %add3A_297 = arith.addi %add3A_278, %add3A_296 : i32
      %dma_wait3A_298 = arith.constant 0 : i32
      %dma_wait3A_299 = tpu.memref_slice %arg6[%add3A_297, %dma_wait3A_298] : memref<80x125xi32, #tpu.memory_space<vmem>> -> memref<1x125xi32, #tpu.memory_space<vmem>>
      %dma_wait3A_300 = tpu.memref_squeeze %dma_wait3A_299 : memref<1x125xi32, #tpu.memory_space<vmem>> -> memref<125xi32, #tpu.memory_space<vmem>>
      %dma_wait3A_301 = arith.constant 0 : i32
      %dma_wait3A_302 = arith.constant 0 : i32
      %dma_wait3A_303 = tpu.memref_slice %arg2[%dma_wait3A_301, %dma_wait3A_302] : memref<10240x128xf32, #tpu.memory_space<hbm>> -> memref<10240x128xf32, #tpu.memory_space<hbm>>
      tpu.wait_indirect_dma semaphore(%arg14 : memref<!tpu.dma_semaphore, #tpu.memory_space<semaphore_mem>>) src(%dma_wait3A_303 : memref<10240x128xf32, #tpu.memory_space<hbm>>) dst(%arg10 : memref<125x128xf32, #tpu.memory_space<vmem>>)
      %sub3A_304 = arith.constant 64 : i32
      %sub3A_305 = arith.subi %add3A_297, %sub3A_304 : i32
      "tpu.region"() ({
        %run_scoped3A_314 = tpu.sem_alloc : memref<!tpu.dma_semaphore, #tpu.memory_space<semaphore_mem>>
        %dma_start3A_315 = arith.constant 0 : i32
        %dma_start3A_316 = tpu.memref_slice %arg7[%sub3A_305, %dma_start3A_315] : memref<16x125xi32, #tpu.memory_space<vmem>> -> memref<1x125xi32, #tpu.memory_space<vmem>>
        %dma_start3A_317 = tpu.memref_squeeze %dma_start3A_316 : memref<1x125xi32, #tpu.memory_space<vmem>> -> memref<125xi32, #tpu.memory_space<vmem>>
        %dma_start3A_318 = arith.constant 0 : i32
        %dma_start3A_319 = arith.constant 0 : i32
        %dma_start3A_320 = tpu.memref_slice %arg12[%dma_start3A_318, %dma_start3A_319] : memref<10240x128xf32, #tpu.memory_space<vmem_shared>> -> memref<10240x128xf32, #tpu.memory_space<vmem_shared>>
        tpu.enqueue_indirect_dma source(%arg10 : memref<125x128xf32, #tpu.memory_space<vmem>>) target(%dma_start3A_320 : memref<10240x128xf32, #tpu.memory_space<vmem_shared>>) offsets(%dma_start3A_317 : memref<125xi32, #tpu.memory_space<vmem>>) semaphore(%run_scoped3A_314 : memref<!tpu.dma_semaphore, #tpu.memory_space<semaphore_mem>>) {add = true}
        %dma_wait3A_321 = arith.constant 0 : i32
        %dma_wait3A_322 = tpu.memref_slice %arg7[%sub3A_305, %dma_wait3A_321] : memref<16x125xi32, #tpu.memory_space<vmem>> -> memref<1x125xi32, #tpu.memory_space<vmem>>
        %dma_wait3A_323 = tpu.memref_squeeze %dma_wait3A_322 : memref<1x125xi32, #tpu.memory_space<vmem>> -> memref<125xi32, #tpu.memory_space<vmem>>
        %dma_wait3A_324 = arith.constant 0 : i32
        %dma_wait3A_325 = arith.constant 0 : i32
        %dma_wait3A_326 = tpu.memref_slice %arg12[%dma_wait3A_324, %dma_wait3A_325] : memref<10240x128xf32, #tpu.memory_space<vmem_shared>> -> memref<10240x128xf32, #tpu.memory_space<vmem_shared>>
        tpu.wait_indirect_dma semaphore(%run_scoped3A_314 : memref<!tpu.dma_semaphore, #tpu.memory_space<semaphore_mem>>) src(%arg10 : memref<125x128xf32, #tpu.memory_space<vmem>>) dst(%dma_wait3A_326 : memref<10240x128xf32, #tpu.memory_space<vmem_shared>>)
        tpu.yield
      }) : () -> ()
      %add3A_306 = arith.constant 2 : i32
      %add3A_307 = arith.addi %add3A_297, %add3A_306 : i32
      %dma_start3A_308 = arith.constant 0 : i32
      %dma_start3A_309 = tpu.memref_slice %arg6[%add3A_307, %dma_start3A_308] : memref<80x125xi32, #tpu.memory_space<vmem>> -> memref<1x125xi32, #tpu.memory_space<vmem>>
      %dma_start3A_310 = tpu.memref_squeeze %dma_start3A_309 : memref<1x125xi32, #tpu.memory_space<vmem>> -> memref<125xi32, #tpu.memory_space<vmem>>
      %dma_start3A_311 = arith.constant 0 : i32
      %dma_start3A_312 = arith.constant 0 : i32
      %dma_start3A_313 = tpu.memref_slice %arg2[%dma_start3A_311, %dma_start3A_312] : memref<10240x128xf32, #tpu.memory_space<hbm>> -> memref<10240x128xf32, #tpu.memory_space<hbm>>
      tpu.enqueue_indirect_dma source(%dma_start3A_313 : memref<10240x128xf32, #tpu.memory_space<hbm>>) target(%arg10 : memref<125x128xf32, #tpu.memory_space<vmem>>) offsets(%dma_start3A_310 : memref<125xi32, #tpu.memory_space<vmem>>) semaphore(%arg14 : memref<!tpu.dma_semaphore, #tpu.memory_space<semaphore_mem>>)
    }
    %scan3A_252 = arith.constant 7 : i32
    %dma_wait3A_253 = arith.constant 78 : i32
    %dma_wait3A_254 = arith.constant 0 : i32
    %dma_wait3A_255 = tpu.memref_slice %arg6[%dma_wait3A_253, %dma_wait3A_254] : memref<80x125xi32, #tpu.memory_space<vmem>> -> memref<1x125xi32, #tpu.memory_space<vmem>>
    %dma_wait3A_256 = tpu.memref_squeeze %dma_wait3A_255 : memref<1x125xi32, #tpu.memory_space<vmem>> -> memref<125xi32, #tpu.memory_space<vmem>>
    %dma_wait3A_257 = arith.constant 0 : i32
    %dma_wait3A_258 = arith.constant 0 : i32
    %dma_wait3A_259 = tpu.memref_slice %arg2[%dma_wait3A_257, %dma_wait3A_258] : memref<10240x128xf32, #tpu.memory_space<hbm>> -> memref<10240x128xf32, #tpu.memory_space<hbm>>
    tpu.wait_indirect_dma semaphore(%arg13 : memref<!tpu.dma_semaphore, #tpu.memory_space<semaphore_mem>>) src(%dma_wait3A_259 : memref<10240x128xf32, #tpu.memory_space<hbm>>) dst(%arg9 : memref<125x128xf32, #tpu.memory_space<vmem>>)
    %run_scoped3A_260 = arith.constant 14 : i32
    "tpu.region"() ({
      %run_scoped3A_274 = tpu.sem_alloc : memref<!tpu.dma_semaphore, #tpu.memory_space<semaphore_mem>>
      %dma_start3A_275 = arith.constant 0 : i32
      %dma_start3A_276 = tpu.memref_slice %arg7[%run_scoped3A_260, %dma_start3A_275] : memref<16x125xi32, #tpu.memory_space<vmem>> -> memref<1x125xi32, #tpu.memory_space<vmem>>
      %dma_start3A_277 = tpu.memref_squeeze %dma_start3A_276 : memref<1x125xi32, #tpu.memory_space<vmem>> -> memref<125xi32, #tpu.memory_space<vmem>>
      %dma_start3A_278 = arith.constant 0 : i32
      %dma_start3A_279 = arith.constant 0 : i32
      %dma_start3A_280 = tpu.memref_slice %arg12[%dma_start3A_278, %dma_start3A_279] : memref<10240x128xf32, #tpu.memory_space<vmem_shared>> -> memref<10240x128xf32, #tpu.memory_space<vmem_shared>>
      tpu.enqueue_indirect_dma source(%arg9 : memref<125x128xf32, #tpu.memory_space<vmem>>) target(%dma_start3A_280 : memref<10240x128xf32, #tpu.memory_space<vmem_shared>>) offsets(%dma_start3A_277 : memref<125xi32, #tpu.memory_space<vmem>>) semaphore(%run_scoped3A_274 : memref<!tpu.dma_semaphore, #tpu.memory_space<semaphore_mem>>) {add = true}
      %dma_wait3A_281 = arith.constant 0 : i32
      %dma_wait3A_282 = tpu.memref_slice %arg7[%run_scoped3A_260, %dma_wait3A_281] : memref<16x125xi32, #tpu.memory_space<vmem>> -> memref<1x125xi32, #tpu.memory_space<vmem>>
      %dma_wait3A_283 = tpu.memref_squeeze %dma_wait3A_282 : memref<1x125xi32, #tpu.memory_space<vmem>> -> memref<125xi32, #tpu.memory_space<vmem>>
      %dma_wait3A_284 = arith.constant 0 : i32
      %dma_wait3A_285 = arith.constant 0 : i32
      %dma_wait3A_286 = tpu.memref_slice %arg12[%dma_wait3A_284, %dma_wait3A_285] : memref<10240x128xf32, #tpu.memory_space<vmem_shared>> -> memref<10240x128xf32, #tpu.memory_space<vmem_shared>>
      tpu.wait_indirect_dma semaphore(%run_scoped3A_274 : memref<!tpu.dma_semaphore, #tpu.memory_space<semaphore_mem>>) src(%arg9 : memref<125x128xf32, #tpu.memory_space<vmem>>) dst(%dma_wait3A_286 : memref<10240x128xf32, #tpu.memory_space<vmem_shared>>)
      tpu.yield
    }) : () -> ()
    %dma_wait3A_261 = arith.constant 79 : i32
    %dma_wait3A_262 = arith.constant 0 : i32
    %dma_wait3A_263 = tpu.memref_slice %arg6[%dma_wait3A_261, %dma_wait3A_262] : memref<80x125xi32, #tpu.memory_space<vmem>> -> memref<1x125xi32, #tpu.memory_space<vmem>>
    %dma_wait3A_264 = tpu.memref_squeeze %dma_wait3A_263 : memref<1x125xi32, #tpu.memory_space<vmem>> -> memref<125xi32, #tpu.memory_space<vmem>>
    %dma_wait3A_265 = arith.constant 0 : i32
    %dma_wait3A_266 = arith.constant 0 : i32
    %dma_wait3A_267 = tpu.memref_slice %arg2[%dma_wait3A_265, %dma_wait3A_266] : memref<10240x128xf32, #tpu.memory_space<hbm>> -> memref<10240x128xf32, #tpu.memory_space<hbm>>
    tpu.wait_indirect_dma semaphore(%arg14 : memref<!tpu.dma_semaphore, #tpu.memory_space<semaphore_mem>>) src(%dma_wait3A_267 : memref<10240x128xf32, #tpu.memory_space<hbm>>) dst(%arg10 : memref<125x128xf32, #tpu.memory_space<vmem>>)
    %run_scoped3A_268 = arith.constant 15 : i32
    "tpu.region"() ({
      %run_scoped3A_274 = tpu.sem_alloc : memref<!tpu.dma_semaphore, #tpu.memory_space<semaphore_mem>>
      %dma_start3A_275 = arith.constant 0 : i32
      %dma_start3A_276 = tpu.memref_slice %arg7[%run_scoped3A_268, %dma_start3A_275] : memref<16x125xi32, #tpu.memory_space<vmem>> -> memref<1x125xi32, #tpu.memory_space<vmem>>
      %dma_start3A_277 = tpu.memref_squeeze %dma_start3A_276 : memref<1x125xi32, #tpu.memory_space<vmem>> -> memref<125xi32, #tpu.memory_space<vmem>>
      %dma_start3A_278 = arith.constant 0 : i32
      %dma_start3A_279 = arith.constant 0 : i32
      %dma_start3A_280 = tpu.memref_slice %arg12[%dma_start3A_278, %dma_start3A_279] : memref<10240x128xf32, #tpu.memory_space<vmem_shared>> -> memref<10240x128xf32, #tpu.memory_space<vmem_shared>>
      tpu.enqueue_indirect_dma source(%arg10 : memref<125x128xf32, #tpu.memory_space<vmem>>) target(%dma_start3A_280 : memref<10240x128xf32, #tpu.memory_space<vmem_shared>>) offsets(%dma_start3A_277 : memref<125xi32, #tpu.memory_space<vmem>>) semaphore(%run_scoped3A_274 : memref<!tpu.dma_semaphore, #tpu.memory_space<semaphore_mem>>) {add = true}
      %dma_wait3A_281 = arith.constant 0 : i32
      %dma_wait3A_282 = tpu.memref_slice %arg7[%run_scoped3A_268, %dma_wait3A_281] : memref<16x125xi32, #tpu.memory_space<vmem>> -> memref<1x125xi32, #tpu.memory_space<vmem>>
      %dma_wait3A_283 = tpu.memref_squeeze %dma_wait3A_282 : memref<1x125xi32, #tpu.memory_space<vmem>> -> memref<125xi32, #tpu.memory_space<vmem>>
      %dma_wait3A_284 = arith.constant 0 : i32
      %dma_wait3A_285 = arith.constant 0 : i32
      %dma_wait3A_286 = tpu.memref_slice %arg12[%dma_wait3A_284, %dma_wait3A_285] : memref<10240x128xf32, #tpu.memory_space<vmem_shared>> -> memref<10240x128xf32, #tpu.memory_space<vmem_shared>>
      tpu.wait_indirect_dma semaphore(%run_scoped3A_274 : memref<!tpu.dma_semaphore, #tpu.memory_space<semaphore_mem>>) src(%arg10 : memref<125x128xf32, #tpu.memory_space<vmem>>) dst(%dma_wait3A_286 : memref<10240x128xf32, #tpu.memory_space<vmem_shared>>)
      tpu.yield
    }) : () -> ()
    %barrier3A_269 = arith.constant 0 : index
    tpu.barrier barrier_id(%barrier3A_269)
    %mul3A_270 = arith.constant 640 : i32
    %mul3A_271 = arith.muli %arg1, %mul3A_270 : i32
    %mul3A_272 = arith.constant 640 : i32
    %mul3A_273 = arith.muli %arg1, %mul3A_272 : i32
    "tpu.region"() ({
      %run_scoped3A_274 = tpu.sem_alloc : memref<!tpu.dma_semaphore, #tpu.memory_space<semaphore_mem>>
      %dma_start3A_275 = arith.constant 0 : i32
      %dma_start3A_276 = tpu.memref_slice %arg5[%arg0, %mul3A_273, %dma_start3A_275] : memref<2x10240x128xf32, #tpu.memory_space<hbm>> -> memref<1x640x128xf32, #tpu.memory_space<hbm>>
      %dma_start3A_277 = tpu.memref_squeeze %dma_start3A_276 : memref<1x640x128xf32, #tpu.memory_space<hbm>> -> memref<640x128xf32, #tpu.memory_space<hbm>>
      %dma_start3A_278 = arith.constant 0 : i32
      %dma_start3A_279 = tpu.memref_slice %arg12[%mul3A_271, %dma_start3A_278] : memref<10240x128xf32, #tpu.memory_space<vmem_shared>> -> memref<640x128xf32, #tpu.memory_space<vmem_shared>>
      tpu.enqueue_dma source(%dma_start3A_279 : memref<640x128xf32, #tpu.memory_space<vmem_shared>>) target(%dma_start3A_277 : memref<640x128xf32, #tpu.memory_space<hbm>>) target_semaphore(%run_scoped3A_274 : memref<!tpu.dma_semaphore, #tpu.memory_space<semaphore_mem>>)
      %dma_wait3A_280 = arith.constant 0 : i32
      %dma_wait3A_281 = tpu.memref_slice %arg5[%arg0, %mul3A_273, %dma_wait3A_280] : memref<2x10240x128xf32, #tpu.memory_space<hbm>> -> memref<1x640x128xf32, #tpu.memory_space<hbm>>
      %dma_wait3A_282 = tpu.memref_squeeze %dma_wait3A_281 : memref<1x640x128xf32, #tpu.memory_space<hbm>> -> memref<640x128xf32, #tpu.memory_space<hbm>>
      %dma_wait3A_283 = arith.constant 0 : i32
      %dma_wait3A_284 = tpu.memref_slice %arg12[%mul3A_271, %dma_wait3A_283] : memref<10240x128xf32, #tpu.memory_space<vmem_shared>> -> memref<640x128xf32, #tpu.memory_space<vmem_shared>>
      tpu.wait_dma2 semaphore(%run_scoped3A_274 : memref<!tpu.dma_semaphore, #tpu.memory_space<semaphore_mem>>) src(%dma_wait3A_284 : memref<640x128xf32, #tpu.memory_space<vmem_shared>>) dst(%dma_wait3A_282 : memref<640x128xf32, #tpu.memory_space<hbm>>)
      tpu.yield
    }) : () -> ()
    return
  }
}

#map = affine_map<(d0, d1) -> (0, 0)>
module attributes {stable_mosaic.version = 14 : i64} {
  func.func @k(%arg0: i32, %arg1: i32, %arg2: memref<2560x125xi32, #tpu.memory_space<hbm>>, %arg3: memref<2x10240xf32, #tpu.memory_space<hbm>>, %arg4: memref<80x125xi32, #tpu.memory_space<vmem>>, %arg5: memref<128xf32, #tpu.memory_space<vmem>>, %arg6: memref<640xf32, #tpu.memory_space<vmem>>, %arg7: memref<10240xf32, #tpu.memory_space<vmem_shared>>, %arg8: memref<!tpu.dma_semaphore, #tpu.memory_space<semaphore_mem>>) attributes {dimension_semantics = [#tpu.dimension_semantics<core_parallel>, #tpu.dimension_semantics<subcore_parallel>], iteration_bounds = array<i64: 2, 16>, scalar_prefetch = 0 : i64, scratch_operands = 5 : i64, tpu.core_type = #tpu.core_type<sc_vector_subcore>, window_params = [{transform_indices = #map}, {transform_indices = #map}]} {
    %mul3A = arith.constant 16 : i32
    %mul3A_0 = arith.muli %arg0, %mul3A : i32
    %add3A = arith.addi %mul3A_0, %arg1 : i32
    %mul3A_1 = arith.constant 80 : i32
    %mul3A_2 = arith.muli %add3A, %mul3A_1 : i32
    "tpu.region"() ({
      %run_scoped3A = tpu.sem_alloc : memref<!tpu.dma_semaphore, #tpu.memory_space<semaphore_mem>>
      %dma_start3A = arith.constant 0 : i32
      %dma_start3A_29 = tpu.memref_slice %arg2[%mul3A_2, %dma_start3A] : memref<2560x125xi32, #tpu.memory_space<hbm>> -> memref<80x125xi32, #tpu.memory_space<hbm>>
      %dma_start3A_30 = arith.constant 0 : i32
      %dma_start3A_31 = tpu.memref_slice %arg2[%mul3A_2, %dma_start3A_30] : memref<2560x125xi32, #tpu.memory_space<hbm>> -> memref<80x125xi32, #tpu.memory_space<hbm>>
      tpu.enqueue_dma source(%dma_start3A_31 : memref<80x125xi32, #tpu.memory_space<hbm>>) target(%arg4 : memref<80x125xi32, #tpu.memory_space<vmem>>) target_semaphore(%run_scoped3A : memref<!tpu.dma_semaphore, #tpu.memory_space<semaphore_mem>>)
      %dma_wait3A = arith.constant 0 : i32
      %dma_wait3A_32 = tpu.memref_slice %arg2[%mul3A_2, %dma_wait3A] : memref<2560x125xi32, #tpu.memory_space<hbm>> -> memref<80x125xi32, #tpu.memory_space<hbm>>
      %dma_wait3A_33 = arith.constant 0 : i32
      %dma_wait3A_34 = tpu.memref_slice %arg2[%mul3A_2, %dma_wait3A_33] : memref<2560x125xi32, #tpu.memory_space<hbm>> -> memref<80x125xi32, #tpu.memory_space<hbm>>
      tpu.wait_dma2 semaphore(%run_scoped3A : memref<!tpu.dma_semaphore, #tpu.memory_space<semaphore_mem>>) src(%dma_wait3A_34 : memref<80x125xi32, #tpu.memory_space<hbm>>) dst(%arg4 : memref<80x125xi32, #tpu.memory_space<vmem>>)
      tpu.yield
    }) : () -> ()
    %scan3A = arith.constant 0 : i32
    %scan3A_3 = arith.constant 8 : i32
    %scan3A_4 = arith.addi %scan3A, %scan3A_3 : i32
    %scan3A_5 = arith.constant 1 : i32
    scf.for %scan3A_29 = %scan3A to %scan3A_4 step %scan3A_5  : i32 {
      %mul3A_30 = arith.constant 1 : i32
      %mul3A_31 = arith.muli %scan3A_29, %mul3A_30 : i32
      %add3A_32 = arith.constant 0 : i32
      %add3A_33 = arith.addi %add3A_32, %mul3A_31 : i32
      %broadcast_in_dim3A = arith.constant 1.000000e+00 : f32
      %broadcast_in_dim3A_34 = vector.broadcast %broadcast_in_dim3A : f32 to vector<16xf32>
      %mul3A_35 = arith.constant 16 : i32
      %mul3A_36 = arith.muli %add3A_33, %mul3A_35 : i32
      %swap3A = arith.index_cast %mul3A_36 : i32 to index
      %swap3A_37 = tpu.vector_load %arg5[%swap3A] {strides = array<i32>} : memref<128xf32, #tpu.memory_space<vmem>>, vector<16xf32>,
      %swap3A_38 = vector.shape_cast %swap3A_37 : vector<16xf32> to vector<16xf32>
      %swap3A_39 = vector.shape_cast %broadcast_in_dim3A_34 : vector<16xf32> to vector<16xf32>
      tpu.vector_store %arg5[%swap3A], %swap3A_39 {strides = array<i32>} : memref<128xf32, #tpu.memory_space<vmem>>, vector<16xf32>,
    }
    %scan3A_6 = arith.constant 8 : i32
    %scan3A_7 = arith.constant 0 : i32
    %scan3A_8 = arith.constant 40 : i32
    %scan3A_9 = arith.addi %scan3A_7, %scan3A_8 : i32
    %scan3A_10 = arith.constant 1 : i32
    scf.for %scan3A_29 = %scan3A_7 to %scan3A_9 step %scan3A_10  : i32 {
      %mul3A_30 = arith.constant 1 : i32
      %mul3A_31 = arith.muli %scan3A_29, %mul3A_30 : i32
      %add3A_32 = arith.constant 0 : i32
      %add3A_33 = arith.addi %add3A_32, %mul3A_31 : i32
      %broadcast_in_dim3A = arith.constant 0.000000e+00 : f32
      %broadcast_in_dim3A_34 = vector.broadcast %broadcast_in_dim3A : f32 to vector<16xf32>
      %mul3A_35 = arith.constant 16 : i32
      %mul3A_36 = arith.muli %add3A_33, %mul3A_35 : i32
      %swap3A = arith.index_cast %mul3A_36 : i32 to index
      %swap3A_37 = tpu.vector_load %arg6[%swap3A] {strides = array<i32>} : memref<640xf32, #tpu.memory_space<vmem>>, vector<16xf32>,
      %swap3A_38 = vector.shape_cast %swap3A_37 : vector<16xf32> to vector<16xf32>
      %swap3A_39 = vector.shape_cast %broadcast_in_dim3A_34 : vector<16xf32> to vector<16xf32>
      tpu.vector_store %arg6[%swap3A], %swap3A_39 {strides = array<i32>} : memref<640xf32, #tpu.memory_space<vmem>>, vector<16xf32>,
    }
    %scan3A_11 = arith.constant 40 : i32
    %mul3A_12 = arith.constant 640 : i32
    %mul3A_13 = arith.muli %arg1, %mul3A_12 : i32
    "tpu.region"() ({
      %run_scoped3A = tpu.sem_alloc : memref<!tpu.dma_semaphore, #tpu.memory_space<semaphore_mem>>
      %dma_start3A = tpu.memref_slice %arg7[%mul3A_13] : memref<10240xf32, #tpu.memory_space<vmem_shared>> -> memref<640xf32, #tpu.memory_space<vmem_shared>>
      %dma_start3A_29 = tpu.memref_slice %arg7[%mul3A_13] : memref<10240xf32, #tpu.memory_space<vmem_shared>> -> memref<640xf32, #tpu.memory_space<vmem_shared>>
      tpu.enqueue_dma source(%arg6 : memref<640xf32, #tpu.memory_space<vmem>>) target(%dma_start3A_29 : memref<640xf32, #tpu.memory_space<vmem_shared>>) target_semaphore(%run_scoped3A : memref<!tpu.dma_semaphore, #tpu.memory_space<semaphore_mem>>)
      %dma_wait3A = tpu.memref_slice %arg7[%mul3A_13] : memref<10240xf32, #tpu.memory_space<vmem_shared>> -> memref<640xf32, #tpu.memory_space<vmem_shared>>
      %dma_wait3A_30 = tpu.memref_slice %arg7[%mul3A_13] : memref<10240xf32, #tpu.memory_space<vmem_shared>> -> memref<640xf32, #tpu.memory_space<vmem_shared>>
      tpu.wait_dma2 semaphore(%run_scoped3A : memref<!tpu.dma_semaphore, #tpu.memory_space<semaphore_mem>>) src(%arg6 : memref<640xf32, #tpu.memory_space<vmem>>) dst(%dma_wait3A_30 : memref<640xf32, #tpu.memory_space<vmem_shared>>)
      tpu.yield
    }) : () -> ()
    %barrier3A = arith.constant 0 : index
    tpu.barrier barrier_id(%barrier3A)
    %scan3A_14 = arith.constant 0 : i32
    %scan3A_15 = arith.constant 80 : i32
    %scan3A_16 = arith.addi %scan3A_14, %scan3A_15 : i32
    %scan3A_17 = arith.constant 1 : i32
    scf.for %scan3A_29 = %scan3A_14 to %scan3A_16 step %scan3A_17  : i32 {
      %mul3A_30 = arith.constant 1 : i32
      %mul3A_31 = arith.muli %scan3A_29, %mul3A_30 : i32
      %add3A_32 = arith.constant 0 : i32
      %add3A_33 = arith.addi %add3A_32, %mul3A_31 : i32
      %dma_start3A = arith.constant 0 : i32
      %dma_start3A_34 = tpu.memref_slice %arg5[%dma_start3A] : memref<128xf32, #tpu.memory_space<vmem>> -> memref<125xf32, #tpu.memory_space<vmem>>
      %dma_start3A_35 = arith.constant 0 : i32
      %dma_start3A_36 = tpu.memref_slice %arg4[%add3A_33, %dma_start3A_35] : memref<80x125xi32, #tpu.memory_space<vmem>> -> memref<1x125xi32, #tpu.memory_space<vmem>>
      %dma_start3A_37 = tpu.memref_squeeze %dma_start3A_36 : memref<1x125xi32, #tpu.memory_space<vmem>> -> memref<125xi32, #tpu.memory_space<vmem>>
      %dma_start3A_38 = arith.constant 0 : i32
      %dma_start3A_39 = tpu.memref_slice %arg7[%dma_start3A_38] : memref<10240xf32, #tpu.memory_space<vmem_shared>> -> memref<10240xf32, #tpu.memory_space<vmem_shared>>
      tpu.enqueue_indirect_dma source(%dma_start3A_34 : memref<125xf32, #tpu.memory_space<vmem>>) target(%dma_start3A_39 : memref<10240xf32, #tpu.memory_space<vmem_shared>>) offsets(%dma_start3A_37 : memref<125xi32, #tpu.memory_space<vmem>>) semaphore(%arg8 : memref<!tpu.dma_semaphore, #tpu.memory_space<semaphore_mem>>) {add = true}
      %ge3A = arith.constant 16 : i32
      %ge3A_40 = arith.cmpi sge, %add3A_33, %ge3A : i32
      %convert_element_type3A = arith.extui %ge3A_40 : i1 to i32
      %cond3A = arith.constant 0 : i32
      %cond3A_41 = arith.cmpi ne, %convert_element_type3A, %cond3A : i32
      scf.if %cond3A_41 {
        %sub3A = arith.constant 16 : i32
        %sub3A_42 = arith.subi %add3A_33, %sub3A : i32
        %dma_wait3A = arith.constant 0 : i32
        %dma_wait3A_43 = tpu.memref_slice %arg5[%dma_wait3A] : memref<128xf32, #tpu.memory_space<vmem>> -> memref<125xf32, #tpu.memory_space<vmem>>
        %dma_wait3A_44 = arith.constant 0 : i32
        %dma_wait3A_45 = tpu.memref_slice %arg4[%sub3A_42, %dma_wait3A_44] : memref<80x125xi32, #tpu.memory_space<vmem>> -> memref<1x125xi32, #tpu.memory_space<vmem>>
        %dma_wait3A_46 = tpu.memref_squeeze %dma_wait3A_45 : memref<1x125xi32, #tpu.memory_space<vmem>> -> memref<125xi32, #tpu.memory_space<vmem>>
        %dma_wait3A_47 = arith.constant 0 : i32
        %dma_wait3A_48 = tpu.memref_slice %arg7[%dma_wait3A_47] : memref<10240xf32, #tpu.memory_space<vmem_shared>> -> memref<10240xf32, #tpu.memory_space<vmem_shared>>
        tpu.wait_indirect_dma semaphore(%arg8 : memref<!tpu.dma_semaphore, #tpu.memory_space<semaphore_mem>>) src(%dma_wait3A_43 : memref<125xf32, #tpu.memory_space<vmem>>) dst(%dma_wait3A_48 : memref<10240xf32, #tpu.memory_space<vmem_shared>>)
      } else {
      }
    }
    %scan3A_18 = arith.constant 80 : i32
    %scan3A_19 = arith.constant 0 : i32
    %scan3A_20 = arith.constant 16 : i32
    %scan3A_21 = arith.addi %scan3A_19, %scan3A_20 : i32
    %scan3A_22 = arith.constant 1 : i32
    scf.for %scan3A_29 = %scan3A_19 to %scan3A_21 step %scan3A_22  : i32 {
      %mul3A_30 = arith.constant 1 : i32
      %mul3A_31 = arith.muli %scan3A_29, %mul3A_30 : i32
      %add3A_32 = arith.constant 64 : i32
      %add3A_33 = arith.addi %add3A_32, %mul3A_31 : i32
      %dma_wait3A = arith.constant 0 : i32
      %dma_wait3A_34 = tpu.memref_slice %arg5[%dma_wait3A] : memref<128xf32, #tpu.memory_space<vmem>> -> memref<125xf32, #tpu.memory_space<vmem>>
      %dma_wait3A_35 = arith.constant 0 : i32
      %dma_wait3A_36 = tpu.memref_slice %arg4[%add3A_33, %dma_wait3A_35] : memref<80x125xi32, #tpu.memory_space<vmem>> -> memref<1x125xi32, #tpu.memory_space<vmem>>
      %dma_wait3A_37 = tpu.memref_squeeze %dma_wait3A_36 : memref<1x125xi32, #tpu.memory_space<vmem>> -> memref<125xi32, #tpu.memory_space<vmem>>
      %dma_wait3A_38 = arith.constant 0 : i32
      %dma_wait3A_39 = tpu.memref_slice %arg7[%dma_wait3A_38] : memref<10240xf32, #tpu.memory_space<vmem_shared>> -> memref<10240xf32, #tpu.memory_space<vmem_shared>>
      tpu.wait_indirect_dma semaphore(%arg8 : memref<!tpu.dma_semaphore, #tpu.memory_space<semaphore_mem>>) src(%dma_wait3A_34 : memref<125xf32, #tpu.memory_space<vmem>>) dst(%dma_wait3A_39 : memref<10240xf32, #tpu.memory_space<vmem_shared>>)
    }
    %scan3A_23 = arith.constant 16 : i32
    %barrier3A_24 = arith.constant 0 : index
    tpu.barrier barrier_id(%barrier3A_24)
    %mul3A_25 = arith.constant 640 : i32
    %mul3A_26 = arith.muli %arg1, %mul3A_25 : i32
    %mul3A_27 = arith.constant 640 : i32
    %mul3A_28 = arith.muli %arg1, %mul3A_27 : i32
    "tpu.region"() ({
      %run_scoped3A = tpu.sem_alloc : memref<!tpu.dma_semaphore, #tpu.memory_space<semaphore_mem>>
      %dma_start3A = tpu.memref_slice %arg3[%arg0, %mul3A_28] : memref<2x10240xf32, #tpu.memory_space<hbm>> -> memref<1x640xf32, #tpu.memory_space<hbm>>
      %dma_start3A_29 = tpu.memref_squeeze %dma_start3A : memref<1x640xf32, #tpu.memory_space<hbm>> -> memref<640xf32, #tpu.memory_space<hbm>>
      %dma_start3A_30 = tpu.memref_slice %arg7[%mul3A_26] : memref<10240xf32, #tpu.memory_space<vmem_shared>> -> memref<640xf32, #tpu.memory_space<vmem_shared>>
      tpu.enqueue_dma source(%dma_start3A_30 : memref<640xf32, #tpu.memory_space<vmem_shared>>) target(%dma_start3A_29 : memref<640xf32, #tpu.memory_space<hbm>>) target_semaphore(%run_scoped3A : memref<!tpu.dma_semaphore, #tpu.memory_space<semaphore_mem>>)
      %dma_wait3A = tpu.memref_slice %arg3[%arg0, %mul3A_28] : memref<2x10240xf32, #tpu.memory_space<hbm>> -> memref<1x640xf32, #tpu.memory_space<hbm>>
      %dma_wait3A_31 = tpu.memref_squeeze %dma_wait3A : memref<1x640xf32, #tpu.memory_space<hbm>> -> memref<640xf32, #tpu.memory_space<hbm>>
      %dma_wait3A_32 = tpu.memref_slice %arg7[%mul3A_26] : memref<10240xf32, #tpu.memory_space<vmem_shared>> -> memref<640xf32, #tpu.memory_space<vmem_shared>>
      tpu.wait_dma2 semaphore(%run_scoped3A : memref<!tpu.dma_semaphore, #tpu.memory_space<semaphore_mem>>) src(%dma_wait3A_32 : memref<640xf32, #tpu.memory_space<vmem_shared>>) dst(%dma_wait3A_31 : memref<640xf32, #tpu.memory_space<hbm>>)
      tpu.yield
    }) : () -> ()
    return
  }
}

module attributes {stable_mosaic.version = 14 : i64} {
  func.func @body(%arg0: i32, %arg1: memref<2000x128xf32, #tpu.memory_space<vmem>>, %arg2: memref<128x128xf32, #tpu.memory_space<vmem>>, %arg3: memref<2000x2xf32, #tpu.memory_space<vmem>>, %arg4: memref<2000x128xf32, #tpu.memory_space<vmem>>, %arg5: memref<2000x128xf32, #tpu.memory_space<vmem>>) attributes {dimension_semantics = [#tpu.dimension_semantics<arbitrary>], iteration_bounds = array<i64: 5>, scalar_prefetch = 0 : i64, scratch_operands = 0 : i64, tpu.core_type = #tpu.core_type<tc>, window_params = [{transform_indices = @transform_0, window_bounds = array<i64: 2000, 128>}, {pipeline_mode = #tpu.pipeline_mode<synchronous>, transform_indices = @transform_1, window_bounds = array<i64: 128, 128>}, {transform_indices = @transform_2, window_bounds = array<i64: 2000, 2>}, {transform_indices = @transform_3, window_bounds = array<i64: 2000, 128>}, {transform_indices = @transform_4, window_bounds = array<i64: 2000, 128>}]} {
    %get3A = arith.constant 0 : index
    %get3A_0 = arith.constant 0 : index
    %get3A_1 = vector.load %arg3[%get3A, %get3A_0] : memref<2000x2xf32, #tpu.memory_space<vmem>>, vector<2000x1xf32>
    %get3A_2 = arith.constant 0 : index
    %get3A_3 = arith.constant 1 : index
    %get3A_4 = vector.load %arg3[%get3A_2, %get3A_3] : memref<2000x2xf32, #tpu.memory_space<vmem>>, vector<2000x1xf32>
    %add3A = arith.addf %get3A_1, %get3A_4 : vector<2000x1xf32>
    %add3A_5 = arith.constant 1.000000e+00 : f32
    %add3A_6 = vector.broadcast %add3A_5 : f32 to vector<2000x1xf32>
    %add3A_7 = arith.addf %add3A, %add3A_6 : vector<2000x1xf32>
    %rsqrt3A = math.rsqrt %add3A_7 : vector<2000x1xf32>
    %get3A_8 = arith.constant 0 : index
    %get3A_9 = arith.constant 0 : index
    %get3A_10 = vector.load %arg1[%get3A_8, %get3A_9] : memref<2000x128xf32, #tpu.memory_space<vmem>>, vector<2000x128xf32>
    %get3A_11 = arith.constant 0 : index
    %get3A_12 = arith.constant 0 : index
    %get3A_13 = vector.load %arg2[%get3A_11, %get3A_12] : memref<128x128xf32, #tpu.memory_space<vmem>>, vector<128x128xf32>
    %dot_general3A = arith.constant dense<0.000000e+00> : vector<2000x128xf32>
    %dot_general3A_14 = tpu.matmul %get3A_10, %get3A_13, %dot_general3A {dimension_numbers = #tpu.dot_dimension_numbers<[1], [0], [0], [1], [0, 0, 1, 1], [], []>, precision = #tpu.contract_precision<fp32>, transpose_lhs_hint = false} : vector<2000x128xf32>, vector<128x128xf32>, vector<2000x128xf32> -> vector<2000x128xf32>
    %swap3A = arith.constant 0 : index
    %swap3A_15 = arith.constant 0 : index
    %swap3A_16 = vector.load %arg5[%swap3A, %swap3A_15] : memref<2000x128xf32, #tpu.memory_space<vmem>>, vector<2000x128xf32>
    tpu.vector_store %arg5[%swap3A, %swap3A_15], %dot_general3A_14 {strides = array<i32>} : memref<2000x128xf32, #tpu.memory_space<vmem>>, vector<2000x128xf32>,
    %mul3A = vector.broadcast %rsqrt3A : vector<2000x1xf32> to vector<2000x128xf32>
    %mul3A_17 = arith.mulf %dot_general3A_14, %mul3A : vector<2000x128xf32>
    %swap3A_18 = arith.constant 0 : index
    %swap3A_19 = arith.constant 0 : index
    %swap3A_20 = vector.load %arg4[%swap3A_18, %swap3A_19] : memref<2000x128xf32, #tpu.memory_space<vmem>>, vector<2000x128xf32>
    tpu.vector_store %arg4[%swap3A_18, %swap3A_19], %mul3A_17 {strides = array<i32>} : memref<2000x128xf32, #tpu.memory_space<vmem>>, vector<2000x128xf32>,
    return
  }
  func.func @transform_0(%arg0: i32) -> (i32, i32) {
    %c0_i32 = arith.constant 0 : i32
    %c0_i32_0 = arith.constant 0 : i32
    return %arg0, %c0_i32 : i32, i32
  }
  func.func @transform_1(%arg0: i32) -> (i32, i32) {
    %c0_i32 = arith.constant 0 : i32
    %c0_i32_0 = arith.constant 0 : i32
    %c0_i32_1 = arith.constant 0 : i32
    return %c0_i32, %c0_i32_0 : i32, i32
  }
  func.func @transform_2(%arg0: i32) -> (i32, i32) {
    %c0_i32 = arith.constant 0 : i32
    %c0_i32_0 = arith.constant 0 : i32
    return %arg0, %c0_i32 : i32, i32
  }
  func.func @transform_3(%arg0: i32) -> (i32, i32) {
    %c0_i32 = arith.constant 0 : i32
    %c0_i32_0 = arith.constant 0 : i32
    return %arg0, %c0_i32 : i32, i32
  }
  func.func @transform_4(%arg0: i32) -> (i32, i32) {
    %c0_i32 = arith.constant 0 : i32
    %c0_i32_0 = arith.constant 0 : i32
    return %arg0, %c0_i32 : i32, i32
  }
}

module attributes {stable_mosaic.version = 14 : i64} {
  func.func @body(%arg0: i32, %arg1: memref<2x2000x128xf32, #tpu.memory_space<vmem>>, %arg2: memref<2000x2xf32, #tpu.memory_space<vmem>>, %arg3: memref<2000x128xf32, #tpu.memory_space<vmem>>, %arg4: memref<1x128xf32, #tpu.memory_space<vmem>>, %arg5: memref<2000x128xf32, #tpu.memory_space<vmem>>) attributes {dimension_semantics = [#tpu.dimension_semantics<arbitrary>], iteration_bounds = array<i64: 5>, scalar_prefetch = 0 : i64, scratch_operands = 0 : i64, tpu.core_type = #tpu.core_type<tc>, window_params = [{transform_indices = @transform_0, window_bounds = array<i64: 2, 2000, 128>}, {transform_indices = @transform_1, window_bounds = array<i64: 2000, 2>}, {transform_indices = @transform_2, window_bounds = array<i64: 2000, 128>}, {pipeline_mode = #tpu.pipeline_mode<synchronous>, transform_indices = @transform_3, window_bounds = array<i64: 1, 128>}, {transform_indices = @transform_4, window_bounds = array<i64: 2000, 128>}]} {
    %get3A = arith.constant 0 : index
    %get3A_0 = arith.constant 0 : index
    %get3A_1 = vector.load %arg2[%get3A, %get3A_0] : memref<2000x2xf32, #tpu.memory_space<vmem>>, vector<2000x1xf32>
    %get3A_2 = arith.constant 0 : index
    %get3A_3 = arith.constant 1 : index
    %get3A_4 = vector.load %arg2[%get3A_2, %get3A_3] : memref<2000x2xf32, #tpu.memory_space<vmem>>, vector<2000x1xf32>
    %add3A = arith.addf %get3A_1, %get3A_4 : vector<2000x1xf32>
    %add3A_5 = arith.constant 1.000000e+00 : f32
    %add3A_6 = vector.broadcast %add3A_5 : f32 to vector<2000x1xf32>
    %add3A_7 = arith.addf %add3A, %add3A_6 : vector<2000x1xf32>
    %rsqrt3A = math.rsqrt %add3A_7 : vector<2000x1xf32>
    %get3A_8 = arith.constant 0 : index
    %get3A_9 = arith.constant 0 : index
    %get3A_10 = arith.constant 0 : index
    %get3A_11 = vector.load %arg1[%get3A_8, %get3A_9, %get3A_10] : memref<2x2000x128xf32, #tpu.memory_space<vmem>>, vector<1x2000x128xf32>
    %get3A_12 = vector.shape_cast %get3A_11 : vector<1x2000x128xf32> to vector<2000x128xf32>
    %get3A_13 = arith.constant 1 : index
    %get3A_14 = arith.constant 0 : index
    %get3A_15 = arith.constant 0 : index
    %get3A_16 = vector.load %arg1[%get3A_13, %get3A_14, %get3A_15] : memref<2x2000x128xf32, #tpu.memory_space<vmem>>, vector<1x2000x128xf32>
    %get3A_17 = vector.shape_cast %get3A_16 : vector<1x2000x128xf32> to vector<2000x128xf32>
    %add3A_18 = arith.addf %get3A_12, %get3A_17 : vector<2000x128xf32>
    %mul3A = vector.broadcast %rsqrt3A : vector<2000x1xf32> to vector<2000x128xf32>
    %mul3A_19 = arith.mulf %add3A_18, %mul3A : vector<2000x128xf32>
    %get3A_20 = arith.constant 0 : index
    %get3A_21 = arith.constant 0 : index
    %get3A_22 = vector.load %arg3[%get3A_20, %get3A_21] : memref<2000x128xf32, #tpu.memory_space<vmem>>, vector<2000x128xf32>
    %mul3A_23 = arith.mulf %rsqrt3A, %rsqrt3A : vector<2000x1xf32>
    %mul3A_24 = vector.broadcast %mul3A_23 : vector<2000x1xf32> to vector<2000x128xf32>
    %mul3A_25 = arith.mulf %get3A_22, %mul3A_24 : vector<2000x128xf32>
    %add3A_26 = arith.addf %mul3A_19, %mul3A_25 : vector<2000x128xf32>
    %get3A_27 = arith.constant 0 : index
    %get3A_28 = arith.constant 0 : index
    %get3A_29 = vector.load %arg4[%get3A_27, %get3A_28] : memref<1x128xf32, #tpu.memory_space<vmem>>, vector<1x128xf32>
    %add3A_30 = vector.broadcast %get3A_29 : vector<1x128xf32> to vector<2000x128xf32>
    %add3A_31 = arith.addf %add3A_26, %add3A_30 : vector<2000x128xf32>
    %swap3A = arith.constant 0 : index
    %swap3A_32 = arith.constant 0 : index
    %swap3A_33 = vector.load %arg5[%swap3A, %swap3A_32] : memref<2000x128xf32, #tpu.memory_space<vmem>>, vector<2000x128xf32>
    tpu.vector_store %arg5[%swap3A, %swap3A_32], %add3A_31 {strides = array<i32>} : memref<2000x128xf32, #tpu.memory_space<vmem>>, vector<2000x128xf32>,
    return
  }
  func.func @transform_0(%arg0: i32) -> (i32, i32, i32) {
    %c0_i32 = arith.constant 0 : i32
    %c0_i32_0 = arith.constant 0 : i32
    %c0_i32_1 = arith.constant 0 : i32
    return %c0_i32, %arg0, %c0_i32_0 : i32, i32, i32
  }
  func.func @transform_1(%arg0: i32) -> (i32, i32) {
    %c0_i32 = arith.constant 0 : i32
    %c0_i32_0 = arith.constant 0 : i32
    return %arg0, %c0_i32 : i32, i32
  }
  func.func @transform_2(%arg0: i32) -> (i32, i32) {
    %c0_i32 = arith.constant 0 : i32
    %c0_i32_0 = arith.constant 0 : i32
    return %arg0, %c0_i32 : i32, i32
  }
  func.func @transform_3(%arg0: i32) -> (i32, i32) {
    %c0_i32 = arith.constant 0 : i32
    %c0_i32_0 = arith.constant 0 : i32
    %c0_i32_1 = arith.constant 0 : i32
    return %c0_i32, %c0_i32_0 : i32, i32
  }
  func.func @transform_4(%arg0: i32) -> (i32, i32) {
    %c0_i32 = arith.constant 0 : i32
    %c0_i32_0 = arith.constant 0 : i32
    return %arg0, %c0_i32 : i32, i32
  }
}

</mosaic_0001>

<sc_bundles>
// kernel: kernel.6.cloned.1.call-start
scs
__scs_entry_jumppad:
0x0: {  	(pc) =	sbr.rel $0x88, $3  }
0x1: {  	(tag) =	ssettag $0x0;
	lr =	simm.s32 $0x1  }
0x2: {  	[smem:$0x3F9D] =	sst lr;
	_ =	strace $0xD0000000  }
0x3: {  	_ = 	snop  }
0x4: {  	_ = 	snop  }
0x5: {  	_ = 	snop  }
0x6: {  	_ = 	snop  }
0x7: {  	_ = 	snop  }
__scs_overlays_trampoline_lowered:
0x8: {  	[smem:$0x3FAC] =	sst s0  }
0x9: {  	[smem:$0x3FAD] =	sst s1  }
0xa: {  	[smem:$0x3FAE] =	sst s2  }
0xb: {  	[smem:$0x3FAF] =	sst s3  }
0xc: {  	[smem:$0x3FB0] =	sst s4  }
0xd: {  	[smem:$0x3FB1] =	sst s5  }
0xe: {  	[smem:$0x3FB2] =	sst s6  }
0xf: {  	[smem:$0x3FB3] =	sst s7  }
0x10: {  	[smem:$0x3FB4] =	sst s8  }
0x11: {  	[smem:$0x3FB5] =	sst s9;
	s0 =	simm.s32 @!p0 $0x0  }
0x12: {  	s1 =	sld [smem:$0x3F9B];
	s0 =	simm.s32 @p0 $0x1  }
0x13: {  	[smem:$0x3FB6] =	sst s0;
	s0 =	simm.s32 @!p1 $0x0  }
0x14: {  	s2 =	sld [smem:$0x3F9A];
	s0 =	simm.s32 @p1 $0x1  }
0x15: {  	[smem:$0x3FB7] =	sst s0;
	s0 =	simm.s32 @!p2 $0x0  }
0x16: {  	s3 =	sld [smem:$0x3FDB];
	s0 =	simm.s32 @p2 $0x1  }
0x17: {  	s4 =	simm.s32 $0x1BF5;
	[smem:$0x3FB9] =	sst s0  }
0x18: {  	s0 =	sld [smem:$0x3F9C];
	_ =	swait.ge [sflag:s4], $0x0  }
0x19: {  	s7 =	sld [smem:$0x3F9D]  }
0x1a: {  	s8 =	sadd.s32 $0xFFFFE003, lr  }
0x1b: {  	s9 =	sadd.s32 $0xFFFFFEF7, lr;
	s5 =	simm.s32 $0xFFFFFFFF;
	p2 =	slt.u32 s8, $0xFFFFF086  }
0x1c: {  	p1 =	slt.u32 s9, $0xF7A;
	s5 =	simm.s32 @!p2 $0x0  }
0x1d: {  	s5 =	simm.s32 @p1 $0x1;
	p0 =	seq.s32 s7, s2  }
0x1e: {  	s7 =	smul.u32 @!p0 $0xF7A, s2;
	p2 =	seq.s32 @!p0 s5, $0x0  }
0x1f: {  	s9 =	smul.u32 $0xF7A, s1;
	s8 =	simm.s32 @!p0 $0x1BF5;
	p2 =	por !p2, p0  }
0x20: {  	[sflag:s8] =	ssyncset.s32 @!p0 $0xFFFFF086;
	s6 =	sadd.s32 @!p0 s3, s7;
	s7 =	simm.s32 @!p0 $0x108  }
0x21: {  	s3 =	sadd.s32 s3, s9;
	s6 =	sadd.s32 @!p0 $0x88, s6;
	s7 =	simm.s32 @p2 $0x1082  }
0x22: {  	[simem:s7], [sflag:s8] =	dma.local @!p0 [hbm:s6], $0xF7A  }
0x23: {  	s9 =	sor.u32 $0xD0000000, s2;
	s6 =	simm.s32 $0x108;
	_ =	swait.ge @!p0 [sflag:s8], $0x0  }
0x24: {  	s3 =	sadd.s32 $0x88, s3;
	s6 =	simm.s32 @!p1 $0x1082;
	[sflag:s4] =	ssyncset.s32 $0xFFFFF086  }
0x25: {  	[simem:s6], [sflag:s4] =	dma.local [hbm:s3], $0xF7A  }
0x26: {  	[smem:$0x3F9D] =	sst s1;
	(tag) =	ssettag s2;
	_ =	strace s9  }
0x27: {  	s1 =	sld [smem:$0x3FAD]  }
0x28: {  	s2 =	sld [smem:$0x3FAE]  }
0x29: {  	s4 =	sld [smem:$0x3FB0]  }
0x2a: {  	p0 =	seq.s32 s5, $0x0;
	s5 =	sld [smem:$0x3FB1]  }
0x2b: {  	s6 =	sld [smem:$0x3FB2]  }
0x2c: {  	s7 =	sld [smem:$0x3FB3]  }
0x2d: {  	s3 =	simm.s32 $0x108;
	s8 =	sld [smem:$0x3FB4]  }
0x2e: {  	s3 =	simm.s32 @!p0 $0x1082;
	s9 =	sld [smem:$0x3FB5]  }
0x2f: {  	lr =	sadd.s32 s0, s3;
	s0 =	sld [smem:$0x3FAC]  }
0x30: {  	s3 =	sld [smem:$0x3FAF]  }
0x31: {  	[smem:$0x3FB8] =	sst s10  }
0x32: {  	s10 =	sld [smem:$0x3FB6];
	_ =	sdelay $0x3  }
0x33: {  	p0 =	seq.s32 s10, $0x1;
	s10 =	sld [smem:$0x3FB8];
	_ =	sdelay $0x3  }
0x34: {  	[smem:$0x3FB8] =	sst s10  }
0x35: {  	s10 =	sld [smem:$0x3FB7];
	_ =	sdelay $0x3  }
0x36: {  	p1 =	seq.s32 s10, $0x1;
	s10 =	sld [smem:$0x3FB8];
	_ =	sdelay $0x3  }
0x37: {  	[smem:$0x3FB8] =	sst s10  }
0x38: {  	s10 =	sld [smem:$0x3FB9]  }
0x39: {  	_ = 	snop;
	(pc) =	sbr.ind lr, $3  }
0x3a: {  	_ = 	snop  }
0x3b: {  	_ = 	snop  }
0x3c: {  	p2 =	seq.s32 s10, $0x1;
	s10 =	sld [smem:$0x3FB8]  }
0x3d: {  	_ =	shalt  }
0x3e: {  	_ =	shalt  }
0x3f: {  	_ =	shalt  }
0x40: {  	_ =	shalt  }
0x41: {  	_ =	shalt  }
0x42: {  	_ =	shalt  }
0x43: {  	_ =	shalt  }
0x44: {  	_ =	shalt  }
0x45: {  	_ =	shalt  }
0x46: {  	_ =	shalt  }
0x47: {  	_ =	shalt  }
0x48: {  	_ =	shalt  }
0x49: {  	_ =	shalt  }
0x4a: {  	_ =	shalt  }
0x4b: {  	_ =	shalt  }
0x4c: {  	_ =	shalt  }
0x4d: {  	_ =	shalt  }
0x4e: {  	_ =	shalt  }
0x4f: {  	_ =	shalt  }
0x50: {  	_ =	shalt  }
0x51: {  	_ =	shalt  }
0x52: {  	_ =	shalt  }
0x53: {  	_ =	shalt  }
0x54: {  	_ =	shalt  }
0x55: {  	_ =	shalt  }
0x56: {  	_ =	shalt  }
0x57: {  	_ =	shalt  }
0x58: {  	_ =	shalt  }
0x59: {  	_ =	shalt  }
0x5a: {  	_ =	shalt  }
0x5b: {  	_ =	shalt  }
0x5c: {  	_ =	shalt  }
0x5d: {  	_ =	shalt  }
0x5e: {  	_ =	shalt  }
0x5f: {  	_ =	shalt  }
0x60: {  	_ =	shalt  }
0x61: {  	_ =	shalt  }
0x62: {  	_ =	shalt  }
0x63: {  	_ =	shalt  }
0x64: {  	_ =	shalt  }
0x65: {  	_ =	shalt  }
0x66: {  	_ =	shalt  }
0x67: {  	_ =	shalt  }
0x68: {  	_ =	shalt  }
0x69: {  	_ =	shalt  }
0x6a: {  	_ =	shalt  }
0x6b: {  	_ =	shalt  }
0x6c: {  	_ =	shalt  }
0x6d: {  	_ =	shalt  }
0x6e: {  	_ =	shalt  }
0x6f: {  	_ =	shalt  }
0x70: {  	_ =	shalt  }
0x71: {  	_ =	shalt  }
0x72: {  	_ =	shalt  }
0x73: {  	_ =	shalt  }
0x74: {  	_ =	shalt  }
0x75: {  	_ =	shalt  }
0x76: {  	_ =	shalt  }
0x77: {  	_ =	shalt  }
0x78: {  	_ =	shalt  }
0x79: {  	_ =	shalt  }
0x7a: {  	_ =	shalt  }
0x7b: {  	_ =	shalt  }
0x7c: {  	_ =	shalt  }
0x7d: {  	_ =	shalt  }
0x7e: {  	_ =	shalt  }
0x7f: {  	_ =	shalt  }
0x80: {  	_ =	shalt  }
0x81: {  	_ =	shalt  }
0x82: {  	_ =	shalt  }
0x83: {  	_ =	shalt  }
0x84: {  	_ =	shalt  }
0x85: {  	_ =	shalt  }
0x86: {  	_ =	shalt  }
0x87: {  	_ =	shalt  }
.Lfunc_end0:
.L_simem_size_0:
called_computation_lowered:
.L_overlay_start_0:
0x88: {  	s2 =	sld [smem:$0x3FD9]  }
0x89: {  	s3 =	sld [smem:$0x3FFE];
	_ =	sdelay $0x1  }
0x8a: {  	s1 =	srdreg.scid  }
0x8b: {  	s0 =	sand.u32 $0x1, s1  }
0x8c: {  	s17 =	sshll.u32 s0, $0xA;
	s2 =	sadd.s32 s3, s2  }
0x8d: {  	s2 =	sadd.s32 s2, s17  }
0x8e: {  	[smem:$0x3FC4] =	sst s2  }
0x8f: {  	_ = 	snop  }
0x90: {  	s2 =	sld [smem:$0x3FD0];
	(tm) =	ssettm $0x1  }
0x91: {  	s18 =	sld [smem:$0x3FFB];
	_ =	sdelay $0x3  }
0x92: {  	_ =	strace s18  }
0x93: {  	s3 =	sld [smem:$0x3FFC];
	_ =	sdelay $0x3  }
0x94: {  	_ =	strace s3  }
0x95: {  	s3 =	sld [smem:$0x3FFD];
	_ =	sdelay $0x3  }
0x96: {  	_ =	strace s3  }
0x97: {  	_ =	strace $0x8FFFFFFF  }
0x98: {  	s19 =	sld [smem:$0x3FDB];
	_ =	sdelay $0x1  }
0x99: {  	s4 =	simm.s32 $_scs_section_size  }
0x9a: {  	s5 =	simm.s32 $_size__tile_overlayer_lowered;
	s6 =	simm.s32 $_tile_overlayer_lowered  }
0x9b: {  	s22 =	simm.s32 $0x1BFF;
	s21 =	sshll.u32 s6, $0x1;
	s3 =	sadd.s32 s4, s19  }
0x9c: {  	s7 =	simm.s32 $0x0;
	s20 =	sshll.u32 s5, $0x1;
	s5 =	sadd.s32 s21, s3  }
0x9d: {  	[timem:s7], [sflag:s22] =	dma.local [hbm:s5], s20  }
0x9e: {  	_ =	swait.ge [sflag:s22], s20  }
0x9f: {  	s4 =	ssub.s32 $0x0, s20;
	[sflag:s22] =	ssyncset.done $0x0  }
0xa0: {  	[sflag:s22] =	ssyncadd.s32 s4;
	_ =	sdelay $0x1  }
0xa1: {  	s23 =	simm.s32 $0x1B8B  }
0xa2: {  	_ =	swait.ge [sflag:s23], $0x1  }
0xa3: {  	[sflag:s23] =	ssyncset.done $0x0  }
0xa4: {  	s25 =	simm.s32 $0x1B8E;
	s24 =	sld [smem:$0x3FFE];
	[sflag:s23] =	ssyncadd.s32 $0xFFFFFFFF  }
0xa5: {  	s26 =	simm.s32 $execute0_lowered;
	[smem:$0x3FD2] =	sst s25  }
0xa6: {  	s5 =	sshll.u32 s26, $0x1;
	_ =	strace $0x80000046;
	[dreg:$0x1] =	wrdreg $0xFFFFFFFF  }
0xa7: {  	s28 =	simm.s32 $_size_execute0_lowered;
	s3 =	sadd.s32 s3, s5;
	[dreg:$0x0] =	wrdreg $0x0  }
0xa8: {  	s5 =	sshll.u32 s28, $0x1;
	[dreg:$0x2] =	wrdreg s3  }
0xa9: {  	[dreg:$0x3] =	wrdreg s5  }
0xaa: {  	[dreg:$0x4] =	wrdreg $0xC0  }
0xab: {  	_ =	task [dreg:s7], $0x5FFFF  }
0xac: {  	[dreg:$0x1] =	wrdreg $0xFFFFFFFF  }
0xad: {  	[dreg:$0x0] =	wrdreg $0x60  }
0xae: {  	[dreg:$0x2] =	wrdreg s2  }
0xaf: {  	[dreg:$0x3] =	wrdreg s24  }
0xb0: {  	[dreg:$0x4] =	wrdreg $0x2B000  }
0xb1: {  	[dreg:$0x5] =	wrdreg $0x9  }
0xb2: {  	_ =	task.clear_ibuf [dreg:s7], $0x6FFFF;
	_ =	strace $0x90000046  }
0xb3: {  	s29 =	simm.s32 $0x9;
	_ =	strace $0x80000048  }
0xb4: {  	_ =	swait.ge [sflag:s29], $0x1  }
0xb5: {  	[sflag:s29] =	ssyncadd.s32 $0xFFFFFFFF  }
0xb6: {  	_ =	strace $0x90000048  }
0xb7: {  	_ =	sfence  }
0xb8: {  	s30 =	sld [smem:$0x0];
	_ =	sdelay $0x2  }
0xb9: {  	s31 =	sshll.u32 s1, $0xD;
	s1 =	sshrl.u32 s1, $0x2  }
0xba: {  	s3 =	sand.u32 $0x4000, s31;
	s1 =	sadd.s32 s1, s30  }
0xbb: {  	s0 =	sor.u32 s3, s0;
	s1 =	sshll.u32 s1, $0x11  }
0xbc: {  	s0 =	sor.u32 s1, s0  }
0xbd: {  	s0 =	sadd.s32 $0x8F2B, s0  }
0xbe: {  	[sflag:s0] =	ssyncadd.remote.s32 $0x1  }
0xbf: {  	_ =	sfence.sel $0xFFFF  }
0xc0: {  	[dreg:$0x0] =	wrdreg $0xFFFFFFFF;
	(pc) =	sbr.abs _section_cstart, $3  }
0xc1: {  	[dreg:$0x1] =	wrdreg $0xFFFFFFFF  }
0xc2: {  	_ =	task.clear_ibuf [dreg:s7], $0x2FFFF;
	_ =	strace $0x9FFFFFFF  }
0xc3: {  	(tm) =	ssettm $0x7FFFFFFF  }
tec
execute0_lowered:
.L_overlay_start_1:
0x0: {  	(tag) =	ssettag $0x1  }
0x1: {  	s4 =	rddreg [dreg:$0x0]  }
0x2: {  	s5 =	rddreg [dreg:$0x1]  }
0x3: {  	s2 =	rddreg [dreg:$0x2]  }
0x4: {  	s0 =	rddreg [dreg:$0x3];
	s6 =	srdreg.scid  }
0x5: {  	s1 =	stileid.u32;
	s3 =	simm.s32 $0x0;
	s11 =	simm.s32 $0x2800  }
0x6: {  	s12 =	simm.s32 $0x1;
	s15 =	simm.s32 $0x20;
	s16 =	simm.s32 $0x10  }
0x7: {  	s17 =	simm.s32 $0x0;
	s6 =	sand.u32 $0x1, s6;
	s7 =	smul.u32 $0x500, s1  }
0x8: {  	[smem:$0x7FF] =	sst s3;
	s9 =	smul.u32 $0xA00, s1;
	s13 =	sshll.u32 s1, $0x6  }
0x9: {  	s8 =	sshll.u32 s6, $0x7;
	_ =	strace $0x80000047;
	s30 =	sshll.u32 s6, $0x4  }
0xa: {  	s6 =	ssub.s32 $0x2, s6;
	s13 =	sor.u32 $0x1C02, s13;
	s7 =	sor.u32 s8, s7  }
0xb: {  	s8 =	sor.u32 s1, s30;
	s10 =	sshrl.u32 s6, $0x1;
	s31 =	sshrl.u32 s9, $0x2  }
0xc: {  	s9 =	simm.s32 $0x2880;
	s7 =	sshrl.u32 s7, $0x3;
	s8 =	smul.u32 $0x500, s8  }
0xd: {  	s10 =	ssub.s32 s6, s10;
	s7 =	sadd.s32 s7, s5;
	s5 =	sadd.s32 s31, s2  }
0xe: {  	s4 =	sadd.s32 s4, s8;
	s6 =	sadd.s32 $0x1200, s7;
	s7 =	smax.u32 s10, $0x1  }
0xf: {  	v0 =	vimm.f32 $1.000000000e+00;
	v1 =	vimm.f32 $0.0e+00;
	s8 =	simm.s32 $0x2;
	s10 =	simm.s32 $0x7D;
	s14 =	sshrl.u32 s5, $0x3  }
.LBB2_1:
0x10: {  	[tilespmem:s3], [sflag:$0x2] =	stream.linear.gather [hbm4b:s4+s3], $0x2800, $0x38;
	[tilespmem:$0x2D80] =	vst v63  }
0x11: {  	_ =	swait.ge [sflag:s8], $0x2800  }
0x12: {  	[sflag:s8] =	ssyncset.done $0x0  }
0x13: {  	[sflag:s8] =	ssyncadd.s32 $0xFFFFD800  }
0x14: {  	[tilespmem:$0x2800] =	vst v0  }
0x15: {  	[tilespmem:$0x2810] =	vst v0  }
0x16: {  	[tilespmem:$0x2820] =	vst v0  }
0x17: {  	[tilespmem:$0x2830] =	vst v0  }
0x18: {  	[tilespmem:$0x2840] =	vst v0  }
0x19: {  	[tilespmem:$0x2850] =	vst v0  }
0x1a: {  	[tilespmem:$0x2860] =	vst v0  }
0x1b: {  	[tilespmem:$0x2870] =	vst v0  }
0x1c: {  	[tilespmem:$0x2880] =	vst v1  }
0x1d: {  	[tilespmem:$0x2890] =	vst v1  }
0x1e: {  	[tilespmem:$0x28A0] =	vst v1  }
0x1f: {  	[tilespmem:$0x28B0] =	vst v1  }
0x20: {  	[tilespmem:$0x28C0] =	vst v1  }
0x21: {  	[tilespmem:$0x28D0] =	vst v1  }
0x22: {  	[tilespmem:$0x28E0] =	vst v1  }
0x23: {  	[tilespmem:$0x28F0] =	vst v1  }
0x24: {  	[tilespmem:$0x2900] =	vst v1  }
0x25: {  	[tilespmem:$0x2910] =	vst v1  }
0x26: {  	[tilespmem:$0x2920] =	vst v1  }
0x27: {  	[tilespmem:$0x2930] =	vst v1  }
0x28: {  	[tilespmem:$0x2940] =	vst v1  }
0x29: {  	[tilespmem:$0x2950] =	vst v1  }
0x2a: {  	[tilespmem:$0x2960] =	vst v1  }
0x2b: {  	[tilespmem:$0x2970] =	vst v1  }
0x2c: {  	[tilespmem:$0x2980] =	vst v1  }
0x2d: {  	[tilespmem:$0x2990] =	vst v1  }
0x2e: {  	[tilespmem:$0x29A0] =	vst v1  }
0x2f: {  	[tilespmem:$0x29B0] =	vst v1  }
0x30: {  	[tilespmem:$0x29C0] =	vst v1  }
0x31: {  	[tilespmem:$0x29D0] =	vst v1  }
0x32: {  	[tilespmem:$0x29E0] =	vst v1  }
0x33: {  	[tilespmem:$0x29F0] =	vst v1  }
0x34: {  	[tilespmem:$0x2A00] =	vst v1  }
0x35: {  	[tilespmem:$0x2A10] =	vst v1  }
0x36: {  	[tilespmem:$0x2A20] =	vst v1  }
0x37: {  	[tilespmem:$0x2A30] =	vst v1  }
0x38: {  	[tilespmem:$0x2A40] =	vst v1  }
0x39: {  	[tilespmem:$0x2A50] =	vst v1  }
0x3a: {  	[tilespmem:$0x2A60] =	vst v1  }
0x3b: {  	[tilespmem:$0x2A70] =	vst v1  }
0x3c: {  	[tilespmem:$0x2A80] =	vst v1  }
0x3d: {  	[tilespmem:$0x2A90] =	vst v1  }
0x3e: {  	[tilespmem:$0x2AA0] =	vst v1  }
0x3f: {  	[tilespmem:$0x2AB0] =	vst v1  }
0x40: {  	[tilespmem:$0x2AC0] =	vst v1  }
0x41: {  	[tilespmem:$0x2AD0] =	vst v1  }
0x42: {  	[tilespmem:$0x2AE0] =	vst v1  }
0x43: {  	[tilespmem:$0x2AF0] =	vst v1  }
0x44: {  	[spmem:s5] =	stream.linear.scatter [tilespmem:s9], [sflag:$0x2], $0x280, $0x38;
	[tilespmem:$0x2D80] =	vst v63  }
0x45: {  	_ =	swait.ge [sflag:s8], $0x280  }
0x46: {  	[sflag:s8] =	ssyncset.done $0x0  }
0x47: {  	p0 =	por $0x1, $0x1;
	[sflag:s8] =	ssyncadd.s32 $0xFFFFFD80  }
0x48: {  	s20 =	simm.s32 @!p0 $0x1;
	[bflag:$0x0] =	sbarrier.arrive $0xFFFF  }
0x49: {  	[spmem:s2] =	stream.indirect.scatter.add.f32 [tilespmem:s11], [sflag:$0x1], $0x1, s3, s10, $0xb8;
	[tilespmem:$0x2D80] =	vst v63  }
0x4a: {  	_ =	swait.ge @!p0 [sflag:s20], $0x7D  }
0x4b: {  	s18 =	simm.s32 $0x1;
	s19 =	simm.s32 $0x0;
	[sflag:s20] =	ssyncset.done @!p0 $0x0  }
.LBB2_2:
0x4c: {  	[sflag:s20] =	ssyncadd.s32 @!p0 $0xFFFFFF83  }
0x4d: {  	s19 =	sadd.s32 $0x80, s19;
	s20 =	smov.u32 s18;
	s18 =	sadd.s32 $0x1, s18  }
0x4e: {  	p1 =	sne.s32 s18, $0x50  }
0x4f: {  	[spmem:s2] =	stream.indirect.scatter.add.f32 [tilespmem:s11], [sflag:$0x1], $0x1, s19, s10, $0xb8;
	[tilespmem:$0x2D80] =	vst v63  }
.Ltmp0:
0x50: {  	_ = 	snop;
	(pc) =	sbr.rel @p1 .LBB2_2-.Ltmp0, $4  }
0x51: {  	p0 =	slt.u32 s20, $0x10  }
0x52: {  	s20 =	simm.s32 @!p0 $0x1  }
0x53: {  	_ =	swait.ge @!p0 [sflag:s20], $0x7D  }
0x54: {  	[sflag:s20] =	ssyncset.done @!p0 $0x0  }
0x55: {  	[sflag:s20] =	ssyncadd.s32 @!p0 $0xFFFFFF83  }
0x56: {  	_ =	swait.ge [sflag:s12], $0x7D  }
0x57: {  	[sflag:s12] =	ssyncset.done $0x0  }
0x58: {  	[sflag:s12] =	ssyncadd.s32 $0xFFFFFF83  }
0x59: {  	_ =	swait.ge [sflag:s12], $0x7D  }
0x5a: {  	[sflag:s12] =	ssyncset.done $0x0  }
0x5b: {  	[sflag:s12] =	ssyncadd.s32 $0xFFFFFF83  }
0x5c: {  	_ =	swait.ge [sflag:s12], $0x7D  }
0x5d: {  	[sflag:s12] =	ssyncset.done $0x0  }
0x5e: {  	[sflag:s12] =	ssyncadd.s32 $0xFFFFFF83  }
0x5f: {  	_ =	swait.ge [sflag:s12], $0x7D  }
0x60: {  	[sflag:s12] =	ssyncset.done $0x0  }
0x61: {  	[sflag:s12] =	ssyncadd.s32 $0xFFFFFF83  }
0x62: {  	_ =	swait.ge [sflag:s12], $0x7D  }
0x63: {  	[sflag:s12] =	ssyncset.done $0x0  }
0x64: {  	[sflag:s12] =	ssyncadd.s32 $0xFFFFFF83  }
0x65: {  	_ =	swait.ge [sflag:s12], $0x7D  }
0x66: {  	[sflag:s12] =	ssyncset.done $0x0  }
0x67: {  	[sflag:s12] =	ssyncadd.s32 $0xFFFFFF83  }
0x68: {  	_ =	swait.ge [sflag:s12], $0x7D  }
0x69: {  	[sflag:s12] =	ssyncset.done $0x0  }
0x6a: {  	[sflag:s12] =	ssyncadd.s32 $0xFFFFFF83  }
0x6b: {  	_ =	swait.ge [sflag:s12], $0x7D  }
0x6c: {  	[sflag:s12] =	ssyncset.done $0x0  }
0x6d: {  	[sflag:s12] =	ssyncadd.s32 $0xFFFFFF83  }
0x6e: {  	_ =	swait.ge [sflag:s12], $0x7D  }
0x6f: {  	[sflag:s12] =	ssyncset.done $0x0  }
0x70: {  	[sflag:s12] =	ssyncadd.s32 $0xFFFFFF83  }
0x71: {  	_ =	swait.ge [sflag:s12], $0x7D  }
0x72: {  	[sflag:s12] =	ssyncset.done $0x0  }
0x73: {  	[sflag:s12] =	ssyncadd.s32 $0xFFFFFF83  }
0x74: {  	_ =	swait.ge [sflag:s12], $0x7D  }
0x75: {  	[sflag:s12] =	ssyncset.done $0x0  }
0x76: {  	[sflag:s12] =	ssyncadd.s32 $0xFFFFFF83  }
0x77: {  	_ =	swait.ge [sflag:s12], $0x7D  }
0x78: {  	[sflag:s12] =	ssyncset.done $0x0  }
0x79: {  	[sflag:s12] =	ssyncadd.s32 $0xFFFFFF83  }
0x7a: {  	_ =	swait.ge [sflag:s12], $0x7D  }
0x7b: {  	[sflag:s12] =	ssyncset.done $0x0  }
0x7c: {  	[sflag:s12] =	ssyncadd.s32 $0xFFFFFF83  }
0x7d: {  	_ =	swait.ge [sflag:s12], $0x7D  }
0x7e: {  	[sflag:s12] =	ssyncset.done $0x0  }
0x7f: {  	[sflag:s12] =	ssyncadd.s32 $0xFFFFFF83  }
0x80: {  	_ =	swait.ge [sflag:s12], $0x7D  }
0x81: {  	[sflag:s12] =	ssyncset.done $0x0  }
0x82: {  	[sflag:s12] =	ssyncadd.s32 $0xFFFFFF83  }
0x83: {  	_ =	swait.ge [sflag:s12], $0x7D  }
0x84: {  	s17 =	sadd.s32 $0x1, s17;
	[sflag:s12] =	ssyncset.done $0x0  }
0x85: {  	p0 =	sne.s32 s17, s7;
	[sflag:s12] =	ssyncadd.s32 $0xFFFFFF83  }
.Ltmp1:
0x86: {  	[bflag:$0x0] =	sbarrier.arrive $0xFFFF;
	(pc) =	sbr.rel @p0 .LBB2_1-.Ltmp1, $4  }
0x87: {  	[hbm:s6@s15], [sflag:s13] =	dma.strided [spmem:s14@s16], $0x50, s12, $0x10   }
0x88: {  	_ =	swait.ge [sflag:s8], $0x50  }
0x89: {  	[sflag:s8] =	ssyncset.done $0x0  }
0x8a: {  	[sflag:s8] =	ssyncadd.s32 $0xFFFFFFB0  }
0x8b: {  	_ =	sfence.sel $0x180000  }
0x8c: {  	[bflag:$0x0] =	sbarrier.arrive $0xFFFF  }
0x8d: {  	p0 =	sne.s32 s1, $0x0;
	_ =	strace $0x90000047  }
0x8e: {  	s0 =	sadd.s32 @!p0 $0x100000, s0;
	[bflag:$0x2] =	sbarrier.arrive $0xFFFF  }
0x8f: {  	[sflag:s0] =	ssyncadd.tile.s32 @!p0 $0x1;
	_ =	shalt  }
.Lfunc_end2:
_tile_overlayer_lowered:
.L_overlay_start_2:
0x90: {  	(tag) =	ssettag $0x2  }
0x91: {  	s0 =	rddreg [dreg:$0x0];
	s2 =	stileid.u32  }
0x92: {  	s1 =	rddreg [dreg:$0x1];
	p0 =	sne.s32 s2, $0x0  }
0x93: {  	s3 =	rddreg [dreg:$0x2];
	[bflag:$0x3] =	sbarrier.arrive $0xFFFF;
	s2 =	simm.s32 @!p0 $0x1C02  }
0x94: {  	[timem:s3], [sflag:s2] =	dma.local @!p0 [hbm:s0], s1  }
0x95: {  	s0 =	simm.s32 @!p0 $0x2  }
0x96: {  	_ =	swait.ge @!p0 [sflag:s0], s1  }
0x97: {  	s1 =	ssub.s32 @!p0 $0x0, s1;
	[sflag:s0] =	ssyncset.done @!p0 $0x0  }
0x98: {  	[sflag:s0] =	ssyncadd.s32 @!p0 s1  }
0x99: {  	[bflag:$0x3] =	sbarrier.arrive $0xFFFF  }
0x9a: {  	_ =	shalt  }

// kernel: kernel.9.cloned.1.call-start
scs
__scs_entry_jumppad:
0x0: {  	(pc) =	sbr.rel $0x88, $3  }
0x1: {  	(tag) =	ssettag $0x0;
	lr =	simm.s32 $0x1  }
0x2: {  	[smem:$0x3F9D] =	sst lr;
	_ =	strace $0xD0000000  }
0x3: {  	_ = 	snop  }
0x4: {  	_ = 	snop  }
0x5: {  	_ = 	snop  }
0x6: {  	_ = 	snop  }
0x7: {  	_ = 	snop  }
__scs_overlays_trampoline_lowered:
0x8: {  	[smem:$0x3FAC] =	sst s0  }
0x9: {  	[smem:$0x3FAD] =	sst s1  }
0xa: {  	[smem:$0x3FAE] =	sst s2  }
0xb: {  	[smem:$0x3FAF] =	sst s3  }
0xc: {  	[smem:$0x3FB0] =	sst s4  }
0xd: {  	[smem:$0x3FB1] =	sst s5  }
0xe: {  	[smem:$0x3FB2] =	sst s6  }
0xf: {  	[smem:$0x3FB3] =	sst s7  }
0x10: {  	[smem:$0x3FB4] =	sst s8  }
0x11: {  	[smem:$0x3FB5] =	sst s9;
	s0 =	simm.s32 @!p0 $0x0  }
0x12: {  	s1 =	sld [smem:$0x3F9B];
	s0 =	simm.s32 @p0 $0x1  }
0x13: {  	[smem:$0x3FB6] =	sst s0;
	s0 =	simm.s32 @!p1 $0x0  }
0x14: {  	s2 =	sld [smem:$0x3F9A];
	s0 =	simm.s32 @p1 $0x1  }
0x15: {  	[smem:$0x3FB7] =	sst s0;
	s0 =	simm.s32 @!p2 $0x0  }
0x16: {  	s3 =	sld [smem:$0x3FDB];
	s0 =	simm.s32 @p2 $0x1  }
0x17: {  	s4 =	simm.s32 $0x1BF5;
	[smem:$0x3FB9] =	sst s0  }
0x18: {  	s0 =	sld [smem:$0x3F9C];
	_ =	swait.ge [sflag:s4], $0x0  }
0x19: {  	s7 =	sld [smem:$0x3F9D]  }
0x1a: {  	s8 =	sadd.s32 $0xFFFFE003, lr  }
0x1b: {  	s9 =	sadd.s32 $0xFFFFFEF7, lr;
	s5 =	simm.s32 $0xFFFFFFFF;
	p2 =	slt.u32 s8, $0xFFFFF086  }
0x1c: {  	p1 =	slt.u32 s9, $0xF7A;
	s5 =	simm.s32 @!p2 $0x0  }
0x1d: {  	s5 =	simm.s32 @p1 $0x1;
	p0 =	seq.s32 s7, s2  }
0x1e: {  	s7 =	smul.u32 @!p0 $0xF7A, s2;
	p2 =	seq.s32 @!p0 s5, $0x0  }
0x1f: {  	s9 =	smul.u32 $0xF7A, s1;
	s8 =	simm.s32 @!p0 $0x1BF5;
	p2 =	por !p2, p0  }
0x20: {  	[sflag:s8] =	ssyncset.s32 @!p0 $0xFFFFF086;
	s6 =	sadd.s32 @!p0 s3, s7;
	s7 =	simm.s32 @!p0 $0x108  }
0x21: {  	s3 =	sadd.s32 s3, s9;
	s6 =	sadd.s32 @!p0 $0x88, s6;
	s7 =	simm.s32 @p2 $0x1082  }
0x22: {  	[simem:s7], [sflag:s8] =	dma.local @!p0 [hbm:s6], $0xF7A  }
0x23: {  	s9 =	sor.u32 $0xD0000000, s2;
	s6 =	simm.s32 $0x108;
	_ =	swait.ge @!p0 [sflag:s8], $0x0  }
0x24: {  	s3 =	sadd.s32 $0x88, s3;
	s6 =	simm.s32 @!p1 $0x1082;
	[sflag:s4] =	ssyncset.s32 $0xFFFFF086  }
0x25: {  	[simem:s6], [sflag:s4] =	dma.local [hbm:s3], $0xF7A  }
0x26: {  	[smem:$0x3F9D] =	sst s1;
	(tag) =	ssettag s2;
	_ =	strace s9  }
0x27: {  	s1 =	sld [smem:$0x3FAD]  }
0x28: {  	s2 =	sld [smem:$0x3FAE]  }
0x29: {  	s4 =	sld [smem:$0x3FB0]  }
0x2a: {  	p0 =	seq.s32 s5, $0x0;
	s5 =	sld [smem:$0x3FB1]  }
0x2b: {  	s6 =	sld [smem:$0x3FB2]  }
0x2c: {  	s7 =	sld [smem:$0x3FB3]  }
0x2d: {  	s3 =	simm.s32 $0x108;
	s8 =	sld [smem:$0x3FB4]  }
0x2e: {  	s3 =	simm.s32 @!p0 $0x1082;
	s9 =	sld [smem:$0x3FB5]  }
0x2f: {  	lr =	sadd.s32 s0, s3;
	s0 =	sld [smem:$0x3FAC]  }
0x30: {  	s3 =	sld [smem:$0x3FAF]  }
0x31: {  	[smem:$0x3FB8] =	sst s10  }
0x32: {  	s10 =	sld [smem:$0x3FB6];
	_ =	sdelay $0x3  }
0x33: {  	p0 =	seq.s32 s10, $0x1;
	s10 =	sld [smem:$0x3FB8];
	_ =	sdelay $0x3  }
0x34: {  	[smem:$0x3FB8] =	sst s10  }
0x35: {  	s10 =	sld [smem:$0x3FB7];
	_ =	sdelay $0x3  }
0x36: {  	p1 =	seq.s32 s10, $0x1;
	s10 =	sld [smem:$0x3FB8];
	_ =	sdelay $0x3  }
0x37: {  	[smem:$0x3FB8] =	sst s10  }
0x38: {  	s10 =	sld [smem:$0x3FB9]  }
0x39: {  	_ = 	snop;
	(pc) =	sbr.ind lr, $3  }
0x3a: {  	_ = 	snop  }
0x3b: {  	_ = 	snop  }
0x3c: {  	p2 =	seq.s32 s10, $0x1;
	s10 =	sld [smem:$0x3FB8]  }
0x3d: {  	_ =	shalt  }
0x3e: {  	_ =	shalt  }
0x3f: {  	_ =	shalt  }
0x40: {  	_ =	shalt  }
0x41: {  	_ =	shalt  }
0x42: {  	_ =	shalt  }
0x43: {  	_ =	shalt  }
0x44: {  	_ =	shalt  }
0x45: {  	_ =	shalt  }
0x46: {  	_ =	shalt  }
0x47: {  	_ =	shalt  }
0x48: {  	_ =	shalt  }
0x49: {  	_ =	shalt  }
0x4a: {  	_ =	shalt  }
0x4b: {  	_ =	shalt  }
0x4c: {  	_ =	shalt  }
0x4d: {  	_ =	shalt  }
0x4e: {  	_ =	shalt  }
0x4f: {  	_ =	shalt  }
0x50: {  	_ =	shalt  }
0x51: {  	_ =	shalt  }
0x52: {  	_ =	shalt  }
0x53: {  	_ =	shalt  }
0x54: {  	_ =	shalt  }
0x55: {  	_ =	shalt  }
0x56: {  	_ =	shalt  }
0x57: {  	_ =	shalt  }
0x58: {  	_ =	shalt  }
0x59: {  	_ =	shalt  }
0x5a: {  	_ =	shalt  }
0x5b: {  	_ =	shalt  }
0x5c: {  	_ =	shalt  }
0x5d: {  	_ =	shalt  }
0x5e: {  	_ =	shalt  }
0x5f: {  	_ =	shalt  }
0x60: {  	_ =	shalt  }
0x61: {  	_ =	shalt  }
0x62: {  	_ =	shalt  }
0x63: {  	_ =	shalt  }
0x64: {  	_ =	shalt  }
0x65: {  	_ =	shalt  }
0x66: {  	_ =	shalt  }
0x67: {  	_ =	shalt  }
0x68: {  	_ =	shalt  }
0x69: {  	_ =	shalt  }
0x6a: {  	_ =	shalt  }
0x6b: {  	_ =	shalt  }
0x6c: {  	_ =	shalt  }
0x6d: {  	_ =	shalt  }
0x6e: {  	_ =	shalt  }
0x6f: {  	_ =	shalt  }
0x70: {  	_ =	shalt  }
0x71: {  	_ =	shalt  }
0x72: {  	_ =	shalt  }
0x73: {  	_ =	shalt  }
0x74: {  	_ =	shalt  }
0x75: {  	_ =	shalt  }
0x76: {  	_ =	shalt  }
0x77: {  	_ =	shalt  }
0x78: {  	_ =	shalt  }
0x79: {  	_ =	shalt  }
0x7a: {  	_ =	shalt  }
0x7b: {  	_ =	shalt  }
0x7c: {  	_ =	shalt  }
0x7d: {  	_ =	shalt  }
0x7e: {  	_ =	shalt  }
0x7f: {  	_ =	shalt  }
0x80: {  	_ =	shalt  }
0x81: {  	_ =	shalt  }
0x82: {  	_ =	shalt  }
0x83: {  	_ =	shalt  }
0x84: {  	_ =	shalt  }
0x85: {  	_ =	shalt  }
0x86: {  	_ =	shalt  }
0x87: {  	_ =	shalt  }
.Lfunc_end0:
.L_simem_size_0:
called_computation.1_lowered:
.L_overlay_start_0:
0x88: {  	s2 =	sld [smem:$0x3FD9]  }
0x89: {  	s3 =	sld [smem:$0x3FFE];
	_ =	sdelay $0x1  }
0x8a: {  	s1 =	srdreg.scid  }
0x8b: {  	s0 =	sand.u32 $0x1, s1  }
0x8c: {  	s17 =	sshll.u32 s0, $0xA;
	s2 =	sadd.s32 s3, s2  }
0x8d: {  	s2 =	sadd.s32 s2, s17  }
0x8e: {  	[smem:$0x3FC4] =	sst s2  }
0x8f: {  	_ = 	snop  }
0x90: {  	s2 =	sld [smem:$0x3FD0];
	(tm) =	ssettm $0x1  }
0x91: {  	s18 =	sld [smem:$0x3FFB];
	_ =	sdelay $0x3  }
0x92: {  	_ =	strace s18  }
0x93: {  	s3 =	sld [smem:$0x3FFC];
	_ =	sdelay $0x3  }
0x94: {  	_ =	strace s3  }
0x95: {  	s3 =	sld [smem:$0x3FFD];
	_ =	sdelay $0x3  }
0x96: {  	_ =	strace s3  }
0x97: {  	_ =	strace $0x8FFFFFFF  }
0x98: {  	s19 =	sld [smem:$0x3FDB];
	_ =	sdelay $0x1  }
0x99: {  	s4 =	simm.s32 $_scs_section_size  }
0x9a: {  	s5 =	simm.s32 $_size__tile_overlayer_lowered;
	s6 =	simm.s32 $_tile_overlayer_lowered  }
0x9b: {  	s22 =	simm.s32 $0x1BFF;
	s21 =	sshll.u32 s6, $0x1;
	s3 =	sadd.s32 s4, s19  }
0x9c: {  	s7 =	simm.s32 $0x0;
	s20 =	sshll.u32 s5, $0x1;
	s5 =	sadd.s32 s21, s3  }
0x9d: {  	[timem:s7], [sflag:s22] =	dma.local [hbm:s5], s20  }
0x9e: {  	_ =	swait.ge [sflag:s22], s20  }
0x9f: {  	s4 =	ssub.s32 $0x0, s20;
	[sflag:s22] =	ssyncset.done $0x0  }
0xa0: {  	[sflag:s22] =	ssyncadd.s32 s4;
	_ =	sdelay $0x1  }
0xa1: {  	s23 =	simm.s32 $0x1B8B  }
0xa2: {  	_ =	swait.ge [sflag:s23], $0x1  }
0xa3: {  	[sflag:s23] =	ssyncset.done $0x0  }
0xa4: {  	s25 =	simm.s32 $0x1B8E;
	s24 =	sld [smem:$0x3FFE];
	[sflag:s23] =	ssyncadd.s32 $0xFFFFFFFF  }
0xa5: {  	s26 =	simm.s32 $execute0_lowered;
	[smem:$0x3FD2] =	sst s25  }
0xa6: {  	s5 =	sshll.u32 s26, $0x1;
	_ =	strace $0x80000049;
	[dreg:$0x1] =	wrdreg $0xFFFFFFFF  }
0xa7: {  	s28 =	simm.s32 $_size_execute0_lowered;
	s3 =	sadd.s32 s3, s5;
	[dreg:$0x0] =	wrdreg $0x0  }
0xa8: {  	s5 =	sshll.u32 s28, $0x1;
	[dreg:$0x2] =	wrdreg s3  }
0xa9: {  	[dreg:$0x3] =	wrdreg s5  }
0xaa: {  	[dreg:$0x4] =	wrdreg $0xC0  }
0xab: {  	_ =	task [dreg:s7], $0x5FFFF  }
0xac: {  	[dreg:$0x1] =	wrdreg $0xFFFFFFFF  }
0xad: {  	[dreg:$0x0] =	wrdreg $0x60  }
0xae: {  	[dreg:$0x2] =	wrdreg s24  }
0xaf: {  	[dreg:$0x3] =	wrdreg s2  }
0xb0: {  	[dreg:$0x4] =	wrdreg $0xC0000  }
0xb1: {  	[dreg:$0x5] =	wrdreg $0x9  }
0xb2: {  	_ =	task.clear_ibuf [dreg:s7], $0x6FFFF;
	_ =	strace $0x90000049  }
0xb3: {  	s29 =	simm.s32 $0x9;
	_ =	strace $0x8000004B  }
0xb4: {  	_ =	swait.ge [sflag:s29], $0x1  }
0xb5: {  	[sflag:s29] =	ssyncadd.s32 $0xFFFFFFFF  }
0xb6: {  	_ =	strace $0x9000004B  }
0xb7: {  	_ =	sfence  }
0xb8: {  	s30 =	sld [smem:$0x0];
	_ =	sdelay $0x2  }
0xb9: {  	s31 =	sshll.u32 s1, $0xD;
	s1 =	sshrl.u32 s1, $0x2  }
0xba: {  	s3 =	sand.u32 $0x4000, s31;
	s1 =	sadd.s32 s1, s30  }
0xbb: {  	s0 =	sor.u32 s3, s0;
	s1 =	sshll.u32 s1, $0x11  }
0xbc: {  	s0 =	sor.u32 s1, s0  }
0xbd: {  	s0 =	sadd.s32 $0x8F2B, s0  }
0xbe: {  	[sflag:s0] =	ssyncadd.remote.s32 $0x1  }
0xbf: {  	_ =	sfence.sel $0xFFFF  }
0xc0: {  	[dreg:$0x0] =	wrdreg $0xFFFFFFFF;
	(pc) =	sbr.abs _section_cstart, $3  }
0xc1: {  	[dreg:$0x1] =	wrdreg $0xFFFFFFFF  }
0xc2: {  	_ =	task.clear_ibuf [dreg:s7], $0x2FFFF;
	_ =	strace $0x9FFFFFFF  }
0xc3: {  	(tm) =	ssettm $0x7FFFFFFF  }
tec
execute0_lowered:
.L_overlay_start_1:
0x0: {  	(tag) =	ssettag $0x1  }
0x1: {  	s0 =	rddreg [dreg:$0x0]  }
0x2: {  	s2 =	rddreg [dreg:$0x1]  }
0x3: {  	s1 =	rddreg [dreg:$0x2];
	s10 =	stileid.u32  }
0x4: {  	s4 =	srdreg.scid;
	s8 =	smul.u32 $0x14000, s10  }
0x5: {  	s3 =	simm.s32 $0x0;
	s5 =	sand.u32 $0x1, s4;
	s19 =	smul.u32 $0x50000, s10  }
0x6: {  	[smem:$0x7FF] =	sst s3;
	s4 =	sshll.u32 s5, $0x4;
	s6 =	smul.u32 $0x140000, s5  }
0x7: {  	_ =	strace $0x8000004A;
	s5 =	ssub.s32 $0x2, s5;
	s7 =	sor.u32 s10, s4  }
0x8: {  	s4 =	sadd.s32 $0xBC00, s0;
	s20 =	sshrl.u32 s5, $0x1;
	s9 =	smul.u32 $0x500, s7  }
0x9: {  	s22 =	sshrl.u32 s19, $0x2;
	s6 =	sadd.s32 s8, s6;
	s7 =	smul.u32 $0x2800, s7  }
0xa: {  	s5 =	ssub.s32 s5, s20;
	s6 =	sshrl.u32 s6, $0x3;
	s24 =	sadd.s32 s2, s9  }
0xb: {  	s11 =	sadd.s32 s9, s0;
	s9 =	smax.u32 s5, $0x1;
	[dreg:$0x5] =	wrdreg s24  }
0xc: {  	s23 =	sshrl.u32 s7, $0x3;
	s7 =	sadd.s32 s22, s1;
	[dreg:$0xb] =	wrdreg s9  }
0xd: {  	s0 =	sadd.s32 s6, s0;
	s21 =	sadd.s32 $0x1C00, s11;
	[smem:$0x7FD] =	sst s7  }
0xe: {  	s0 =	sadd.s32 $0x33C00, s0;
	[dreg:$0x4] =	wrdreg s21  }
0xf: {  	s10 =	sadd.s32 $0x800, s7;
	[dreg:$0xa] =	wrdreg s0  }
0x10: {  	s11 =	sadd.s32 $0x1000, s7;
	[dreg:$0xc] =	wrdreg s10  }
0x11: {  	s12 =	sadd.s32 $0x1800, s7;
	[dreg:$0xd] =	wrdreg s11  }
0x12: {  	s13 =	sadd.s32 $0x2000, s7;
	[dreg:$0xe] =	wrdreg s12  }
0x13: {  	s14 =	sadd.s32 $0x2800, s7;
	[dreg:$0xf] =	wrdreg s13  }
0x14: {  	s15 =	sadd.s32 $0x3000, s7;
	[dreg:$0x10] =	wrdreg s14  }
0x15: {  	s16 =	sadd.s32 $0x3800, s7;
	[dreg:$0x11] =	wrdreg s15  }
0x16: {  	s17 =	sadd.s32 $0x4000, s7;
	[dreg:$0x12] =	wrdreg s16  }
0x17: {  	s18 =	sadd.s32 $0x4800, s7;
	[dreg:$0x13] =	wrdreg s17  }
0x18: {  	s19 =	sadd.s32 $0x5000, s7;
	[dreg:$0x14] =	wrdreg s18  }
0x19: {  	s20 =	sadd.s32 $0x5800, s7;
	[dreg:$0x15] =	wrdreg s19  }
0x1a: {  	s22 =	sadd.s32 $0x6800, s7;
	[dreg:$0x16] =	wrdreg s20  }
0x1b: {  	s2 =	sadd.s32 s2, s23;
	s23 =	sadd.s32 $0x7000, s7;
	[dreg:$0x18] =	wrdreg s22  }
0x1c: {  	s24 =	sadd.s32 $0x7800, s7;
	[dreg:$0x19] =	wrdreg s23  }
0x1d: {  	s5 =	sadd.s32 $0x9800, s7;
	[dreg:$0x1a] =	wrdreg s24  }
0x1e: {  	s6 =	sadd.s32 $0xA000, s7;
	[dreg:$0x1e] =	wrdreg s5  }
0x1f: {  	s9 =	sadd.s32 $0xB000, s7;
	[dreg:$0x1f] =	wrdreg s6  }
0x20: {  	s25 =	sadd.s32 $0x100, s2;
	[smem:$0x7EB] =	sst s9  }
0x21: {  	s26 =	sadd.s32 $0x200, s2;
	[dreg:$0x6] =	wrdreg s25  }
0x22: {  	s8 =	sadd.s32 $0x300, s2;
	[dreg:$0x7] =	wrdreg s26  }
0x23: {  	s2 =	sadd.s32 $0x400, s2;
	[dreg:$0x8] =	wrdreg s8  }
0x24: {  	s21 =	sadd.s32 $0x6000, s7;
	[dreg:$0x9] =	wrdreg s2  }
0x25: {  	s10 =	sadd.s32 $0xB800, s7;
	[dreg:$0x17] =	wrdreg s21  }
0x26: {  	s11 =	sadd.s32 $0xC000, s7;
	[smem:$0x7EC] =	sst s10  }
0x27: {  	s12 =	sadd.s32 $0xC800, s7;
	[smem:$0x7ED] =	sst s11  }
0x28: {  	s28 =	simm.s32 $0xB800;
	s13 =	sadd.s32 $0xD000, s7;
	[smem:$0x7EE] =	sst s12  }
0x29: {  	s29 =	simm.s32 $0x1;
	s14 =	sadd.s32 $0xD800, s7;
	[smem:$0x7EF] =	sst s13  }
0x2a: {  	s30 =	simm.s32 $0x3;
	s15 =	sadd.s32 $0xE000, s7;
	[smem:$0x7F0] =	sst s14  }
0x2b: {  	s31 =	simm.s32 $0x7D;
	s16 =	sadd.s32 $0xE800, s7;
	[smem:$0x7F1] =	sst s15  }
0x2c: {  	s17 =	sadd.s32 $0xF000, s7;
	s18 =	sadd.s32 $0xF800, s7;
	[smem:$0x7F2] =	sst s16  }
0x2d: {  	s19 =	sadd.s32 $0x10000, s7;
	s20 =	sadd.s32 $0x10800, s7;
	[smem:$0x7F3] =	sst s17  }
0x2e: {  	s22 =	sadd.s32 $0x11800, s7;
	s23 =	sadd.s32 $0x12000, s7;
	[smem:$0x7F4] =	sst s18  }
0x2f: {  	s24 =	sadd.s32 $0x12800, s7;
	s0 =	simm.s32 $0x3800;
	[smem:$0x7F5] =	sst s19  }
0x30: {  	s6 =	simm.s32 $0x4;
	s25 =	sadd.s32 $0x8000, s7;
	[smem:$0x7F6] =	sst s20  }
0x31: {  	s26 =	sadd.s32 $0x8800, s7;
	s2 =	sadd.s32 $0x9000, s7;
	[smem:$0x7F8] =	sst s22  }
0x32: {  	s8 =	sadd.s32 $0xA800, s7;
	s21 =	sadd.s32 $0x11000, s7;
	[smem:$0x7F9] =	sst s23  }
0x33: {  	[smem:$0x7FA] =	sst s24;
	s11 =	simm.s32 $0x2800;
	s12 =	simm.s32 $0x3200  }
0x34: {  	s13 =	simm.s32 $0x3280;
	s14 =	simm.s32 $0x3300;
	[dreg:$0x1b] =	wrdreg s25  }
0x35: {  	s15 =	simm.s32 $0x3380;
	s16 =	simm.s32 $0x3400;
	[dreg:$0x1c] =	wrdreg s26  }
0x36: {  	s17 =	simm.s32 $0x3480;
	s18 =	simm.s32 $0x3500;
	[dreg:$0x1d] =	wrdreg s2  }
0x37: {  	s19 =	simm.s32 $0x3580;
	s20 =	simm.s32 $0x3600;
	[smem:$0x7EA] =	sst s8  }
0x38: {  	s22 =	simm.s32 $0x3700;
	s23 =	simm.s32 $0x3780;
	[smem:$0x7F7] =	sst s21  }
0x39: {  	s25 =	sadd.s32 $0x13000, s7;
	s26 =	sadd.s32 $0x13800, s7;
	s2 =	simm.s32 $0x7800  }
0x3a: {  	s8 =	simm.s32 $0x2;
	s21 =	simm.s32 $0x3680;
	[smem:$0x7FB] =	sst s25  }
0x3b: {  	v0 =	vimm.f32 $0.0e+00;
	[smem:$0x7FC] =	sst s26;
	s25 =	simm.s32 $0x0;
	s26 =	simm.s32 $0x3000  }
.LBB2_1:
0x3c: {  	s9 =	rddreg [dreg:$0x4]  }
0x3d: {  	[tilespmem:s3], [sflag:$0x3] =	stream.linear.gather [hbm4b:s9+s3], $0x2800, $0x38;
	v63 =	vld [tilespmem:$0x0]  }
0x3e: {  	s24 =	rddreg [dreg:$0x5]  }
0x3f: {  	[tilespmem:s11], [sflag:$0x3] =	stream.linear.gather [hbm4b:s24+s3], $0x800, $0x38;
	v63 =	vld [tilespmem:$0x0]  }
0x40: {  	s9 =	simm.s32 $0x200;
	s24 =	simm.s32 $0x0  }
.LBB2_2:
0x41: {  	p0 =	sne.s32 s9, $0x1E00;
	[tilespmem:s24+$0xB870] =	vst v0  }
0x42: {  	[tilespmem:s24+$0xB800] =	vst v0  }
0x43: {  	[tilespmem:s24+$0xB810] =	vst v0  }
.Ltmp0:
0x44: {  	[tilespmem:s24+$0xB820] =	vst v0;
	(pc) =	sbr.rel @p0 .LBB2_2-.Ltmp0, $4  }
0x45: {  	[tilespmem:s24+$0xB830] =	vst v0  }
0x46: {  	[tilespmem:s24+$0xB840] =	vst v0  }
0x47: {  	[tilespmem:s24+$0xB850] =	vst v0  }
0x48: {  	[tilespmem:s24+$0xB860] =	vst v0;
	s24 =	sshra.s32 s9, $0x2;
	s9 =	sadd.s32 $0x200, s9  }
0x49: {  	[tilespmem:s24+$0xB870] =	vst v0  }
0x4a: {  	[tilespmem:s24+$0xB800] =	vst v0  }
0x4b: {  	[tilespmem:s24+$0xB810] =	vst v0  }
0x4c: {  	[tilespmem:s24+$0xB820] =	vst v0  }
0x4d: {  	[tilespmem:s24+$0xB830] =	vst v0  }
0x4e: {  	[tilespmem:s24+$0xB840] =	vst v0  }
0x4f: {  	[tilespmem:s24+$0xB850] =	vst v0  }
0x50: {  	[tilespmem:s24+$0xB860] =	vst v0;
	s9 =	rddreg [dreg:$0xc]  }
0x51: {  	[spmem:s7] =	stream.linear.scatter [tilespmem:s28], [sflag:$0x1], $0x800, $0x38;
	v63 =	vld [tilespmem:$0x0]  }
0x52: {  	s10 =	rddreg [dreg:$0xd]  }
0x53: {  	[spmem:s9] =	stream.linear.scatter [tilespmem:s28], [sflag:$0x1], $0x800, $0x38;
	v63 =	vld [tilespmem:$0x0]  }
0x54: {  	s24 =	rddreg [dreg:$0xe]  }
0x55: {  	[spmem:s10] =	stream.linear.scatter [tilespmem:s28], [sflag:$0x1], $0x800, $0x38;
	v63 =	vld [tilespmem:$0x0]  }
0x56: {  	s5 =	rddreg [dreg:$0xf]  }
0x57: {  	[spmem:s24] =	stream.linear.scatter [tilespmem:s28], [sflag:$0x1], $0x800, $0x38;
	v63 =	vld [tilespmem:$0x0]  }
0x58: {  	s7 =	rddreg [dreg:$0x10]  }
0x59: {  	[spmem:s5] =	stream.linear.scatter [tilespmem:s28], [sflag:$0x1], $0x800, $0x38;
	v63 =	vld [tilespmem:$0x0]  }
0x5a: {  	s10 =	rddreg [dreg:$0x11]  }
0x5b: {  	[spmem:s7] =	stream.linear.scatter [tilespmem:s28], [sflag:$0x1], $0x800, $0x38;
	v63 =	vld [tilespmem:$0x0]  }
0x5c: {  	s24 =	rddreg [dreg:$0x12]  }
0x5d: {  	[spmem:s10] =	stream.linear.scatter [tilespmem:s28], [sflag:$0x1], $0x800, $0x38;
	v63 =	vld [tilespmem:$0x0]  }
0x5e: {  	s5 =	rddreg [dreg:$0x13]  }
0x5f: {  	[spmem:s24] =	stream.linear.scatter [tilespmem:s28], [sflag:$0x1], $0x800, $0x38;
	v63 =	vld [tilespmem:$0x0]  }
0x60: {  	s7 =	rddreg [dreg:$0x14]  }
0x61: {  	[spmem:s5] =	stream.linear.scatter [tilespmem:s28], [sflag:$0x1], $0x800, $0x38;
	v63 =	vld [tilespmem:$0x0]  }
0x62: {  	s10 =	rddreg [dreg:$0x15]  }
0x63: {  	[spmem:s7] =	stream.linear.scatter [tilespmem:s28], [sflag:$0x1], $0x800, $0x38;
	v63 =	vld [tilespmem:$0x0]  }
0x64: {  	s24 =	rddreg [dreg:$0x16]  }
0x65: {  	[spmem:s10] =	stream.linear.scatter [tilespmem:s28], [sflag:$0x1], $0x800, $0x38;
	v63 =	vld [tilespmem:$0x0]  }
0x66: {  	s5 =	rddreg [dreg:$0x17]  }
0x67: {  	[spmem:s24] =	stream.linear.scatter [tilespmem:s28], [sflag:$0x1], $0x800, $0x38;
	v63 =	vld [tilespmem:$0x0]  }
0x68: {  	s7 =	rddreg [dreg:$0x18]  }
0x69: {  	[spmem:s5] =	stream.linear.scatter [tilespmem:s28], [sflag:$0x1], $0x800, $0x38;
	v63 =	vld [tilespmem:$0x0]  }
0x6a: {  	s10 =	rddreg [dreg:$0x19]  }
0x6b: {  	[spmem:s7] =	stream.linear.scatter [tilespmem:s28], [sflag:$0x1], $0x800, $0x38;
	v63 =	vld [tilespmem:$0x0]  }
0x6c: {  	s24 =	rddreg [dreg:$0x1a]  }
0x6d: {  	[spmem:s10] =	stream.linear.scatter [tilespmem:s28], [sflag:$0x1], $0x800, $0x38;
	v63 =	vld [tilespmem:$0x0]  }
0x6e: {  	s5 =	rddreg [dreg:$0x1b]  }
0x6f: {  	[spmem:s24] =	stream.linear.scatter [tilespmem:s28], [sflag:$0x1], $0x800, $0x38;
	v63 =	vld [tilespmem:$0x0]  }
0x70: {  	s7 =	rddreg [dreg:$0x1c]  }
0x71: {  	[spmem:s5] =	stream.linear.scatter [tilespmem:s28], [sflag:$0x1], $0x800, $0x38;
	v63 =	vld [tilespmem:$0x0]  }
0x72: {  	s10 =	rddreg [dreg:$0x1d]  }
0x73: {  	[spmem:s7] =	stream.linear.scatter [tilespmem:s28], [sflag:$0x1], $0x800, $0x38;
	v63 =	vld [tilespmem:$0x0]  }
0x74: {  	s24 =	rddreg [dreg:$0x1e]  }
0x75: {  	[spmem:s10] =	stream.linear.scatter [tilespmem:s28], [sflag:$0x1], $0x800, $0x38;
	v63 =	vld [tilespmem:$0x0]  }
0x76: {  	s5 =	rddreg [dreg:$0x1f]  }
0x77: {  	[spmem:s24] =	stream.linear.scatter [tilespmem:s28], [sflag:$0x1], $0x800, $0x38;
	v63 =	vld [tilespmem:$0x0]  }
0x78: {  	s7 =	sld [smem:$0x7EA]  }
0x79: {  	[spmem:s5] =	stream.linear.scatter [tilespmem:s28], [sflag:$0x1], $0x800, $0x38;
	v63 =	vld [tilespmem:$0x0]  }
0x7a: {  	s10 =	sld [smem:$0x7EB]  }
0x7b: {  	[spmem:s7] =	stream.linear.scatter [tilespmem:s28], [sflag:$0x1], $0x800, $0x38;
	v63 =	vld [tilespmem:$0x0]  }
0x7c: {  	s24 =	sld [smem:$0x7EC]  }
0x7d: {  	[spmem:s10] =	stream.linear.scatter [tilespmem:s28], [sflag:$0x1], $0x800, $0x38;
	v63 =	vld [tilespmem:$0x0]  }
0x7e: {  	s5 =	sld [smem:$0x7ED]  }
0x7f: {  	[spmem:s24] =	stream.linear.scatter [tilespmem:s28], [sflag:$0x1], $0x800, $0x38;
	v63 =	vld [tilespmem:$0x0]  }
0x80: {  	s7 =	sld [smem:$0x7EE]  }
0x81: {  	[spmem:s5] =	stream.linear.scatter [tilespmem:s28], [sflag:$0x1], $0x800, $0x38;
	v63 =	vld [tilespmem:$0x0]  }
0x82: {  	s10 =	sld [smem:$0x7EF]  }
0x83: {  	[spmem:s7] =	stream.linear.scatter [tilespmem:s28], [sflag:$0x1], $0x800, $0x38;
	v63 =	vld [tilespmem:$0x0]  }
0x84: {  	s24 =	sld [smem:$0x7F0]  }
0x85: {  	[spmem:s10] =	stream.linear.scatter [tilespmem:s28], [sflag:$0x1], $0x800, $0x38;
	v63 =	vld [tilespmem:$0x0]  }
0x86: {  	s5 =	sld [smem:$0x7F1]  }
0x87: {  	[spmem:s24] =	stream.linear.scatter [tilespmem:s28], [sflag:$0x1], $0x800, $0x38;
	v63 =	vld [tilespmem:$0x0]  }
0x88: {  	s7 =	sld [smem:$0x7F2]  }
0x89: {  	[spmem:s5] =	stream.linear.scatter [tilespmem:s28], [sflag:$0x1], $0x800, $0x38;
	v63 =	vld [tilespmem:$0x0]  }
0x8a: {  	s10 =	sld [smem:$0x7F3]  }
0x8b: {  	[spmem:s7] =	stream.linear.scatter [tilespmem:s28], [sflag:$0x1], $0x800, $0x38;
	v63 =	vld [tilespmem:$0x0]  }
0x8c: {  	s24 =	sld [smem:$0x7F4]  }
0x8d: {  	[spmem:s10] =	stream.linear.scatter [tilespmem:s28], [sflag:$0x1], $0x800, $0x38;
	v63 =	vld [tilespmem:$0x0]  }
0x8e: {  	s5 =	sld [smem:$0x7F5]  }
0x8f: {  	[spmem:s24] =	stream.linear.scatter [tilespmem:s28], [sflag:$0x1], $0x800, $0x38;
	v63 =	vld [tilespmem:$0x0]  }
0x90: {  	s7 =	sld [smem:$0x7F6]  }
0x91: {  	[spmem:s5] =	stream.linear.scatter [tilespmem:s28], [sflag:$0x1], $0x800, $0x38;
	v63 =	vld [tilespmem:$0x0]  }
0x92: {  	s10 =	sld [smem:$0x7F7]  }
0x93: {  	[spmem:s7] =	stream.linear.scatter [tilespmem:s28], [sflag:$0x1], $0x800, $0x38;
	v63 =	vld [tilespmem:$0x0]  }
0x94: {  	s24 =	sld [smem:$0x7F8]  }
0x95: {  	[spmem:s10] =	stream.linear.scatter [tilespmem:s28], [sflag:$0x1], $0x800, $0x38;
	v63 =	vld [tilespmem:$0x0]  }
0x96: {  	s5 =	sld [smem:$0x7F9]  }
0x97: {  	[spmem:s24] =	stream.linear.scatter [tilespmem:s28], [sflag:$0x1], $0x800, $0x38;
	v63 =	vld [tilespmem:$0x0]  }
0x98: {  	s7 =	sld [smem:$0x7FA]  }
0x99: {  	[spmem:s5] =	stream.linear.scatter [tilespmem:s28], [sflag:$0x1], $0x800, $0x38;
	v63 =	vld [tilespmem:$0x0]  }
0x9a: {  	s10 =	sld [smem:$0x7FB]  }
0x9b: {  	[spmem:s7] =	stream.linear.scatter [tilespmem:s28], [sflag:$0x1], $0x800, $0x38;
	v63 =	vld [tilespmem:$0x0]  }
0x9c: {  	s24 =	sld [smem:$0x7FC]  }
0x9d: {  	[spmem:s10] =	stream.linear.scatter [tilespmem:s28], [sflag:$0x1], $0x800, $0x38;
	v63 =	vld [tilespmem:$0x0]  }
0x9e: {  	_ = 	snop  }
0x9f: {  	[spmem:s24] =	stream.linear.scatter [tilespmem:s28], [sflag:$0x1], $0x800, $0x38;
	v63 =	vld [tilespmem:$0x0]  }
0xa0: {  	_ =	swait.ge [sflag:s29], $0x800  }
0xa1: {  	s9 =	simm.s32 $0x27;
	[sflag:s29] =	ssyncset.done $0x0  }
.LBB2_4:
0xa2: {  	p0 =	sne.s32 s9, $0x1;
	s9 =	sadd.s32 $0xFFFFFFFF, s9;
	[sflag:s29] =	ssyncadd.s32 $0xFFFFF800  }
.Ltmp1:
0xa3: {  	(pc) =	sbr.rel @p0 .LBB2_4-.Ltmp1, $3  }
0xa4: {  	_ =	sdelay $0x1  }
0xa5: {  	_ =	swait.ge [sflag:s29], $0x800  }
0xa6: {  	[sflag:s29] =	ssyncset.done $0x0  }
0xa7: {  	[sflag:s29] =	ssyncadd.s32 $0xFFFFF800  }
0xa8: {  	_ =	swait.ge [sflag:s30], $0x2800  }
0xa9: {  	[sflag:s30] =	ssyncset.done $0x0  }
0xaa: {  	[sflag:s30] =	ssyncadd.s32 $0xFFFFD800  }
0xab: {  	_ =	swait.ge [sflag:s30], $0x800  }
0xac: {  	[sflag:s30] =	ssyncset.done $0x0  }
0xad: {  	[sflag:s30] =	ssyncadd.s32 $0xFFFFF800  }
0xae: {  	[bflag:$0x0] =	sbarrier.arrive $0xFFFF  }
0xaf: {  	[tilespmem:s0], [sflag:$0x1] =	stream.indirect.gather [hbm4b:s4+s31], $0x80, s3, s31, $0xb8;
	v63 =	vld [tilespmem:$0x0]  }
0xb0: {  	s9 =	simm.s32 $0x80  }
0xb1: {  	[tilespmem:s2], [sflag:$0x2] =	stream.indirect.gather [hbm4b:s4+s31], $0x80, s9, s31, $0xb8;
	v63 =	vld [tilespmem:$0x0]  }
0xb2: {  	s9 =	rddreg [dreg:$0x6]  }
0xb3: {  	[tilespmem:s26], [sflag:$0x3] =	stream.linear.gather [hbm4b:s9+s3], $0x800, $0x38;
	v63 =	vld [tilespmem:$0x0]  }
0xb4: {  	_ =	swait.ge [sflag:s29], $0x3E80  }
0xb5: {  	[sflag:s29] =	ssyncset.done $0x0  }
0xb6: {  	[sflag:s29] =	ssyncadd.s32 $0xFFFFC180  }
0xb7: {  	[spmem:s1] =	stream.indirect.scatter.add.f32 [tilespmem:s0], [sflag:$0x4], $0x80, s11, s31, $0xb8;
	v63 =	vld [tilespmem:$0x0]  }
0xb8: {  	_ =	swait.ge [sflag:s6], $0x3E80  }
0xb9: {  	[sflag:s6] =	ssyncset.done $0x0  }
0xba: {  	s7 =	simm.s32 $0x100;
	[sflag:s6] =	ssyncadd.s32 $0xFFFFC180  }
0xbb: {  	[tilespmem:s0], [sflag:$0x1] =	stream.indirect.gather [hbm4b:s4+s31], $0x80, s7, s31, $0xb8;
	v63 =	vld [tilespmem:$0x0]  }
0xbc: {  	_ =	swait.ge [sflag:s8], $0x3E80  }
0xbd: {  	[sflag:s8] =	ssyncset.done $0x0  }
0xbe: {  	s5 =	simm.s32 $0x2880;
	[sflag:s8] =	ssyncadd.s32 $0xFFFFC180  }
0xbf: {  	[spmem:s1] =	stream.indirect.scatter.add.f32 [tilespmem:s2], [sflag:$0x4], $0x80, s5, s31, $0xb8;
	v63 =	vld [tilespmem:$0x0]  }
0xc0: {  	_ =	swait.ge [sflag:s6], $0x3E80  }
0xc1: {  	[sflag:s6] =	ssyncset.done $0x0  }
0xc2: {  	s10 =	simm.s32 $0x180;
	[sflag:s6] =	ssyncadd.s32 $0xFFFFC180  }
0xc3: {  	[tilespmem:s2], [sflag:$0x2] =	stream.indirect.gather [hbm4b:s4+s31], $0x80, s10, s31, $0xb8;
	v63 =	vld [tilespmem:$0x0]  }
0xc4: {  	_ =	swait.ge [sflag:s29], $0x3E80  }
0xc5: {  	[sflag:s29] =	ssyncset.done $0x0  }
0xc6: {  	s24 =	simm.s32 $0x2900;
	[sflag:s29] =	ssyncadd.s32 $0xFFFFC180  }
0xc7: {  	[spmem:s1] =	stream.indirect.scatter.add.f32 [tilespmem:s0], [sflag:$0x4], $0x80, s24, s31, $0xb8;
	v63 =	vld [tilespmem:$0x0]  }
0xc8: {  	_ =	swait.ge [sflag:s6], $0x3E80  }
0xc9: {  	[sflag:s6] =	ssyncset.done $0x0  }
0xca: {  	s7 =	simm.s32 $0x200;
	[sflag:s6] =	ssyncadd.s32 $0xFFFFC180  }
0xcb: {  	[tilespmem:s0], [sflag:$0x1] =	stream.indirect.gather [hbm4b:s4+s31], $0x80, s7, s31, $0xb8;
	v63 =	vld [tilespmem:$0x0]  }
0xcc: {  	_ =	swait.ge [sflag:s8], $0x3E80  }
0xcd: {  	[sflag:s8] =	ssyncset.done $0x0  }
0xce: {  	s9 =	simm.s32 $0x2980;
	[sflag:s8] =	ssyncadd.s32 $0xFFFFC180  }
0xcf: {  	[spmem:s1] =	stream.indirect.scatter.add.f32 [tilespmem:s2], [sflag:$0x4], $0x80, s9, s31, $0xb8;
	v63 =	vld [tilespmem:$0x0]  }
0xd0: {  	_ =	swait.ge [sflag:s6], $0x3E80  }
0xd1: {  	[sflag:s6] =	ssyncset.done $0x0  }
0xd2: {  	s10 =	simm.s32 $0x280;
	[sflag:s6] =	ssyncadd.s32 $0xFFFFC180  }
0xd3: {  	[tilespmem:s2], [sflag:$0x2] =	stream.indirect.gather [hbm4b:s4+s31], $0x80, s10, s31, $0xb8;
	v63 =	vld [tilespmem:$0x0]  }
0xd4: {  	_ =	swait.ge [sflag:s29], $0x3E80  }
0xd5: {  	[sflag:s29] =	ssyncset.done $0x0  }
0xd6: {  	s24 =	simm.s32 $0x2A00;
	[sflag:s29] =	ssyncadd.s32 $0xFFFFC180  }
0xd7: {  	[spmem:s1] =	stream.indirect.scatter.add.f32 [tilespmem:s0], [sflag:$0x4], $0x80, s24, s31, $0xb8;
	v63 =	vld [tilespmem:$0x0]  }
0xd8: {  	_ =	swait.ge [sflag:s6], $0x3E80  }
0xd9: {  	[sflag:s6] =	ssyncset.done $0x0  }
0xda: {  	s7 =	simm.s32 $0x300;
	[sflag:s6] =	ssyncadd.s32 $0xFFFFC180  }
0xdb: {  	[tilespmem:s0], [sflag:$0x1] =	stream.indirect.gather [hbm4b:s4+s31], $0x80, s7, s31, $0xb8;
	v63 =	vld [tilespmem:$0x0]  }
0xdc: {  	_ =	swait.ge [sflag:s8], $0x3E80  }
0xdd: {  	[sflag:s8] =	ssyncset.done $0x0  }
0xde: {  	s9 =	simm.s32 $0x2A80;
	[sflag:s8] =	ssyncadd.s32 $0xFFFFC180  }
0xdf: {  	[spmem:s1] =	stream.indirect.scatter.add.f32 [tilespmem:s2], [sflag:$0x4], $0x80, s9, s31, $0xb8;
	v63 =	vld [tilespmem:$0x0]  }
0xe0: {  	_ =	swait.ge [sflag:s6], $0x3E80  }
0xe1: {  	[sflag:s6] =	ssyncset.done $0x0  }
0xe2: {  	s10 =	simm.s32 $0x380;
	[sflag:s6] =	ssyncadd.s32 $0xFFFFC180  }
0xe3: {  	[tilespmem:s2], [sflag:$0x2] =	stream.indirect.gather [hbm4b:s4+s31], $0x80, s10, s31, $0xb8;
	v63 =	vld [tilespmem:$0x0]  }
0xe4: {  	_ =	swait.ge [sflag:s29], $0x3E80  }
0xe5: {  	[sflag:s29] =	ssyncset.done $0x0  }
0xe6: {  	s24 =	simm.s32 $0x2B00;
	[sflag:s29] =	ssyncadd.s32 $0xFFFFC180  }
0xe7: {  	[spmem:s1] =	stream.indirect.scatter.add.f32 [tilespmem:s0], [sflag:$0x4], $0x80, s24, s31, $0xb8;
	v63 =	vld [tilespmem:$0x0]  }
0xe8: {  	_ =	swait.ge [sflag:s6], $0x3E80  }
0xe9: {  	[sflag:s6] =	ssyncset.done $0x0  }
0xea: {  	s7 =	simm.s32 $0x400;
	[sflag:s6] =	ssyncadd.s32 $0xFFFFC180  }
0xeb: {  	[tilespmem:s0], [sflag:$0x1] =	stream.indirect.gather [hbm4b:s4+s31], $0x80, s7, s31, $0xb8;
	v63 =	vld [tilespmem:$0x0]  }
0xec: {  	_ =	swait.ge [sflag:s8], $0x3E80  }
0xed: {  	[sflag:s8] =	ssyncset.done $0x0  }
0xee: {  	s9 =	simm.s32 $0x2B80;
	[sflag:s8] =	ssyncadd.s32 $0xFFFFC180  }
0xef: {  	[spmem:s1] =	stream.indirect.scatter.add.f32 [tilespmem:s2], [sflag:$0x4], $0x80, s9, s31, $0xb8;
	v63 =	vld [tilespmem:$0x0]  }
0xf0: {  	_ =	swait.ge [sflag:s6], $0x3E80  }
0xf1: {  	[sflag:s6] =	ssyncset.done $0x0  }
0xf2: {  	s10 =	simm.s32 $0x480;
	[sflag:s6] =	ssyncadd.s32 $0xFFFFC180  }
0xf3: {  	[tilespmem:s2], [sflag:$0x2] =	stream.indirect.gather [hbm4b:s4+s31], $0x80, s10, s31, $0xb8;
	v63 =	vld [tilespmem:$0x0]  }
0xf4: {  	_ =	swait.ge [sflag:s29], $0x3E80  }
0xf5: {  	[sflag:s29] =	ssyncset.done $0x0  }
0xf6: {  	s24 =	simm.s32 $0x2C00;
	[sflag:s29] =	ssyncadd.s32 $0xFFFFC180  }
0xf7: {  	[spmem:s1] =	stream.indirect.scatter.add.f32 [tilespmem:s0], [sflag:$0x4], $0x80, s24, s31, $0xb8;
	v63 =	vld [tilespmem:$0x0]  }
0xf8: {  	_ =	swait.ge [sflag:s6], $0x3E80  }
0xf9: {  	[sflag:s6] =	ssyncset.done $0x0  }
0xfa: {  	s7 =	simm.s32 $0x500;
	[sflag:s6] =	ssyncadd.s32 $0xFFFFC180  }
0xfb: {  	[tilespmem:s0], [sflag:$0x1] =	stream.indirect.gather [hbm4b:s4+s31], $0x80, s7, s31, $0xb8;
	v63 =	vld [tilespmem:$0x0]  }
0xfc: {  	_ =	swait.ge [sflag:s8], $0x3E80  }
0xfd: {  	[sflag:s8] =	ssyncset.done $0x0  }
0xfe: {  	s9 =	simm.s32 $0x2C80;
	[sflag:s8] =	ssyncadd.s32 $0xFFFFC180  }
0xff: {  	[spmem:s1] =	stream.indirect.scatter.add.f32 [tilespmem:s2], [sflag:$0x4], $0x80, s9, s31, $0xb8;
	v63 =	vld [tilespmem:$0x0]  }
0x100: {  	_ =	swait.ge [sflag:s6], $0x3E80  }
0x101: {  	[sflag:s6] =	ssyncset.done $0x0  }
0x102: {  	s10 =	simm.s32 $0x580;
	[sflag:s6] =	ssyncadd.s32 $0xFFFFC180  }
0x103: {  	[tilespmem:s2], [sflag:$0x2] =	stream.indirect.gather [hbm4b:s4+s31], $0x80, s10, s31, $0xb8;
	v63 =	vld [tilespmem:$0x0]  }
0x104: {  	_ =	swait.ge [sflag:s29], $0x3E80  }
0x105: {  	[sflag:s29] =	ssyncset.done $0x0  }
0x106: {  	s24 =	simm.s32 $0x2D00;
	[sflag:s29] =	ssyncadd.s32 $0xFFFFC180  }
0x107: {  	[spmem:s1] =	stream.indirect.scatter.add.f32 [tilespmem:s0], [sflag:$0x4], $0x80, s24, s31, $0xb8;
	v63 =	vld [tilespmem:$0x0]  }
0x108: {  	_ =	swait.ge [sflag:s6], $0x3E80  }
0x109: {  	[sflag:s6] =	ssyncset.done $0x0  }
0x10a: {  	s7 =	simm.s32 $0x600;
	[sflag:s6] =	ssyncadd.s32 $0xFFFFC180  }
0x10b: {  	[tilespmem:s0], [sflag:$0x1] =	stream.indirect.gather [hbm4b:s4+s31], $0x80, s7, s31, $0xb8;
	v63 =	vld [tilespmem:$0x0]  }
0x10c: {  	_ =	swait.ge [sflag:s8], $0x3E80  }
0x10d: {  	[sflag:s8] =	ssyncset.done $0x0  }
0x10e: {  	s9 =	simm.s32 $0x2D80;
	[sflag:s8] =	ssyncadd.s32 $0xFFFFC180  }
0x10f: {  	[spmem:s1] =	stream.indirect.scatter.add.f32 [tilespmem:s2], [sflag:$0x4], $0x80, s9, s31, $0xb8;
	v63 =	vld [tilespmem:$0x0]  }
0x110: {  	_ =	swait.ge [sflag:s6], $0x3E80  }
0x111: {  	[sflag:s6] =	ssyncset.done $0x0  }
0x112: {  	s10 =	simm.s32 $0x680;
	[sflag:s6] =	ssyncadd.s32 $0xFFFFC180  }
0x113: {  	[tilespmem:s2], [sflag:$0x2] =	stream.indirect.gather [hbm4b:s4+s31], $0x80, s10, s31, $0xb8;
	v63 =	vld [tilespmem:$0x0]  }
0x114: {  	_ =	swait.ge [sflag:s29], $0x3E80  }
0x115: {  	[sflag:s29] =	ssyncset.done $0x0  }
0x116: {  	s24 =	simm.s32 $0x2E00;
	[sflag:s29] =	ssyncadd.s32 $0xFFFFC180  }
0x117: {  	[spmem:s1] =	stream.indirect.scatter.add.f32 [tilespmem:s0], [sflag:$0x4], $0x80, s24, s31, $0xb8;
	v63 =	vld [tilespmem:$0x0]  }
0x118: {  	_ =	swait.ge [sflag:s6], $0x3E80  }
0x119: {  	[sflag:s6] =	ssyncset.done $0x0  }
0x11a: {  	s7 =	simm.s32 $0x700;
	[sflag:s6] =	ssyncadd.s32 $0xFFFFC180  }
0x11b: {  	[tilespmem:s0], [sflag:$0x1] =	stream.indirect.gather [hbm4b:s4+s31], $0x80, s7, s31, $0xb8;
	v63 =	vld [tilespmem:$0x0]  }
0x11c: {  	_ =	swait.ge [sflag:s8], $0x3E80  }
0x11d: {  	[sflag:s8] =	ssyncset.done $0x0  }
0x11e: {  	s9 =	simm.s32 $0x2E80;
	[sflag:s8] =	ssyncadd.s32 $0xFFFFC180  }
0x11f: {  	[spmem:s1] =	stream.indirect.scatter.add.f32 [tilespmem:s2], [sflag:$0x4], $0x80, s9, s31, $0xb8;
	v63 =	vld [tilespmem:$0x0]  }
0x120: {  	_ =	swait.ge [sflag:s6], $0x3E80  }
0x121: {  	[sflag:s6] =	ssyncset.done $0x0  }
0x122: {  	s10 =	simm.s32 $0x780;
	[sflag:s6] =	ssyncadd.s32 $0xFFFFC180  }
0x123: {  	[tilespmem:s2], [sflag:$0x2] =	stream.indirect.gather [hbm4b:s4+s31], $0x80, s10, s31, $0xb8;
	v63 =	vld [tilespmem:$0x0]  }
0x124: {  	_ =	swait.ge [sflag:s29], $0x3E80  }
0x125: {  	[sflag:s29] =	ssyncset.done $0x0  }
0x126: {  	s24 =	simm.s32 $0x2F00;
	[sflag:s29] =	ssyncadd.s32 $0xFFFFC180  }
0x127: {  	[spmem:s1] =	stream.indirect.scatter.add.f32 [tilespmem:s0], [sflag:$0x4], $0x80, s24, s31, $0xb8;
	v63 =	vld [tilespmem:$0x0]  }
0x128: {  	_ =	swait.ge [sflag:s6], $0x3E80  }
0x129: {  	[sflag:s6] =	ssyncset.done $0x0  }
0x12a: {  	s5 =	simm.s32 $0x800;
	[sflag:s6] =	ssyncadd.s32 $0xFFFFC180  }
0x12b: {  	[tilespmem:s0], [sflag:$0x1] =	stream.indirect.gather [hbm4b:s4+s31], $0x80, s5, s31, $0xb8;
	v63 =	vld [tilespmem:$0x0]  }
0x12c: {  	_ =	swait.ge [sflag:s8], $0x3E80  }
0x12d: {  	[sflag:s8] =	ssyncset.done $0x0  }
0x12e: {  	s24 =	simm.s32 $0x2F80;
	[sflag:s8] =	ssyncadd.s32 $0xFFFFC180  }
0x12f: {  	[spmem:s1] =	stream.indirect.scatter.add.f32 [tilespmem:s2], [sflag:$0x4], $0x80, s24, s31, $0xb8;
	v63 =	vld [tilespmem:$0x0]  }
0x130: {  	_ =	swait.ge [sflag:s6], $0x3E80  }
0x131: {  	[sflag:s6] =	ssyncset.done $0x0  }
0x132: {  	s7 =	simm.s32 $0x880;
	[sflag:s6] =	ssyncadd.s32 $0xFFFFC180  }
0x133: {  	[tilespmem:s2], [sflag:$0x2] =	stream.indirect.gather [hbm4b:s4+s31], $0x80, s7, s31, $0xb8;
	v63 =	vld [tilespmem:$0x0]  }
0x134: {  	_ =	swait.ge [sflag:s30], $0x800  }
0x135: {  	[sflag:s30] =	ssyncset.done $0x0  }
0x136: {  	s10 =	rddreg [dreg:$0x7];
	[sflag:s30] =	ssyncadd.s32 $0xFFFFF800  }
0x137: {  	[tilespmem:s11], [sflag:$0x3] =	stream.linear.gather [hbm4b:s10+s3], $0x800, $0x38;
	v63 =	vld [tilespmem:$0x0]  }
0x138: {  	_ =	swait.ge [sflag:s29], $0x3E80  }
0x139: {  	[sflag:s29] =	ssyncset.done $0x0  }
0x13a: {  	[sflag:s29] =	ssyncadd.s32 $0xFFFFC180  }
0x13b: {  	[spmem:s1] =	stream.indirect.scatter.add.f32 [tilespmem:s0], [sflag:$0x4], $0x80, s26, s31, $0xb8;
	v63 =	vld [tilespmem:$0x0]  }
0x13c: {  	_ =	swait.ge [sflag:s6], $0x3E80  }
0x13d: {  	[sflag:s6] =	ssyncset.done $0x0  }
0x13e: {  	s3 =	simm.s32 $0x900;
	[sflag:s6] =	ssyncadd.s32 $0xFFFFC180  }
0x13f: {  	[tilespmem:s0], [sflag:$0x1] =	stream.indirect.gather [hbm4b:s4+s31], $0x80, s3, s31, $0xb8;
	v63 =	vld [tilespmem:$0x0]  }
0x140: {  	_ =	swait.ge [sflag:s8], $0x3E80  }
0x141: {  	[sflag:s8] =	ssyncset.done $0x0  }
0x142: {  	s11 =	simm.s32 $0x3080;
	[sflag:s8] =	ssyncadd.s32 $0xFFFFC180  }
0x143: {  	[spmem:s1] =	stream.indirect.scatter.add.f32 [tilespmem:s2], [sflag:$0x4], $0x80, s11, s31, $0xb8;
	v63 =	vld [tilespmem:$0x0]  }
0x144: {  	_ =	swait.ge [sflag:s6], $0x3E80  }
0x145: {  	[sflag:s6] =	ssyncset.done $0x0  }
0x146: {  	s5 =	simm.s32 $0x980;
	[sflag:s6] =	ssyncadd.s32 $0xFFFFC180  }
0x147: {  	[tilespmem:s2], [sflag:$0x2] =	stream.indirect.gather [hbm4b:s4+s31], $0x80, s5, s31, $0xb8;
	v63 =	vld [tilespmem:$0x0]  }
0x148: {  	_ =	swait.ge [sflag:s29], $0x3E80  }
0x149: {  	[sflag:s29] =	ssyncset.done $0x0  }
0x14a: {  	s5 =	simm.s32 $0x3100;
	[sflag:s29] =	ssyncadd.s32 $0xFFFFC180  }
0x14b: {  	[spmem:s1] =	stream.indirect.scatter.add.f32 [tilespmem:s0], [sflag:$0x4], $0x80, s5, s31, $0xb8;
	v63 =	vld [tilespmem:$0x0]  }
0x14c: {  	_ =	swait.ge [sflag:s6], $0x3E80  }
0x14d: {  	[sflag:s6] =	ssyncset.done $0x0  }
0x14e: {  	s10 =	simm.s32 $0xA00;
	[sflag:s6] =	ssyncadd.s32 $0xFFFFC180  }
0x14f: {  	[tilespmem:s0], [sflag:$0x1] =	stream.indirect.gather [hbm4b:s4+s31], $0x80, s10, s31, $0xb8;
	v63 =	vld [tilespmem:$0x0]  }
0x150: {  	_ =	swait.ge [sflag:s8], $0x3E80  }
0x151: {  	[sflag:s8] =	ssyncset.done $0x0  }
0x152: {  	s10 =	simm.s32 $0x3180;
	[sflag:s8] =	ssyncadd.s32 $0xFFFFC180  }
0x153: {  	[spmem:s1] =	stream.indirect.scatter.add.f32 [tilespmem:s2], [sflag:$0x4], $0x80, s10, s31, $0xb8;
	v63 =	vld [tilespmem:$0x0]  }
0x154: {  	_ =	swait.ge [sflag:s6], $0x3E80  }
0x155: {  	[sflag:s6] =	ssyncset.done $0x0  }
0x156: {  	s9 =	simm.s32 $0xA80;
	[sflag:s6] =	ssyncadd.s32 $0xFFFFC180  }
0x157: {  	[tilespmem:s2], [sflag:$0x2] =	stream.indirect.gather [hbm4b:s4+s31], $0x80, s9, s31, $0xb8;
	v63 =	vld [tilespmem:$0x0]  }
0x158: {  	_ =	swait.ge [sflag:s29], $0x3E80  }
0x159: {  	[sflag:s29] =	ssyncset.done $0x0  }
0x15a: {  	[sflag:s29] =	ssyncadd.s32 $0xFFFFC180  }
0x15b: {  	[spmem:s1] =	stream.indirect.scatter.add.f32 [tilespmem:s0], [sflag:$0x4], $0x80, s12, s31, $0xb8;
	v63 =	vld [tilespmem:$0x0]  }
0x15c: {  	_ =	swait.ge [sflag:s6], $0x3E80  }
0x15d: {  	[sflag:s6] =	ssyncset.done $0x0  }
0x15e: {  	s9 =	simm.s32 $0xB00;
	[sflag:s6] =	ssyncadd.s32 $0xFFFFC180  }
0x15f: {  	[tilespmem:s0], [sflag:$0x1] =	stream.indirect.gather [hbm4b:s4+s31], $0x80, s9, s31, $0xb8;
	v63 =	vld [tilespmem:$0x0]  }
0x160: {  	_ =	swait.ge [sflag:s8], $0x3E80  }
0x161: {  	[sflag:s8] =	ssyncset.done $0x0  }
0x162: {  	[sflag:s8] =	ssyncadd.s32 $0xFFFFC180  }
0x163: {  	[spmem:s1] =	stream.indirect.scatter.add.f32 [tilespmem:s2], [sflag:$0x4], $0x80, s13, s31, $0xb8;
	v63 =	vld [tilespmem:$0x0]  }
0x164: {  	_ =	swait.ge [sflag:s6], $0x3E80  }
0x165: {  	[sflag:s6] =	ssyncset.done $0x0  }
0x166: {  	s9 =	simm.s32 $0xB80;
	[sflag:s6] =	ssyncadd.s32 $0xFFFFC180  }
0x167: {  	[tilespmem:s2], [sflag:$0x2] =	stream.indirect.gather [hbm4b:s4+s31], $0x80, s9, s31, $0xb8;
	v63 =	vld [tilespmem:$0x0]  }
0x168: {  	_ =	swait.ge [sflag:s29], $0x3E80  }
0x169: {  	[sflag:s29] =	ssyncset.done $0x0  }
0x16a: {  	[sflag:s29] =	ssyncadd.s32 $0xFFFFC180  }
0x16b: {  	[spmem:s1] =	stream.indirect.scatter.add.f32 [tilespmem:s0], [sflag:$0x4], $0x80, s14, s31, $0xb8;
	v63 =	vld [tilespmem:$0x0]  }
0x16c: {  	_ =	swait.ge [sflag:s6], $0x3E80  }
0x16d: {  	[sflag:s6] =	ssyncset.done $0x0  }
0x16e: {  	s9 =	simm.s32 $0xC00;
	[sflag:s6] =	ssyncadd.s32 $0xFFFFC180  }
0x16f: {  	[tilespmem:s0], [sflag:$0x1] =	stream.indirect.gather [hbm4b:s4+s31], $0x80, s9, s31, $0xb8;
	v63 =	vld [tilespmem:$0x0]  }
0x170: {  	_ =	swait.ge [sflag:s8], $0x3E80  }
0x171: {  	[sflag:s8] =	ssyncset.done $0x0  }
0x172: {  	[sflag:s8] =	ssyncadd.s32 $0xFFFFC180  }
0x173: {  	[spmem:s1] =	stream.indirect.scatter.add.f32 [tilespmem:s2], [sflag:$0x4], $0x80, s15, s31, $0xb8;
	v63 =	vld [tilespmem:$0x0]  }
0x174: {  	_ =	swait.ge [sflag:s6], $0x3E80  }
0x175: {  	[sflag:s6] =	ssyncset.done $0x0  }
0x176: {  	s9 =	simm.s32 $0xC80;
	[sflag:s6] =	ssyncadd.s32 $0xFFFFC180  }
0x177: {  	[tilespmem:s2], [sflag:$0x2] =	stream.indirect.gather [hbm4b:s4+s31], $0x80, s9, s31, $0xb8;
	v63 =	vld [tilespmem:$0x0]  }
0x178: {  	_ =	swait.ge [sflag:s29], $0x3E80  }
0x179: {  	[sflag:s29] =	ssyncset.done $0x0  }
0x17a: {  	[sflag:s29] =	ssyncadd.s32 $0xFFFFC180  }
0x17b: {  	[spmem:s1] =	stream.indirect.scatter.add.f32 [tilespmem:s0], [sflag:$0x4], $0x80, s16, s31, $0xb8;
	v63 =	vld [tilespmem:$0x0]  }
0x17c: {  	_ =	swait.ge [sflag:s6], $0x3E80  }
0x17d: {  	[sflag:s6] =	ssyncset.done $0x0  }
0x17e: {  	s9 =	simm.s32 $0xD00;
	[sflag:s6] =	ssyncadd.s32 $0xFFFFC180  }
0x17f: {  	[tilespmem:s0], [sflag:$0x1] =	stream.indirect.gather [hbm4b:s4+s31], $0x80, s9, s31, $0xb8;
	v63 =	vld [tilespmem:$0x0]  }
0x180: {  	_ =	swait.ge [sflag:s8], $0x3E80  }
0x181: {  	[sflag:s8] =	ssyncset.done $0x0  }
0x182: {  	[sflag:s8] =	ssyncadd.s32 $0xFFFFC180  }
0x183: {  	[spmem:s1] =	stream.indirect.scatter.add.f32 [tilespmem:s2], [sflag:$0x4], $0x80, s17, s31, $0xb8;
	v63 =	vld [tilespmem:$0x0]  }
0x184: {  	_ =	swait.ge [sflag:s6], $0x3E80  }
0x185: {  	[sflag:s6] =	ssyncset.done $0x0  }
0x186: {  	s9 =	simm.s32 $0xD80;
	[sflag:s6] =	ssyncadd.s32 $0xFFFFC180  }
0x187: {  	[tilespmem:s2], [sflag:$0x2] =	stream.indirect.gather [hbm4b:s4+s31], $0x80, s9, s31, $0xb8;
	v63 =	vld [tilespmem:$0x0]  }
0x188: {  	_ =	swait.ge [sflag:s29], $0x3E80  }
0x189: {  	[sflag:s29] =	ssyncset.done $0x0  }
0x18a: {  	[sflag:s29] =	ssyncadd.s32 $0xFFFFC180  }
0x18b: {  	[spmem:s1] =	stream.indirect.scatter.add.f32 [tilespmem:s0], [sflag:$0x4], $0x80, s18, s31, $0xb8;
	v63 =	vld [tilespmem:$0x0]  }
0x18c: {  	_ =	swait.ge [sflag:s6], $0x3E80  }
0x18d: {  	[sflag:s6] =	ssyncset.done $0x0  }
0x18e: {  	s9 =	simm.s32 $0xE00;
	[sflag:s6] =	ssyncadd.s32 $0xFFFFC180  }
0x18f: {  	[tilespmem:s0], [sflag:$0x1] =	stream.indirect.gather [hbm4b:s4+s31], $0x80, s9, s31, $0xb8;
	v63 =	vld [tilespmem:$0x0]  }
0x190: {  	_ =	swait.ge [sflag:s8], $0x3E80  }
0x191: {  	[sflag:s8] =	ssyncset.done $0x0  }
0x192: {  	[sflag:s8] =	ssyncadd.s32 $0xFFFFC180  }
0x193: {  	[spmem:s1] =	stream.indirect.scatter.add.f32 [tilespmem:s2], [sflag:$0x4], $0x80, s19, s31, $0xb8;
	v63 =	vld [tilespmem:$0x0]  }
0x194: {  	_ =	swait.ge [sflag:s6], $0x3E80  }
0x195: {  	[sflag:s6] =	ssyncset.done $0x0  }
0x196: {  	s9 =	simm.s32 $0xE80;
	[sflag:s6] =	ssyncadd.s32 $0xFFFFC180  }
0x197: {  	[tilespmem:s2], [sflag:$0x2] =	stream.indirect.gather [hbm4b:s4+s31], $0x80, s9, s31, $0xb8;
	v63 =	vld [tilespmem:$0x0]  }
0x198: {  	_ =	swait.ge [sflag:s29], $0x3E80  }
0x199: {  	[sflag:s29] =	ssyncset.done $0x0  }
0x19a: {  	[sflag:s29] =	ssyncadd.s32 $0xFFFFC180  }
0x19b: {  	[spmem:s1] =	stream.indirect.scatter.add.f32 [tilespmem:s0], [sflag:$0x4], $0x80, s20, s31, $0xb8;
	v63 =	vld [tilespmem:$0x0]  }
0x19c: {  	_ =	swait.ge [sflag:s6], $0x3E80  }
0x19d: {  	[sflag:s6] =	ssyncset.done $0x0  }
0x19e: {  	s9 =	simm.s32 $0xF00;
	[sflag:s6] =	ssyncadd.s32 $0xFFFFC180  }
0x19f: {  	[tilespmem:s0], [sflag:$0x1] =	stream.indirect.gather [hbm4b:s4+s31], $0x80, s9, s31, $0xb8;
	v63 =	vld [tilespmem:$0x0]  }
0x1a0: {  	_ =	swait.ge [sflag:s8], $0x3E80  }
0x1a1: {  	[sflag:s8] =	ssyncset.done $0x0  }
0x1a2: {  	[sflag:s8] =	ssyncadd.s32 $0xFFFFC180  }
0x1a3: {  	[spmem:s1] =	stream.indirect.scatter.add.f32 [tilespmem:s2], [sflag:$0x4], $0x80, s21, s31, $0xb8;
	v63 =	vld [tilespmem:$0x0]  }
0x1a4: {  	_ =	swait.ge [sflag:s6], $0x3E80  }
0x1a5: {  	[sflag:s6] =	ssyncset.done $0x0  }
0x1a6: {  	s9 =	simm.s32 $0xF80;
	[sflag:s6] =	ssyncadd.s32 $0xFFFFC180  }
0x1a7: {  	[tilespmem:s2], [sflag:$0x2] =	stream.indirect.gather [hbm4b:s4+s31], $0x80, s9, s31, $0xb8;
	v63 =	vld [tilespmem:$0x0]  }
0x1a8: {  	_ =	swait.ge [sflag:s29], $0x3E80  }
0x1a9: {  	[sflag:s29] =	ssyncset.done $0x0  }
0x1aa: {  	[sflag:s29] =	ssyncadd.s32 $0xFFFFC180  }
0x1ab: {  	[spmem:s1] =	stream.indirect.scatter.add.f32 [tilespmem:s0], [sflag:$0x4], $0x80, s22, s31, $0xb8;
	v63 =	vld [tilespmem:$0x0]  }
0x1ac: {  	_ =	swait.ge [sflag:s6], $0x3E80  }
0x1ad: {  	[sflag:s6] =	ssyncset.done $0x0  }
0x1ae: {  	s9 =	simm.s32 $0x1000;
	[sflag:s6] =	ssyncadd.s32 $0xFFFFC180  }
0x1af: {  	[tilespmem:s0], [sflag:$0x1] =	stream.indirect.gather [hbm4b:s4+s31], $0x80, s9, s31, $0xb8;
	v63 =	vld [tilespmem:$0x0]  }
0x1b0: {  	_ =	swait.ge [sflag:s8], $0x3E80  }
0x1b1: {  	[sflag:s8] =	ssyncset.done $0x0  }
0x1b2: {  	[sflag:s8] =	ssyncadd.s32 $0xFFFFC180  }
0x1b3: {  	[spmem:s1] =	stream.indirect.scatter.add.f32 [tilespmem:s2], [sflag:$0x4], $0x80, s23, s31, $0xb8;
	v63 =	vld [tilespmem:$0x0]  }
0x1b4: {  	_ =	swait.ge [sflag:s6], $0x3E80  }
0x1b5: {  	[sflag:s6] =	ssyncset.done $0x0  }
0x1b6: {  	s9 =	simm.s32 $0x1080;
	[sflag:s6] =	ssyncadd.s32 $0xFFFFC180  }
0x1b7: {  	[tilespmem:s2], [sflag:$0x2] =	stream.indirect.gather [hbm4b:s4+s31], $0x80, s9, s31, $0xb8;
	v63 =	vld [tilespmem:$0x0]  }
0x1b8: {  	_ =	swait.ge [sflag:s30], $0x800  }
0x1b9: {  	[sflag:s30] =	ssyncset.done $0x0  }
0x1ba: {  	s3 =	simm.s32 $0x0;
	s9 =	rddreg [dreg:$0x8];
	[sflag:s30] =	ssyncadd.s32 $0xFFFFF800  }
0x1bb: {  	[tilespmem:s26], [sflag:$0x3] =	stream.linear.gather [hbm4b:s9+s3], $0x800, $0x38;
	v63 =	vld [tilespmem:$0x0]  }
0x1bc: {  	_ =	swait.ge [sflag:s29], $0x3E80  }
0x1bd: {  	[sflag:s29] =	ssyncset.done $0x0  }
0x1be: {  	s7 =	simm.s32 $0x2800;
	[sflag:s29] =	ssyncadd.s32 $0xFFFFC180  }
0x1bf: {  	[spmem:s1] =	stream.indirect.scatter.add.f32 [tilespmem:s0], [sflag:$0x4], $0x80, s7, s31, $0xb8;
	v63 =	vld [tilespmem:$0x0]  }
0x1c0: {  	_ =	swait.ge [sflag:s6], $0x3E80  }
0x1c1: {  	[sflag:s6] =	ssyncset.done $0x0  }
0x1c2: {  	s9 =	simm.s32 $0x1100;
	[sflag:s6] =	ssyncadd.s32 $0xFFFFC180  }
0x1c3: {  	[tilespmem:s0], [sflag:$0x1] =	stream.indirect.gather [hbm4b:s4+s31], $0x80, s9, s31, $0xb8;
	v63 =	vld [tilespmem:$0x0]  }
0x1c4: {  	_ =	swait.ge [sflag:s8], $0x3E80  }
0x1c5: {  	[sflag:s8] =	ssyncset.done $0x0  }
0x1c6: {  	s9 =	simm.s32 $0x2880;
	[sflag:s8] =	ssyncadd.s32 $0xFFFFC180  }
0x1c7: {  	[spmem:s1] =	stream.indirect.scatter.add.f32 [tilespmem:s2], [sflag:$0x4], $0x80, s9, s31, $0xb8;
	v63 =	vld [tilespmem:$0x0]  }
0x1c8: {  	_ =	swait.ge [sflag:s6], $0x3E80  }
0x1c9: {  	[sflag:s6] =	ssyncset.done $0x0  }
0x1ca: {  	s9 =	simm.s32 $0x1180;
	[sflag:s6] =	ssyncadd.s32 $0xFFFFC180  }
0x1cb: {  	[tilespmem:s2], [sflag:$0x2] =	stream.indirect.gather [hbm4b:s4+s31], $0x80, s9, s31, $0xb8;
	v63 =	vld [tilespmem:$0x0]  }
0x1cc: {  	_ =	swait.ge [sflag:s29], $0x3E80  }
0x1cd: {  	[sflag:s29] =	ssyncset.done $0x0  }
0x1ce: {  	s9 =	simm.s32 $0x2900;
	[sflag:s29] =	ssyncadd.s32 $0xFFFFC180  }
0x1cf: {  	[spmem:s1] =	stream.indirect.scatter.add.f32 [tilespmem:s0], [sflag:$0x4], $0x80, s9, s31, $0xb8;
	v63 =	vld [tilespmem:$0x0]  }
0x1d0: {  	_ =	swait.ge [sflag:s6], $0x3E80  }
0x1d1: {  	[sflag:s6] =	ssyncset.done $0x0  }
0x1d2: {  	s9 =	simm.s32 $0x1200;
	[sflag:s6] =	ssyncadd.s32 $0xFFFFC180  }
0x1d3: {  	[tilespmem:s0], [sflag:$0x1] =	stream.indirect.gather [hbm4b:s4+s31], $0x80, s9, s31, $0xb8;
	v63 =	vld [tilespmem:$0x0]  }
0x1d4: {  	_ =	swait.ge [sflag:s8], $0x3E80  }
0x1d5: {  	[sflag:s8] =	ssyncset.done $0x0  }
0x1d6: {  	s9 =	simm.s32 $0x2980;
	[sflag:s8] =	ssyncadd.s32 $0xFFFFC180  }
0x1d7: {  	[spmem:s1] =	stream.indirect.scatter.add.f32 [tilespmem:s2], [sflag:$0x4], $0x80, s9, s31, $0xb8;
	v63 =	vld [tilespmem:$0x0]  }
0x1d8: {  	_ =	swait.ge [sflag:s6], $0x3E80  }
0x1d9: {  	[sflag:s6] =	ssyncset.done $0x0  }
0x1da: {  	s9 =	simm.s32 $0x1280;
	[sflag:s6] =	ssyncadd.s32 $0xFFFFC180  }
0x1db: {  	[tilespmem:s2], [sflag:$0x2] =	stream.indirect.gather [hbm4b:s4+s31], $0x80, s9, s31, $0xb8;
	v63 =	vld [tilespmem:$0x0]  }
0x1dc: {  	_ =	swait.ge [sflag:s29], $0x3E80  }
0x1dd: {  	[sflag:s29] =	ssyncset.done $0x0  }
0x1de: {  	s9 =	simm.s32 $0x2A00;
	[sflag:s29] =	ssyncadd.s32 $0xFFFFC180  }
0x1df: {  	[spmem:s1] =	stream.indirect.scatter.add.f32 [tilespmem:s0], [sflag:$0x4], $0x80, s9, s31, $0xb8;
	v63 =	vld [tilespmem:$0x0]  }
0x1e0: {  	_ =	swait.ge [sflag:s6], $0x3E80  }
0x1e1: {  	[sflag:s6] =	ssyncset.done $0x0  }
0x1e2: {  	s9 =	simm.s32 $0x1300;
	[sflag:s6] =	ssyncadd.s32 $0xFFFFC180  }
0x1e3: {  	[tilespmem:s0], [sflag:$0x1] =	stream.indirect.gather [hbm4b:s4+s31], $0x80, s9, s31, $0xb8;
	v63 =	vld [tilespmem:$0x0]  }
0x1e4: {  	_ =	swait.ge [sflag:s8], $0x3E80  }
0x1e5: {  	[sflag:s8] =	ssyncset.done $0x0  }
0x1e6: {  	s9 =	simm.s32 $0x2A80;
	[sflag:s8] =	ssyncadd.s32 $0xFFFFC180  }
0x1e7: {  	[spmem:s1] =	stream.indirect.scatter.add.f32 [tilespmem:s2], [sflag:$0x4], $0x80, s9, s31, $0xb8;
	v63 =	vld [tilespmem:$0x0]  }
0x1e8: {  	_ =	swait.ge [sflag:s6], $0x3E80  }
0x1e9: {  	[sflag:s6] =	ssyncset.done $0x0  }
0x1ea: {  	s9 =	simm.s32 $0x1380;
	[sflag:s6] =	ssyncadd.s32 $0xFFFFC180  }
0x1eb: {  	[tilespmem:s2], [sflag:$0x2] =	stream.indirect.gather [hbm4b:s4+s31], $0x80, s9, s31, $0xb8;
	v63 =	vld [tilespmem:$0x0]  }
0x1ec: {  	_ =	swait.ge [sflag:s29], $0x3E80  }
0x1ed: {  	[sflag:s29] =	ssyncset.done $0x0  }
0x1ee: {  	s9 =	simm.s32 $0x2B00;
	[sflag:s29] =	ssyncadd.s32 $0xFFFFC180  }
0x1ef: {  	[spmem:s1] =	stream.indirect.scatter.add.f32 [tilespmem:s0], [sflag:$0x4], $0x80, s9, s31, $0xb8;
	v63 =	vld [tilespmem:$0x0]  }
0x1f0: {  	_ =	swait.ge [sflag:s6], $0x3E80  }
0x1f1: {  	[sflag:s6] =	ssyncset.done $0x0  }
0x1f2: {  	s9 =	simm.s32 $0x1400;
	[sflag:s6] =	ssyncadd.s32 $0xFFFFC180  }
0x1f3: {  	[tilespmem:s0], [sflag:$0x1] =	stream.indirect.gather [hbm4b:s4+s31], $0x80, s9, s31, $0xb8;
	v63 =	vld [tilespmem:$0x0]  }
0x1f4: {  	_ =	swait.ge [sflag:s8], $0x3E80  }
0x1f5: {  	[sflag:s8] =	ssyncset.done $0x0  }
0x1f6: {  	s9 =	simm.s32 $0x2B80;
	[sflag:s8] =	ssyncadd.s32 $0xFFFFC180  }
0x1f7: {  	[spmem:s1] =	stream.indirect.scatter.add.f32 [tilespmem:s2], [sflag:$0x4], $0x80, s9, s31, $0xb8;
	v63 =	vld [tilespmem:$0x0]  }
0x1f8: {  	_ =	swait.ge [sflag:s6], $0x3E80  }
0x1f9: {  	[sflag:s6] =	ssyncset.done $0x0  }
0x1fa: {  	s9 =	simm.s32 $0x1480;
	[sflag:s6] =	ssyncadd.s32 $0xFFFFC180  }
0x1fb: {  	[tilespmem:s2], [sflag:$0x2] =	stream.indirect.gather [hbm4b:s4+s31], $0x80, s9, s31, $0xb8;
	v63 =	vld [tilespmem:$0x0]  }
0x1fc: {  	_ =	swait.ge [sflag:s29], $0x3E80  }
0x1fd: {  	[sflag:s29] =	ssyncset.done $0x0  }
0x1fe: {  	s9 =	simm.s32 $0x2C00;
	[sflag:s29] =	ssyncadd.s32 $0xFFFFC180  }
0x1ff: {  	[spmem:s1] =	stream.indirect.scatter.add.f32 [tilespmem:s0], [sflag:$0x4], $0x80, s9, s31, $0xb8;
	v63 =	vld [tilespmem:$0x0]  }
0x200: {  	_ =	swait.ge [sflag:s6], $0x3E80  }
0x201: {  	[sflag:s6] =	ssyncset.done $0x0  }
0x202: {  	s9 =	simm.s32 $0x1500;
	[sflag:s6] =	ssyncadd.s32 $0xFFFFC180  }
0x203: {  	[tilespmem:s0], [sflag:$0x1] =	stream.indirect.gather [hbm4b:s4+s31], $0x80, s9, s31, $0xb8;
	v63 =	vld [tilespmem:$0x0]  }
0x204: {  	_ =	swait.ge [sflag:s8], $0x3E80  }
0x205: {  	[sflag:s8] =	ssyncset.done $0x0  }
0x206: {  	s9 =	simm.s32 $0x2C80;
	[sflag:s8] =	ssyncadd.s32 $0xFFFFC180  }
0x207: {  	[spmem:s1] =	stream.indirect.scatter.add.f32 [tilespmem:s2], [sflag:$0x4], $0x80, s9, s31, $0xb8;
	v63 =	vld [tilespmem:$0x0]  }
0x208: {  	_ =	swait.ge [sflag:s6], $0x3E80  }
0x209: {  	[sflag:s6] =	ssyncset.done $0x0  }
0x20a: {  	s9 =	simm.s32 $0x1580;
	[sflag:s6] =	ssyncadd.s32 $0xFFFFC180  }
0x20b: {  	[tilespmem:s2], [sflag:$0x2] =	stream.indirect.gather [hbm4b:s4+s31], $0x80, s9, s31, $0xb8;
	v63 =	vld [tilespmem:$0x0]  }
0x20c: {  	_ =	swait.ge [sflag:s29], $0x3E80  }
0x20d: {  	[sflag:s29] =	ssyncset.done $0x0  }
0x20e: {  	s9 =	simm.s32 $0x2D00;
	[sflag:s29] =	ssyncadd.s32 $0xFFFFC180  }
0x20f: {  	[spmem:s1] =	stream.indirect.scatter.add.f32 [tilespmem:s0], [sflag:$0x4], $0x80, s9, s31, $0xb8;
	v63 =	vld [tilespmem:$0x0]  }
0x210: {  	_ =	swait.ge [sflag:s6], $0x3E80  }
0x211: {  	[sflag:s6] =	ssyncset.done $0x0  }
0x212: {  	s9 =	simm.s32 $0x1600;
	[sflag:s6] =	ssyncadd.s32 $0xFFFFC180  }
0x213: {  	[tilespmem:s0], [sflag:$0x1] =	stream.indirect.gather [hbm4b:s4+s31], $0x80, s9, s31, $0xb8;
	v63 =	vld [tilespmem:$0x0]  }
0x214: {  	_ =	swait.ge [sflag:s8], $0x3E80  }
0x215: {  	[sflag:s8] =	ssyncset.done $0x0  }
0x216: {  	s9 =	simm.s32 $0x2D80;
	[sflag:s8] =	ssyncadd.s32 $0xFFFFC180  }
0x217: {  	[spmem:s1] =	stream.indirect.scatter.add.f32 [tilespmem:s2], [sflag:$0x4], $0x80, s9, s31, $0xb8;
	v63 =	vld [tilespmem:$0x0]  }
0x218: {  	_ =	swait.ge [sflag:s6], $0x3E80  }
0x219: {  	[sflag:s6] =	ssyncset.done $0x0  }
0x21a: {  	s9 =	simm.s32 $0x1680;
	[sflag:s6] =	ssyncadd.s32 $0xFFFFC180  }
0x21b: {  	[tilespmem:s2], [sflag:$0x2] =	stream.indirect.gather [hbm4b:s4+s31], $0x80, s9, s31, $0xb8;
	v63 =	vld [tilespmem:$0x0]  }
0x21c: {  	_ =	swait.ge [sflag:s29], $0x3E80  }
0x21d: {  	[sflag:s29] =	ssyncset.done $0x0  }
0x21e: {  	s9 =	simm.s32 $0x2E00;
	[sflag:s29] =	ssyncadd.s32 $0xFFFFC180  }
0x21f: {  	[spmem:s1] =	stream.indirect.scatter.add.f32 [tilespmem:s0], [sflag:$0x4], $0x80, s9, s31, $0xb8;
	v63 =	vld [tilespmem:$0x0]  }
0x220: {  	_ =	swait.ge [sflag:s6], $0x3E80  }
0x221: {  	[sflag:s6] =	ssyncset.done $0x0  }
0x222: {  	s9 =	simm.s32 $0x1700;
	[sflag:s6] =	ssyncadd.s32 $0xFFFFC180  }
0x223: {  	[tilespmem:s0], [sflag:$0x1] =	stream.indirect.gather [hbm4b:s4+s31], $0x80, s9, s31, $0xb8;
	v63 =	vld [tilespmem:$0x0]  }
0x224: {  	_ =	swait.ge [sflag:s8], $0x3E80  }
0x225: {  	[sflag:s8] =	ssyncset.done $0x0  }
0x226: {  	s9 =	simm.s32 $0x2E80;
	[sflag:s8] =	ssyncadd.s32 $0xFFFFC180  }
0x227: {  	[spmem:s1] =	stream.indirect.scatter.add.f32 [tilespmem:s2], [sflag:$0x4], $0x80, s9, s31, $0xb8;
	v63 =	vld [tilespmem:$0x0]  }
0x228: {  	_ =	swait.ge [sflag:s6], $0x3E80  }
0x229: {  	[sflag:s6] =	ssyncset.done $0x0  }
0x22a: {  	s9 =	simm.s32 $0x1780;
	[sflag:s6] =	ssyncadd.s32 $0xFFFFC180  }
0x22b: {  	[tilespmem:s2], [sflag:$0x2] =	stream.indirect.gather [hbm4b:s4+s31], $0x80, s9, s31, $0xb8;
	v63 =	vld [tilespmem:$0x0]  }
0x22c: {  	_ =	swait.ge [sflag:s29], $0x3E80  }
0x22d: {  	[sflag:s29] =	ssyncset.done $0x0  }
0x22e: {  	s9 =	simm.s32 $0x2F00;
	[sflag:s29] =	ssyncadd.s32 $0xFFFFC180  }
0x22f: {  	[spmem:s1] =	stream.indirect.scatter.add.f32 [tilespmem:s0], [sflag:$0x4], $0x80, s9, s31, $0xb8;
	v63 =	vld [tilespmem:$0x0]  }
0x230: {  	_ =	swait.ge [sflag:s6], $0x3E80  }
0x231: {  	[sflag:s6] =	ssyncset.done $0x0  }
0x232: {  	s9 =	simm.s32 $0x1800;
	[sflag:s6] =	ssyncadd.s32 $0xFFFFC180  }
0x233: {  	[tilespmem:s0], [sflag:$0x1] =	stream.indirect.gather [hbm4b:s4+s31], $0x80, s9, s31, $0xb8;
	v63 =	vld [tilespmem:$0x0]  }
0x234: {  	_ =	swait.ge [sflag:s8], $0x3E80  }
0x235: {  	[sflag:s8] =	ssyncset.done $0x0  }
0x236: {  	[sflag:s8] =	ssyncadd.s32 $0xFFFFC180  }
0x237: {  	[spmem:s1] =	stream.indirect.scatter.add.f32 [tilespmem:s2], [sflag:$0x4], $0x80, s24, s31, $0xb8;
	v63 =	vld [tilespmem:$0x0]  }
0x238: {  	_ =	swait.ge [sflag:s6], $0x3E80  }
0x239: {  	[sflag:s6] =	ssyncset.done $0x0  }
0x23a: {  	s9 =	simm.s32 $0x1880;
	[sflag:s6] =	ssyncadd.s32 $0xFFFFC180  }
0x23b: {  	[tilespmem:s2], [sflag:$0x2] =	stream.indirect.gather [hbm4b:s4+s31], $0x80, s9, s31, $0xb8;
	v63 =	vld [tilespmem:$0x0]  }
0x23c: {  	_ =	swait.ge [sflag:s30], $0x800  }
0x23d: {  	[sflag:s30] =	ssyncset.done $0x0  }
0x23e: {  	s9 =	rddreg [dreg:$0x9];
	[sflag:s30] =	ssyncadd.s32 $0xFFFFF800  }
0x23f: {  	[tilespmem:s7], [sflag:$0x3] =	stream.linear.gather [hbm4b:s9+s3], $0x800, $0x38;
	v63 =	vld [tilespmem:$0x0]  }
0x240: {  	_ =	swait.ge [sflag:s29], $0x3E80  }
0x241: {  	[sflag:s29] =	ssyncset.done $0x0  }
0x242: {  	[sflag:s29] =	ssyncadd.s32 $0xFFFFC180  }
0x243: {  	[spmem:s1] =	stream.indirect.scatter.add.f32 [tilespmem:s0], [sflag:$0x4], $0x80, s26, s31, $0xb8;
	v63 =	vld [tilespmem:$0x0]  }
0x244: {  	_ =	swait.ge [sflag:s6], $0x3E80  }
0x245: {  	[sflag:s6] =	ssyncset.done $0x0  }
0x246: {  	s7 =	simm.s32 $0x1900;
	[sflag:s6] =	ssyncadd.s32 $0xFFFFC180  }
0x247: {  	[tilespmem:s0], [sflag:$0x1] =	stream.indirect.gather [hbm4b:s4+s31], $0x80, s7, s31, $0xb8;
	v63 =	vld [tilespmem:$0x0]  }
0x248: {  	_ =	swait.ge [sflag:s8], $0x3E80  }
0x249: {  	[sflag:s8] =	ssyncset.done $0x0  }
0x24a: {  	[sflag:s8] =	ssyncadd.s32 $0xFFFFC180  }
0x24b: {  	[spmem:s1] =	stream.indirect.scatter.add.f32 [tilespmem:s2], [sflag:$0x4], $0x80, s11, s31, $0xb8;
	v63 =	vld [tilespmem:$0x0]  }
0x24c: {  	_ =	swait.ge [sflag:s6], $0x3E80  }
0x24d: {  	[sflag:s6] =	ssyncset.done $0x0  }
0x24e: {  	s9 =	simm.s32 $0x1980;
	[sflag:s6] =	ssyncadd.s32 $0xFFFFC180  }
0x24f: {  	[tilespmem:s2], [sflag:$0x2] =	stream.indirect.gather [hbm4b:s4+s31], $0x80, s9, s31, $0xb8;
	v63 =	vld [tilespmem:$0x0]  }
0x250: {  	_ =	swait.ge [sflag:s29], $0x3E80  }
0x251: {  	[sflag:s29] =	ssyncset.done $0x0  }
0x252: {  	[sflag:s29] =	ssyncadd.s32 $0xFFFFC180  }
0x253: {  	[spmem:s1] =	stream.indirect.scatter.add.f32 [tilespmem:s0], [sflag:$0x4], $0x80, s5, s31, $0xb8;
	v63 =	vld [tilespmem:$0x0]  }
0x254: {  	_ =	swait.ge [sflag:s6], $0x3E80  }
0x255: {  	[sflag:s6] =	ssyncset.done $0x0  }
0x256: {  	s7 =	simm.s32 $0x1A00;
	[sflag:s6] =	ssyncadd.s32 $0xFFFFC180  }
0x257: {  	[tilespmem:s0], [sflag:$0x1] =	stream.indirect.gather [hbm4b:s4+s31], $0x80, s7, s31, $0xb8;
	v63 =	vld [tilespmem:$0x0]  }
0x258: {  	_ =	swait.ge [sflag:s8], $0x3E80  }
0x259: {  	[sflag:s8] =	ssyncset.done $0x0  }
0x25a: {  	[sflag:s8] =	ssyncadd.s32 $0xFFFFC180  }
0x25b: {  	[spmem:s1] =	stream.indirect.scatter.add.f32 [tilespmem:s2], [sflag:$0x4], $0x80, s10, s31, $0xb8;
	v63 =	vld [tilespmem:$0x0]  }
0x25c: {  	_ =	swait.ge [sflag:s6], $0x3E80  }
0x25d: {  	[sflag:s6] =	ssyncset.done $0x0  }
0x25e: {  	s9 =	simm.s32 $0x1A80;
	[sflag:s6] =	ssyncadd.s32 $0xFFFFC180  }
0x25f: {  	[tilespmem:s2], [sflag:$0x2] =	stream.indirect.gather [hbm4b:s4+s31], $0x80, s9, s31, $0xb8;
	v63 =	vld [tilespmem:$0x0]  }
0x260: {  	_ =	swait.ge [sflag:s29], $0x3E80  }
0x261: {  	[sflag:s29] =	ssyncset.done $0x0  }
0x262: {  	[sflag:s29] =	ssyncadd.s32 $0xFFFFC180  }
0x263: {  	[spmem:s1] =	stream.indirect.scatter.add.f32 [tilespmem:s0], [sflag:$0x4], $0x80, s12, s31, $0xb8;
	v63 =	vld [tilespmem:$0x0]  }
0x264: {  	_ =	swait.ge [sflag:s6], $0x3E80  }
0x265: {  	[sflag:s6] =	ssyncset.done $0x0  }
0x266: {  	s10 =	simm.s32 $0x1B00;
	[sflag:s6] =	ssyncadd.s32 $0xFFFFC180  }
0x267: {  	[tilespmem:s0], [sflag:$0x1] =	stream.indirect.gather [hbm4b:s4+s31], $0x80, s10, s31, $0xb8;
	v63 =	vld [tilespmem:$0x0]  }
0x268: {  	_ =	swait.ge [sflag:s8], $0x3E80  }
0x269: {  	[sflag:s8] =	ssyncset.done $0x0  }
0x26a: {  	[sflag:s8] =	ssyncadd.s32 $0xFFFFC180  }
0x26b: {  	[spmem:s1] =	stream.indirect.scatter.add.f32 [tilespmem:s2], [sflag:$0x4], $0x80, s13, s31, $0xb8;
	v63 =	vld [tilespmem:$0x0]  }
0x26c: {  	_ =	swait.ge [sflag:s6], $0x3E80  }
0x26d: {  	[sflag:s6] =	ssyncset.done $0x0  }
0x26e: {  	s7 =	simm.s32 $0x1B80;
	[sflag:s6] =	ssyncadd.s32 $0xFFFFC180  }
0x26f: {  	[tilespmem:s2], [sflag:$0x2] =	stream.indirect.gather [hbm4b:s4+s31], $0x80, s7, s31, $0xb8;
	v63 =	vld [tilespmem:$0x0]  }
0x270: {  	_ =	swait.ge [sflag:s29], $0x3E80  }
0x271: {  	[sflag:s29] =	ssyncset.done $0x0  }
0x272: {  	[sflag:s29] =	ssyncadd.s32 $0xFFFFC180  }
0x273: {  	[spmem:s1] =	stream.indirect.scatter.add.f32 [tilespmem:s0], [sflag:$0x4], $0x80, s14, s31, $0xb8;
	v63 =	vld [tilespmem:$0x0]  }
0x274: {  	_ =	swait.ge [sflag:s6], $0x3E80  }
0x275: {  	[sflag:s6] =	ssyncset.done $0x0  }
0x276: {  	s9 =	simm.s32 $0x1C00;
	[sflag:s6] =	ssyncadd.s32 $0xFFFFC180  }
0x277: {  	[tilespmem:s0], [sflag:$0x1] =	stream.indirect.gather [hbm4b:s4+s31], $0x80, s9, s31, $0xb8;
	v63 =	vld [tilespmem:$0x0]  }
0x278: {  	_ =	swait.ge [sflag:s8], $0x3E80  }
0x279: {  	[sflag:s8] =	ssyncset.done $0x0  }
0x27a: {  	[sflag:s8] =	ssyncadd.s32 $0xFFFFC180  }
0x27b: {  	[spmem:s1] =	stream.indirect.scatter.add.f32 [tilespmem:s2], [sflag:$0x4], $0x80, s15, s31, $0xb8;
	v63 =	vld [tilespmem:$0x0]  }
0x27c: {  	_ =	swait.ge [sflag:s6], $0x3E80  }
0x27d: {  	[sflag:s6] =	ssyncset.done $0x0  }
0x27e: {  	s10 =	simm.s32 $0x1C80;
	[sflag:s6] =	ssyncadd.s32 $0xFFFFC180  }
0x27f: {  	[tilespmem:s2], [sflag:$0x2] =	stream.indirect.gather [hbm4b:s4+s31], $0x80, s10, s31, $0xb8;
	v63 =	vld [tilespmem:$0x0]  }
0x280: {  	_ =	swait.ge [sflag:s29], $0x3E80  }
0x281: {  	[sflag:s29] =	ssyncset.done $0x0  }
0x282: {  	[sflag:s29] =	ssyncadd.s32 $0xFFFFC180  }
0x283: {  	[spmem:s1] =	stream.indirect.scatter.add.f32 [tilespmem:s0], [sflag:$0x4], $0x80, s16, s31, $0xb8;
	v63 =	vld [tilespmem:$0x0]  }
0x284: {  	_ =	swait.ge [sflag:s6], $0x3E80  }
0x285: {  	[sflag:s6] =	ssyncset.done $0x0  }
0x286: {  	s7 =	simm.s32 $0x1D00;
	[sflag:s6] =	ssyncadd.s32 $0xFFFFC180  }
0x287: {  	[tilespmem:s0], [sflag:$0x1] =	stream.indirect.gather [hbm4b:s4+s31], $0x80, s7, s31, $0xb8;
	v63 =	vld [tilespmem:$0x0]  }
0x288: {  	_ =	swait.ge [sflag:s8], $0x3E80  }
0x289: {  	[sflag:s8] =	ssyncset.done $0x0  }
0x28a: {  	[sflag:s8] =	ssyncadd.s32 $0xFFFFC180  }
0x28b: {  	[spmem:s1] =	stream.indirect.scatter.add.f32 [tilespmem:s2], [sflag:$0x4], $0x80, s17, s31, $0xb8;
	v63 =	vld [tilespmem:$0x0]  }
0x28c: {  	_ =	swait.ge [sflag:s6], $0x3E80  }
0x28d: {  	[sflag:s6] =	ssyncset.done $0x0  }
0x28e: {  	s9 =	simm.s32 $0x1D80;
	[sflag:s6] =	ssyncadd.s32 $0xFFFFC180  }
0x28f: {  	[tilespmem:s2], [sflag:$0x2] =	stream.indirect.gather [hbm4b:s4+s31], $0x80, s9, s31, $0xb8;
	v63 =	vld [tilespmem:$0x0]  }
0x290: {  	_ =	swait.ge [sflag:s29], $0x3E80  }
0x291: {  	[sflag:s29] =	ssyncset.done $0x0  }
0x292: {  	[sflag:s29] =	ssyncadd.s32 $0xFFFFC180  }
0x293: {  	[spmem:s1] =	stream.indirect.scatter.add.f32 [tilespmem:s0], [sflag:$0x4], $0x80, s18, s31, $0xb8;
	v63 =	vld [tilespmem:$0x0]  }
0x294: {  	_ =	swait.ge [sflag:s6], $0x3E80  }
0x295: {  	[sflag:s6] =	ssyncset.done $0x0  }
0x296: {  	s10 =	simm.s32 $0x1E00;
	[sflag:s6] =	ssyncadd.s32 $0xFFFFC180  }
0x297: {  	[tilespmem:s0], [sflag:$0x1] =	stream.indirect.gather [hbm4b:s4+s31], $0x80, s10, s31, $0xb8;
	v63 =	vld [tilespmem:$0x0]  }
0x298: {  	_ =	swait.ge [sflag:s8], $0x3E80  }
0x299: {  	[sflag:s8] =	ssyncset.done $0x0  }
0x29a: {  	[sflag:s8] =	ssyncadd.s32 $0xFFFFC180  }
0x29b: {  	[spmem:s1] =	stream.indirect.scatter.add.f32 [tilespmem:s2], [sflag:$0x4], $0x80, s19, s31, $0xb8;
	v63 =	vld [tilespmem:$0x0]  }
0x29c: {  	_ =	swait.ge [sflag:s6], $0x3E80  }
0x29d: {  	[sflag:s6] =	ssyncset.done $0x0  }
0x29e: {  	s7 =	simm.s32 $0x1E80;
	[sflag:s6] =	ssyncadd.s32 $0xFFFFC180  }
0x29f: {  	[tilespmem:s2], [sflag:$0x2] =	stream.indirect.gather [hbm4b:s4+s31], $0x80, s7, s31, $0xb8;
	v63 =	vld [tilespmem:$0x0]  }
0x2a0: {  	_ =	swait.ge [sflag:s29], $0x3E80  }
0x2a1: {  	[sflag:s29] =	ssyncset.done $0x0  }
0x2a2: {  	[sflag:s29] =	ssyncadd.s32 $0xFFFFC180  }
0x2a3: {  	[spmem:s1] =	stream.indirect.scatter.add.f32 [tilespmem:s0], [sflag:$0x4], $0x80, s20, s31, $0xb8;
	v63 =	vld [tilespmem:$0x0]  }
0x2a4: {  	_ =	swait.ge [sflag:s6], $0x3E80  }
0x2a5: {  	[sflag:s6] =	ssyncset.done $0x0  }
0x2a6: {  	s9 =	simm.s32 $0x1F00;
	[sflag:s6] =	ssyncadd.s32 $0xFFFFC180  }
0x2a7: {  	[tilespmem:s0], [sflag:$0x1] =	stream.indirect.gather [hbm4b:s4+s31], $0x80, s9, s31, $0xb8;
	v63 =	vld [tilespmem:$0x0]  }
0x2a8: {  	_ =	swait.ge [sflag:s8], $0x3E80  }
0x2a9: {  	[sflag:s8] =	ssyncset.done $0x0  }
0x2aa: {  	[sflag:s8] =	ssyncadd.s32 $0xFFFFC180  }
0x2ab: {  	[spmem:s1] =	stream.indirect.scatter.add.f32 [tilespmem:s2], [sflag:$0x4], $0x80, s21, s31, $0xb8;
	v63 =	vld [tilespmem:$0x0]  }
0x2ac: {  	_ =	swait.ge [sflag:s6], $0x3E80  }
0x2ad: {  	[sflag:s6] =	ssyncset.done $0x0  }
0x2ae: {  	s10 =	simm.s32 $0x1F80;
	[sflag:s6] =	ssyncadd.s32 $0xFFFFC180  }
0x2af: {  	[tilespmem:s2], [sflag:$0x2] =	stream.indirect.gather [hbm4b:s4+s31], $0x80, s10, s31, $0xb8;
	v63 =	vld [tilespmem:$0x0]  }
0x2b0: {  	_ =	swait.ge [sflag:s29], $0x3E80  }
0x2b1: {  	[sflag:s29] =	ssyncset.done $0x0  }
0x2b2: {  	[sflag:s29] =	ssyncadd.s32 $0xFFFFC180  }
0x2b3: {  	[spmem:s1] =	stream.indirect.scatter.add.f32 [tilespmem:s0], [sflag:$0x4], $0x80, s22, s31, $0xb8;
	v63 =	vld [tilespmem:$0x0]  }
0x2b4: {  	_ =	swait.ge [sflag:s6], $0x3E80  }
0x2b5: {  	[sflag:s6] =	ssyncset.done $0x0  }
0x2b6: {  	s7 =	simm.s32 $0x2000;
	[sflag:s6] =	ssyncadd.s32 $0xFFFFC180  }
0x2b7: {  	[tilespmem:s0], [sflag:$0x1] =	stream.indirect.gather [hbm4b:s4+s31], $0x80, s7, s31, $0xb8;
	v63 =	vld [tilespmem:$0x0]  }
0x2b8: {  	_ =	swait.ge [sflag:s8], $0x3E80  }
0x2b9: {  	[sflag:s8] =	ssyncset.done $0x0  }
0x2ba: {  	[sflag:s8] =	ssyncadd.s32 $0xFFFFC180  }
0x2bb: {  	[spmem:s1] =	stream.indirect.scatter.add.f32 [tilespmem:s2], [sflag:$0x4], $0x80, s23, s31, $0xb8;
	v63 =	vld [tilespmem:$0x0]  }
0x2bc: {  	_ =	swait.ge [sflag:s6], $0x3E80  }
0x2bd: {  	[sflag:s6] =	ssyncset.done $0x0  }
0x2be: {  	s9 =	simm.s32 $0x2080;
	[sflag:s6] =	ssyncadd.s32 $0xFFFFC180  }
0x2bf: {  	[tilespmem:s2], [sflag:$0x2] =	stream.indirect.gather [hbm4b:s4+s31], $0x80, s9, s31, $0xb8;
	v63 =	vld [tilespmem:$0x0]  }
0x2c0: {  	_ =	swait.ge [sflag:s30], $0x800  }
0x2c1: {  	[sflag:s30] =	ssyncset.done $0x0  }
0x2c2: {  	[sflag:s30] =	ssyncadd.s32 $0xFFFFF800  }
0x2c3: {  	_ =	swait.ge [sflag:s29], $0x3E80  }
0x2c4: {  	[sflag:s29] =	ssyncset.done $0x0  }
0x2c5: {  	s11 =	simm.s32 $0x2800;
	[sflag:s29] =	ssyncadd.s32 $0xFFFFC180  }
0x2c6: {  	[spmem:s1] =	stream.indirect.scatter.add.f32 [tilespmem:s0], [sflag:$0x4], $0x80, s11, s31, $0xb8;
	v63 =	vld [tilespmem:$0x0]  }
0x2c7: {  	_ =	swait.ge [sflag:s6], $0x3E80  }
0x2c8: {  	[sflag:s6] =	ssyncset.done $0x0  }
0x2c9: {  	s10 =	simm.s32 $0x2100;
	[sflag:s6] =	ssyncadd.s32 $0xFFFFC180  }
0x2ca: {  	[tilespmem:s0], [sflag:$0x1] =	stream.indirect.gather [hbm4b:s4+s31], $0x80, s10, s31, $0xb8;
	v63 =	vld [tilespmem:$0x0]  }
0x2cb: {  	_ =	swait.ge [sflag:s8], $0x3E80  }
0x2cc: {  	[sflag:s8] =	ssyncset.done $0x0  }
0x2cd: {  	s7 =	simm.s32 $0x2880;
	[sflag:s8] =	ssyncadd.s32 $0xFFFFC180  }
0x2ce: {  	[spmem:s1] =	stream.indirect.scatter.add.f32 [tilespmem:s2], [sflag:$0x4], $0x80, s7, s31, $0xb8;
	v63 =	vld [tilespmem:$0x0]  }
0x2cf: {  	_ =	swait.ge [sflag:s6], $0x3E80  }
0x2d0: {  	[sflag:s6] =	ssyncset.done $0x0  }
0x2d1: {  	s9 =	simm.s32 $0x2180;
	[sflag:s6] =	ssyncadd.s32 $0xFFFFC180  }
0x2d2: {  	[tilespmem:s2], [sflag:$0x2] =	stream.indirect.gather [hbm4b:s4+s31], $0x80, s9, s31, $0xb8;
	v63 =	vld [tilespmem:$0x0]  }
0x2d3: {  	_ =	swait.ge [sflag:s29], $0x3E80  }
0x2d4: {  	[sflag:s29] =	ssyncset.done $0x0  }
0x2d5: {  	s10 =	simm.s32 $0x2900;
	[sflag:s29] =	ssyncadd.s32 $0xFFFFC180  }
0x2d6: {  	[spmem:s1] =	stream.indirect.scatter.add.f32 [tilespmem:s0], [sflag:$0x4], $0x80, s10, s31, $0xb8;
	v63 =	vld [tilespmem:$0x0]  }
0x2d7: {  	_ =	swait.ge [sflag:s6], $0x3E80  }
0x2d8: {  	[sflag:s6] =	ssyncset.done $0x0  }
0x2d9: {  	s7 =	simm.s32 $0x2200;
	[sflag:s6] =	ssyncadd.s32 $0xFFFFC180  }
0x2da: {  	[tilespmem:s0], [sflag:$0x1] =	stream.indirect.gather [hbm4b:s4+s31], $0x80, s7, s31, $0xb8;
	v63 =	vld [tilespmem:$0x0]  }
0x2db: {  	_ =	swait.ge [sflag:s8], $0x3E80  }
0x2dc: {  	[sflag:s8] =	ssyncset.done $0x0  }
0x2dd: {  	s9 =	simm.s32 $0x2980;
	[sflag:s8] =	ssyncadd.s32 $0xFFFFC180  }
0x2de: {  	[spmem:s1] =	stream.indirect.scatter.add.f32 [tilespmem:s2], [sflag:$0x4], $0x80, s9, s31, $0xb8;
	v63 =	vld [tilespmem:$0x0]  }
0x2df: {  	_ =	swait.ge [sflag:s6], $0x3E80  }
0x2e0: {  	[sflag:s6] =	ssyncset.done $0x0  }
0x2e1: {  	s10 =	simm.s32 $0x2280;
	[sflag:s6] =	ssyncadd.s32 $0xFFFFC180  }
0x2e2: {  	[tilespmem:s2], [sflag:$0x2] =	stream.indirect.gather [hbm4b:s4+s31], $0x80, s10, s31, $0xb8;
	v63 =	vld [tilespmem:$0x0]  }
0x2e3: {  	_ =	swait.ge [sflag:s29], $0x3E80  }
0x2e4: {  	[sflag:s29] =	ssyncset.done $0x0  }
0x2e5: {  	s7 =	simm.s32 $0x2A00;
	[sflag:s29] =	ssyncadd.s32 $0xFFFFC180  }
0x2e6: {  	[spmem:s1] =	stream.indirect.scatter.add.f32 [tilespmem:s0], [sflag:$0x4], $0x80, s7, s31, $0xb8;
	v63 =	vld [tilespmem:$0x0]  }
0x2e7: {  	_ =	swait.ge [sflag:s6], $0x3E80  }
0x2e8: {  	[sflag:s6] =	ssyncset.done $0x0  }
0x2e9: {  	s9 =	simm.s32 $0x2300;
	[sflag:s6] =	ssyncadd.s32 $0xFFFFC180  }
0x2ea: {  	[tilespmem:s0], [sflag:$0x1] =	stream.indirect.gather [hbm4b:s4+s31], $0x80, s9, s31, $0xb8;
	v63 =	vld [tilespmem:$0x0]  }
0x2eb: {  	_ =	swait.ge [sflag:s8], $0x3E80  }
0x2ec: {  	[sflag:s8] =	ssyncset.done $0x0  }
0x2ed: {  	s10 =	simm.s32 $0x2A80;
	[sflag:s8] =	ssyncadd.s32 $0xFFFFC180  }
0x2ee: {  	[spmem:s1] =	stream.indirect.scatter.add.f32 [tilespmem:s2], [sflag:$0x4], $0x80, s10, s31, $0xb8;
	v63 =	vld [tilespmem:$0x0]  }
0x2ef: {  	_ =	swait.ge [sflag:s6], $0x3E80  }
0x2f0: {  	[sflag:s6] =	ssyncset.done $0x0  }
0x2f1: {  	s7 =	simm.s32 $0x2380;
	[sflag:s6] =	ssyncadd.s32 $0xFFFFC180  }
0x2f2: {  	[tilespmem:s2], [sflag:$0x2] =	stream.indirect.gather [hbm4b:s4+s31], $0x80, s7, s31, $0xb8;
	v63 =	vld [tilespmem:$0x0]  }
0x2f3: {  	_ =	swait.ge [sflag:s29], $0x3E80  }
0x2f4: {  	[sflag:s29] =	ssyncset.done $0x0  }
0x2f5: {  	s9 =	simm.s32 $0x2B00;
	[sflag:s29] =	ssyncadd.s32 $0xFFFFC180  }
0x2f6: {  	[spmem:s1] =	stream.indirect.scatter.add.f32 [tilespmem:s0], [sflag:$0x4], $0x80, s9, s31, $0xb8;
	v63 =	vld [tilespmem:$0x0]  }
0x2f7: {  	_ =	swait.ge [sflag:s6], $0x3E80  }
0x2f8: {  	[sflag:s6] =	ssyncset.done $0x0  }
0x2f9: {  	s10 =	simm.s32 $0x2400;
	[sflag:s6] =	ssyncadd.s32 $0xFFFFC180  }
0x2fa: {  	[tilespmem:s0], [sflag:$0x1] =	stream.indirect.gather [hbm4b:s4+s31], $0x80, s10, s31, $0xb8;
	v63 =	vld [tilespmem:$0x0]  }
0x2fb: {  	_ =	swait.ge [sflag:s8], $0x3E80  }
0x2fc: {  	[sflag:s8] =	ssyncset.done $0x0  }
0x2fd: {  	s7 =	simm.s32 $0x2B80;
	[sflag:s8] =	ssyncadd.s32 $0xFFFFC180  }
0x2fe: {  	[spmem:s1] =	stream.indirect.scatter.add.f32 [tilespmem:s2], [sflag:$0x4], $0x80, s7, s31, $0xb8;
	v63 =	vld [tilespmem:$0x0]  }
0x2ff: {  	_ =	swait.ge [sflag:s6], $0x3E80  }
0x300: {  	[sflag:s6] =	ssyncset.done $0x0  }
0x301: {  	s9 =	simm.s32 $0x2480;
	[sflag:s6] =	ssyncadd.s32 $0xFFFFC180  }
0x302: {  	[tilespmem:s2], [sflag:$0x2] =	stream.indirect.gather [hbm4b:s4+s31], $0x80, s9, s31, $0xb8;
	v63 =	vld [tilespmem:$0x0]  }
0x303: {  	_ =	swait.ge [sflag:s29], $0x3E80  }
0x304: {  	[sflag:s29] =	ssyncset.done $0x0  }
0x305: {  	s10 =	simm.s32 $0x2C00;
	[sflag:s29] =	ssyncadd.s32 $0xFFFFC180  }
0x306: {  	[spmem:s1] =	stream.indirect.scatter.add.f32 [tilespmem:s0], [sflag:$0x4], $0x80, s10, s31, $0xb8;
	v63 =	vld [tilespmem:$0x0]  }
0x307: {  	_ =	swait.ge [sflag:s6], $0x3E80  }
0x308: {  	[sflag:s6] =	ssyncset.done $0x0  }
0x309: {  	s7 =	simm.s32 $0x2500;
	[sflag:s6] =	ssyncadd.s32 $0xFFFFC180  }
0x30a: {  	[tilespmem:s0], [sflag:$0x1] =	stream.indirect.gather [hbm4b:s4+s31], $0x80, s7, s31, $0xb8;
	v63 =	vld [tilespmem:$0x0]  }
0x30b: {  	_ =	swait.ge [sflag:s8], $0x3E80  }
0x30c: {  	[sflag:s8] =	ssyncset.done $0x0  }
0x30d: {  	s9 =	simm.s32 $0x2C80;
	[sflag:s8] =	ssyncadd.s32 $0xFFFFC180  }
0x30e: {  	[spmem:s1] =	stream.indirect.scatter.add.f32 [tilespmem:s2], [sflag:$0x4], $0x80, s9, s31, $0xb8;
	v63 =	vld [tilespmem:$0x0]  }
0x30f: {  	_ =	swait.ge [sflag:s6], $0x3E80  }
0x310: {  	[sflag:s6] =	ssyncset.done $0x0  }
0x311: {  	s10 =	simm.s32 $0x2580;
	[sflag:s6] =	ssyncadd.s32 $0xFFFFC180  }
0x312: {  	[tilespmem:s2], [sflag:$0x2] =	stream.indirect.gather [hbm4b:s4+s31], $0x80, s10, s31, $0xb8;
	v63 =	vld [tilespmem:$0x0]  }
0x313: {  	_ =	swait.ge [sflag:s29], $0x3E80  }
0x314: {  	[sflag:s29] =	ssyncset.done $0x0  }
0x315: {  	s7 =	simm.s32 $0x2D00;
	[sflag:s29] =	ssyncadd.s32 $0xFFFFC180  }
0x316: {  	[spmem:s1] =	stream.indirect.scatter.add.f32 [tilespmem:s0], [sflag:$0x4], $0x80, s7, s31, $0xb8;
	v63 =	vld [tilespmem:$0x0]  }
0x317: {  	_ =	swait.ge [sflag:s6], $0x3E80  }
0x318: {  	[sflag:s6] =	ssyncset.done $0x0  }
0x319: {  	s9 =	simm.s32 $0x2600;
	[sflag:s6] =	ssyncadd.s32 $0xFFFFC180  }
0x31a: {  	[tilespmem:s0], [sflag:$0x1] =	stream.indirect.gather [hbm4b:s4+s31], $0x80, s9, s31, $0xb8;
	v63 =	vld [tilespmem:$0x0]  }
0x31b: {  	_ =	swait.ge [sflag:s8], $0x3E80  }
0x31c: {  	[sflag:s8] =	ssyncset.done $0x0  }
0x31d: {  	s10 =	simm.s32 $0x2D80;
	[sflag:s8] =	ssyncadd.s32 $0xFFFFC180  }
0x31e: {  	[spmem:s1] =	stream.indirect.scatter.add.f32 [tilespmem:s2], [sflag:$0x4], $0x80, s10, s31, $0xb8;
	v63 =	vld [tilespmem:$0x0]  }
0x31f: {  	_ =	swait.ge [sflag:s6], $0x3E80  }
0x320: {  	[sflag:s6] =	ssyncset.done $0x0  }
0x321: {  	s7 =	simm.s32 $0x2680;
	[sflag:s6] =	ssyncadd.s32 $0xFFFFC180  }
0x322: {  	[tilespmem:s2], [sflag:$0x2] =	stream.indirect.gather [hbm4b:s4+s31], $0x80, s7, s31, $0xb8;
	v63 =	vld [tilespmem:$0x0]  }
0x323: {  	_ =	swait.ge [sflag:s29], $0x3E80  }
0x324: {  	[sflag:s29] =	ssyncset.done $0x0  }
0x325: {  	s9 =	simm.s32 $0x2E00;
	[sflag:s29] =	ssyncadd.s32 $0xFFFFC180  }
0x326: {  	[spmem:s1] =	stream.indirect.scatter.add.f32 [tilespmem:s0], [sflag:$0x4], $0x80, s9, s31, $0xb8;
	v63 =	vld [tilespmem:$0x0]  }
0x327: {  	_ =	swait.ge [sflag:s6], $0x3E80  }
0x328: {  	[sflag:s6] =	ssyncset.done $0x0  }
0x329: {  	s10 =	simm.s32 $0x2700;
	[sflag:s6] =	ssyncadd.s32 $0xFFFFC180  }
0x32a: {  	[tilespmem:s0], [sflag:$0x1] =	stream.indirect.gather [hbm4b:s4+s31], $0x80, s10, s31, $0xb8;
	v63 =	vld [tilespmem:$0x0]  }
0x32b: {  	_ =	swait.ge [sflag:s8], $0x3E80  }
0x32c: {  	[sflag:s8] =	ssyncset.done $0x0  }
0x32d: {  	s7 =	simm.s32 $0x2E80;
	[sflag:s8] =	ssyncadd.s32 $0xFFFFC180  }
0x32e: {  	[spmem:s1] =	stream.indirect.scatter.add.f32 [tilespmem:s2], [sflag:$0x4], $0x80, s7, s31, $0xb8;
	v63 =	vld [tilespmem:$0x0]  }
0x32f: {  	_ =	swait.ge [sflag:s6], $0x3E80  }
0x330: {  	[sflag:s6] =	ssyncset.done $0x0  }
0x331: {  	s9 =	simm.s32 $0x2780;
	[sflag:s6] =	ssyncadd.s32 $0xFFFFC180  }
0x332: {  	[tilespmem:s2], [sflag:$0x2] =	stream.indirect.gather [hbm4b:s4+s31], $0x80, s9, s31, $0xb8;
	v63 =	vld [tilespmem:$0x0]  }
0x333: {  	_ =	swait.ge [sflag:s29], $0x3E80  }
0x334: {  	[sflag:s29] =	ssyncset.done $0x0  }
0x335: {  	s10 =	simm.s32 $0x2F00;
	[sflag:s29] =	ssyncadd.s32 $0xFFFFC180  }
0x336: {  	[spmem:s1] =	stream.indirect.scatter.add.f32 [tilespmem:s0], [sflag:$0x4], $0x80, s10, s31, $0xb8;
	v63 =	vld [tilespmem:$0x0]  }
0x337: {  	_ =	swait.ge [sflag:s6], $0x3E80  }
0x338: {  	[sflag:s6] =	ssyncset.done $0x0  }
0x339: {  	[sflag:s6] =	ssyncadd.s32 $0xFFFFC180  }
0x33a: {  	_ =	swait.ge [sflag:s8], $0x3E80  }
0x33b: {  	[sflag:s8] =	ssyncset.done $0x0  }
0x33c: {  	[sflag:s8] =	ssyncadd.s32 $0xFFFFC180  }
0x33d: {  	[spmem:s1] =	stream.indirect.scatter.add.f32 [tilespmem:s2], [sflag:$0x4], $0x80, s24, s31, $0xb8;
	v63 =	vld [tilespmem:$0x0]  }
0x33e: {  	_ =	swait.ge [sflag:s6], $0x3E80  }
0x33f: {  	[sflag:s6] =	ssyncset.done $0x0  }
0x340: {  	[sflag:s6] =	ssyncadd.s32 $0xFFFFC180  }
0x341: {  	s7 =	stileid.u32;
	[bflag:$0x0] =	sbarrier.arrive $0xFFFF  }
0x342: {  	s9 =	sshll.u32 s7, $0x6;
	s7 =	sld [smem:$0x7FD];
	_ =	sdelay $0x2  }
0x343: {  	s9 =	sor.u32 $0x1C04, s9;
	s5 =	rddreg [dreg:$0xa];
	s10 =	sshrl.u32 s7, $0x3  }
0x344: {  	[hbm:s5], [sflag:s9] =	dma.local [spmem:s10], $0x2800  }
0x345: {  	_ =	swait.ge [sflag:s6], $0x2800  }
0x346: {  	s25 =	sadd.s32 $0x1, s25;
	s24 =	rddreg [dreg:$0xb]  }
0x347: {  	p0 =	sne.s32 s25, s24  }
.Ltmp2:
0x348: {  	_ = 	snop;
	(pc) =	sbr.rel @p0 .LBB2_1-.Ltmp2, $3  }
0x349: {  	_ =	sdelay $0x1  }
0x34a: {  	[sflag:s6] =	ssyncset.done $0x0  }
0x34b: {  	s3 =	simm.s32 $0x0;
	[sflag:s6] =	ssyncadd.s32 $0xFFFFD800  }
0x34c: {  	_ =	sfence.sel $0x180000  }
0x34d: {  	[bflag:$0x0] =	sbarrier.arrive $0xFFFF  }
0x34e: {  	_ =	strace $0x9000004A  }
0x34f: {  	s0 =	stileid.u32;
	[bflag:$0x2] =	sbarrier.arrive $0xFFFF  }
0x350: {  	p0 =	sne.s32 s0, $0x0;
	s0 =	rddreg [dreg:$0x3]  }
0x351: {  	s0 =	sadd.s32 @!p0 $0x100000, s0  }
0x352: {  	[sflag:s0] =	ssyncadd.tile.s32 @!p0 $0x1;
	_ =	shalt  }
.Lfunc_end2:
_tile_overlayer_lowered:
.L_overlay_start_2:
0x353: {  	(tag) =	ssettag $0x2  }
0x354: {  	s0 =	rddreg [dreg:$0x0];
	s2 =	stileid.u32  }
0x355: {  	s1 =	rddreg [dreg:$0x1];
	p0 =	sne.s32 s2, $0x0  }
0x356: {  	s3 =	rddreg [dreg:$0x2];
	[bflag:$0x3] =	sbarrier.arrive $0xFFFF;
	s2 =	simm.s32 @!p0 $0x1C04  }
0x357: {  	[timem:s3], [sflag:s2] =	dma.local @!p0 [hbm:s0], s1  }
0x358: {  	s0 =	simm.s32 @!p0 $0x4  }
0x359: {  	_ =	swait.ge @!p0 [sflag:s0], s1  }
0x35a: {  	s1 =	ssub.s32 @!p0 $0x0, s1;
	[sflag:s0] =	ssyncset.done @!p0 $0x0  }
0x35b: {  	[sflag:s0] =	ssyncadd.s32 @!p0 s1  }
0x35c: {  	[bflag:$0x3] =	sbarrier.arrive $0xFFFF  }
0x35d: {  	_ =	shalt  }

</sc_bundles>
